<compile_context>
chip_gen: v7x
topology: tpu7x:2x2x1
jax: 0.10.2.dev20260603
libtpu: 0.0.44.dev20260713+nightly
codegen_flags: <defaults>
</compile_context>

<pallas_src>
import jax
import jax.numpy as jnp
from jax import lax
from jax.experimental import pallas as pl
from jax.experimental.pallas import tpu as pltpu
from jax.experimental.pallas import tpu_sc as plsc

EMB_DIM = 32
NUM_CORES = 2
NUM_SUBCORES = 16
NUM_WORKERS = NUM_CORES * NUM_SUBCORES
CHUNK_B = 64
VEC = 16


def _flatten_ids(token_ids):
    B, L = token_ids.shape
    b_per_worker = B // NUM_WORKERS
    n_flat = b_per_worker * L
    mesh = plsc.VectorSubcoreMesh(core_axis_name="core", subcore_axis_name="subcore")

    @pl.kernel(
        out_type=jax.ShapeDtypeStruct((B * L,), jnp.int32),
        mesh=mesh,
        scratch_types=[
            pltpu.VMEM((b_per_worker, L), jnp.int32),
            pltpu.VMEM((n_flat,), jnp.int32),
            pltpu.SemaphoreType.DMA,
        ],
        compiler_params=pltpu.CompilerParams(use_tc_tiling_on_sc=True),
    )
    def flatten_kernel(ids_hbm, out_hbm, ids_v, flat_v, sem):
        wid = lax.axis_index("subcore") * NUM_CORES + lax.axis_index("core")
        b0 = wid * b_per_worker
        pltpu.sync_copy(ids_hbm.at[pl.ds(b0, b_per_worker)], ids_v)

        @pl.loop(0, b_per_worker)
        def _(r):
            @pl.loop(0, L - VEC + 1, step=VEC)
            def _(c):
                flat_v[pl.ds(r * L + c, VEC)] = ids_v[r, pl.ds(c, VEC)]

            rem = L % VEC
            if rem:
                c_last = L - VEC
                flat_v[pl.ds(r * L + c_last, VEC)] = ids_v[r, pl.ds(c_last, VEC)]

        pltpu.sync_copy(flat_v, out_hbm.at[pl.ds(wid * n_flat, n_flat)])

    return flatten_kernel(token_ids)


NUM_PARTS = 8


def kernel(token_ids, W):
    B, L = token_ids.shape
    idx = _flatten_ids(token_ids.astype(jnp.int32))
    chunk = CHUNK_B * L
    b_part = B // NUM_PARTS
    b_per_worker = b_part // NUM_WORKERS
    n_chunks = b_per_worker // CHUNK_B

    mesh = plsc.VectorSubcoreMesh(core_axis_name="core", subcore_axis_name="subcore")

    def make_part(part):
        @pl.kernel(
            out_type=jax.ShapeDtypeStruct((b_part, L, EMB_DIM), W.dtype),
            mesh=mesh,
            scratch_types=[
                pltpu.VMEM((chunk,), jnp.int32),
                pltpu.VMEM((chunk, EMB_DIM), jnp.float32),
                pltpu.SemaphoreType.DMA,
                pltpu.SemaphoreType.DMA,
            ],
            compiler_params=pltpu.CompilerParams(use_tc_tiling_on_sc=False),
        )
        def gather_kernel(w_hbm, i_hbm, o_hbm, idx_v, rows_v, gsem, wsem):
            wid = lax.axis_index("subcore") * NUM_CORES + lax.axis_index("core")
            wb = wid * b_per_worker

            @pl.loop(0, n_chunks)
            def _(c):
                b0 = wb + c * CHUNK_B
                gb = part * b_part + b0
                pltpu.sync_copy(i_hbm.at[pl.ds(gb * L, chunk)], idx_v)
                pltpu.async_copy(w_hbm.at[idx_v], rows_v, gsem).wait()

                @pl.loop(0, CHUNK_B)
                def _(j):
                    pltpu.async_copy(
                        rows_v.at[pl.ds(j * L, L)], o_hbm.at[b0 + j], wsem
                    )

                @pl.loop(0, CHUNK_B)
                def _(j):
                    pltpu.make_async_copy(
                        rows_v.at[pl.ds(j * L, L)], o_hbm.at[b0 + j], wsem
                    ).wait()

        return gather_kernel

    parts = [make_part(q)(W, idx) for q in range(NUM_PARTS)]
    return jnp.concatenate(parts, axis=0)

# --- scband reference (transcript-rebuilt; emitter-appended) ---
"""Pipeline reference for scband-embedding-188978561083 (READ-ONLY COPY).

The authoritative reference and input builder live on the scoring server;
editing this copy changes nothing except your own understanding.
"""

import jax, jax.numpy as jnp
import numpy as np

NUM_EMBEDDINGS = 1000000
EMBEDDING_DIM = 32

def setup_inputs(seed: int = 0) -> dict:
    key = jax.random.key(seed)
    k_idx, k_w = jax.random.split(key)
    token_ids = jax.random.randint(k_idx, (16384, 50), 0, NUM_EMBEDDINGS, dtype=jnp.int64 if jax.config.read('jax_enable_x64') else jnp.int32)
    # truncated normal init, matching nn.init.trunc_normal_(W, mean=0, std=1, a=-3, b=3)
    W = jax.random.truncated_normal(k_w, -3.0, 3.0, (NUM_EMBEDDINGS, EMBEDDING_DIM), dtype=jnp.float32)
    return {"token_ids": token_ids, "W": W}

def reference(token_ids, W):
    # Embedding lookup: W[token_ids] -> [B, L, embedding_dim]
    return jnp.take(W, token_ids, axis=0)

if __name__ == "__main__":
    import jax
    _d = setup_inputs()
    print(jax.jit(kernel)(*tuple(_d.values())))

</pallas_src>

<mosaic_0001>
#map = affine_map<(d0, d1) -> (0, 0)>
#map1 = affine_map<(d0, d1) -> (0)>
#map2 = affine_map<(d0, d1) -> (0, 0, 0)>
module attributes {stable_mosaic.version = 14 : i64} {
  func.func @gather_kernel(%arg0: i32, %arg1: i32, %arg2: memref<1000000x32xf32, #tpu.memory_space<hbm>>, %arg3: memref<819200xi32, #tpu.memory_space<hbm>>, %arg4: memref<2048x50x32xf32, #tpu.memory_space<hbm>>, %arg5: memref<3200xi32, #tpu.memory_space<vmem>>, %arg6: memref<3200x32xf32, #tpu.memory_space<vmem>>, %arg7: memref<!tpu.dma_semaphore, #tpu.memory_space<semaphore_mem>>, %arg8: memref<!tpu.dma_semaphore, #tpu.memory_space<semaphore_mem>>) attributes {dimension_semantics = [#tpu.dimension_semantics<core_parallel>, #tpu.dimension_semantics<subcore_parallel>], iteration_bounds = array<i64: 2, 16>, scalar_prefetch = 0 : i64, scratch_operands = 4 : i64, tpu.core_type = #tpu.core_type<sc_vector_subcore>, window_params = [{transform_indices = #map}, {transform_indices = #map1}, {transform_indices = #map2}]} {
    %mul3A = arith.constant 2 : i32
    %mul3A_0 = arith.muli %arg1, %mul3A : i32
    %add3A = arith.addi %mul3A_0, %arg0 : i32
    %mul3A_1 = arith.constant 64 : i32
    %mul3A_2 = arith.muli %add3A, %mul3A_1 : i32
    %scan3A = arith.constant 0 : i32
    %mul3A_3 = arith.constant 1 : i32
    %mul3A_4 = arith.muli %scan3A, %mul3A_3 : i32
    %add3A_5 = arith.constant 0 : i32
    %add3A_6 = arith.addi %add3A_5, %mul3A_4 : i32
    %mul3A_7 = arith.constant 64 : i32
    %mul3A_8 = arith.muli %add3A_6, %mul3A_7 : i32
    %add3A_9 = arith.addi %mul3A_2, %mul3A_8 : i32
    %add3A_10 = arith.constant 2048 : i32
    %add3A_11 = arith.addi %add3A_10, %add3A_9 : i32
    %mul3A_12 = arith.constant 50 : i32
    %mul3A_13 = arith.muli %add3A_11, %mul3A_12 : i32
    "tpu.region"() ({
      %run_scoped3A = tpu.sem_alloc : memref<!tpu.dma_semaphore, #tpu.memory_space<semaphore_mem>>
      %dma_start3A_29 = tpu.memref_slice %arg3[%mul3A_13] : memref<819200xi32, #tpu.memory_space<hbm>> -> memref<3200xi32, #tpu.memory_space<hbm>>
      %dma_start3A_30 = tpu.memref_slice %arg3[%mul3A_13] : memref<819200xi32, #tpu.memory_space<hbm>> -> memref<3200xi32, #tpu.memory_space<hbm>>
      tpu.enqueue_dma source(%dma_start3A_30 : memref<3200xi32, #tpu.memory_space<hbm>>) target(%arg5 : memref<3200xi32, #tpu.memory_space<vmem>>) target_semaphore(%run_scoped3A : memref<!tpu.dma_semaphore, #tpu.memory_space<semaphore_mem>>)
      %dma_wait3A_31 = tpu.memref_slice %arg3[%mul3A_13] : memref<819200xi32, #tpu.memory_space<hbm>> -> memref<3200xi32, #tpu.memory_space<hbm>>
      %dma_wait3A_32 = tpu.memref_slice %arg3[%mul3A_13] : memref<819200xi32, #tpu.memory_space<hbm>> -> memref<3200xi32, #tpu.memory_space<hbm>>
      tpu.wait_dma2 semaphore(%run_scoped3A : memref<!tpu.dma_semaphore, #tpu.memory_space<semaphore_mem>>) src(%dma_wait3A_32 : memref<3200xi32, #tpu.memory_space<hbm>>) dst(%arg5 : memref<3200xi32, #tpu.memory_space<vmem>>)
      tpu.yield
    }) : () -> ()
    %dma_start3A = arith.constant 0 : i32
    %dma_start3A_14 = arith.constant 0 : i32
    %dma_start3A_15 = tpu.memref_slice %arg2[%dma_start3A, %dma_start3A_14] : memref<1000000x32xf32, #tpu.memory_space<hbm>> -> memref<1000000x32xf32, #tpu.memory_space<hbm>>
    tpu.enqueue_indirect_dma source(%dma_start3A_15 : memref<1000000x32xf32, #tpu.memory_space<hbm>>) target(%arg6 : memref<3200x32xf32, #tpu.memory_space<vmem>>) offsets(%arg5 : memref<3200xi32, #tpu.memory_space<vmem>>) semaphore(%arg7 : memref<!tpu.dma_semaphore, #tpu.memory_space<semaphore_mem>>)
    %dma_wait3A = arith.constant 0 : i32
    %dma_wait3A_16 = arith.constant 0 : i32
    %dma_wait3A_17 = tpu.memref_slice %arg2[%dma_wait3A, %dma_wait3A_16] : memref<1000000x32xf32, #tpu.memory_space<hbm>> -> memref<1000000x32xf32, #tpu.memory_space<hbm>>
    tpu.wait_indirect_dma semaphore(%arg7 : memref<!tpu.dma_semaphore, #tpu.memory_space<semaphore_mem>>) src(%dma_wait3A_17 : memref<1000000x32xf32, #tpu.memory_space<hbm>>) dst(%arg6 : memref<3200x32xf32, #tpu.memory_space<vmem>>)
    %scan3A_18 = arith.constant 0 : i32
    %scan3A_19 = arith.constant 64 : i32
    %scan3A_20 = arith.addi %scan3A_18, %scan3A_19 : i32
    %scan3A_21 = arith.constant 1 : i32
    scf.for %scan3A_29 = %scan3A_18 to %scan3A_20 step %scan3A_21  : i32 {
      %mul3A_30 = arith.constant 1 : i32
      %mul3A_31 = arith.muli %scan3A_29, %mul3A_30 : i32
      %add3A_32 = arith.constant 0 : i32
      %add3A_33 = arith.addi %add3A_32, %mul3A_31 : i32
      %mul3A_34 = arith.constant 50 : i32
      %mul3A_35 = arith.muli %add3A_33, %mul3A_34 : i32
      %add3A_36 = arith.addi %add3A_9, %add3A_33 : i32
      %dma_start3A_37 = arith.constant 0 : i32
      %dma_start3A_38 = tpu.memref_slice %arg6[%mul3A_35, %dma_start3A_37] : memref<3200x32xf32, #tpu.memory_space<vmem>> -> memref<50x32xf32, #tpu.memory_space<vmem>>
      %dma_start3A_39 = arith.constant 0 : i32
      %dma_start3A_40 = arith.constant 0 : i32
      %dma_start3A_41 = tpu.memref_slice %arg4[%add3A_36, %dma_start3A_39, %dma_start3A_40] : memref<2048x50x32xf32, #tpu.memory_space<hbm>> -> memref<1x50x32xf32, #tpu.memory_space<hbm>>
      %dma_start3A_42 = tpu.memref_squeeze %dma_start3A_41 : memref<1x50x32xf32, #tpu.memory_space<hbm>> -> memref<50x32xf32, #tpu.memory_space<hbm>>
      %dma_start3A_43 = arith.constant 0 : i32
      %dma_start3A_44 = arith.constant 0 : i32
      %dma_start3A_45 = tpu.memref_slice %arg4[%add3A_36, %dma_start3A_43, %dma_start3A_44] : memref<2048x50x32xf32, #tpu.memory_space<hbm>> -> memref<1x50x32xf32, #tpu.memory_space<hbm>>
      %dma_start3A_46 = tpu.memref_squeeze %dma_start3A_45 : memref<1x50x32xf32, #tpu.memory_space<hbm>> -> memref<50x32xf32, #tpu.memory_space<hbm>>
      %dma_start3A_47 = arith.constant 0 : i32
      %dma_start3A_48 = tpu.memref_slice %arg6[%mul3A_35, %dma_start3A_47] : memref<3200x32xf32, #tpu.memory_space<vmem>> -> memref<50x32xf32, #tpu.memory_space<vmem>>
      tpu.enqueue_dma source(%dma_start3A_48 : memref<50x32xf32, #tpu.memory_space<vmem>>) target(%dma_start3A_46 : memref<50x32xf32, #tpu.memory_space<hbm>>) target_semaphore(%arg8 : memref<!tpu.dma_semaphore, #tpu.memory_space<semaphore_mem>>)
    }
    %scan3A_22 = arith.constant 64 : i32
    %scan3A_23 = arith.constant 0 : i32
    %scan3A_24 = arith.constant 64 : i32
    %scan3A_25 = arith.addi %scan3A_23, %scan3A_24 : i32
    %scan3A_26 = arith.constant 1 : i32
    scf.for %scan3A_29 = %scan3A_23 to %scan3A_25 step %scan3A_26  : i32 {
      %mul3A_30 = arith.constant 1 : i32
      %mul3A_31 = arith.muli %scan3A_29, %mul3A_30 : i32
      %add3A_32 = arith.constant 0 : i32
      %add3A_33 = arith.addi %add3A_32, %mul3A_31 : i32
      %mul3A_34 = arith.constant 50 : i32
      %mul3A_35 = arith.muli %add3A_33, %mul3A_34 : i32
      %add3A_36 = arith.addi %add3A_9, %add3A_33 : i32
      %dma_wait3A_37 = arith.constant 0 : i32
      %dma_wait3A_38 = tpu.memref_slice %arg6[%mul3A_35, %dma_wait3A_37] : memref<3200x32xf32, #tpu.memory_space<vmem>> -> memref<50x32xf32, #tpu.memory_space<vmem>>
      %dma_wait3A_39 = arith.constant 0 : i32
      %dma_wait3A_40 = arith.constant 0 : i32
      %dma_wait3A_41 = tpu.memref_slice %arg4[%add3A_36, %dma_wait3A_39, %dma_wait3A_40] : memref<2048x50x32xf32, #tpu.memory_space<hbm>> -> memref<1x50x32xf32, #tpu.memory_space<hbm>>
      %dma_wait3A_42 = tpu.memref_squeeze %dma_wait3A_41 : memref<1x50x32xf32, #tpu.memory_space<hbm>> -> memref<50x32xf32, #tpu.memory_space<hbm>>
      %dma_wait3A_43 = arith.constant 0 : i32
      %dma_wait3A_44 = arith.constant 0 : i32
      %dma_wait3A_45 = tpu.memref_slice %arg4[%add3A_36, %dma_wait3A_43, %dma_wait3A_44] : memref<2048x50x32xf32, #tpu.memory_space<hbm>> -> memref<1x50x32xf32, #tpu.memory_space<hbm>>
      %dma_wait3A_46 = tpu.memref_squeeze %dma_wait3A_45 : memref<1x50x32xf32, #tpu.memory_space<hbm>> -> memref<50x32xf32, #tpu.memory_space<hbm>>
      %dma_wait3A_47 = arith.constant 0 : i32
      %dma_wait3A_48 = tpu.memref_slice %arg6[%mul3A_35, %dma_wait3A_47] : memref<3200x32xf32, #tpu.memory_space<vmem>> -> memref<50x32xf32, #tpu.memory_space<vmem>>
      tpu.wait_dma2 semaphore(%arg8 : memref<!tpu.dma_semaphore, #tpu.memory_space<semaphore_mem>>) src(%dma_wait3A_48 : memref<50x32xf32, #tpu.memory_space<vmem>>) dst(%dma_wait3A_46 : memref<50x32xf32, #tpu.memory_space<hbm>>)
    }
    %scan3A_27 = arith.constant 64 : i32
    %scan3A_28 = arith.constant 1 : i32
    return
  }
}

#map = affine_map<(d0, d1) -> (0, 0)>
#map1 = affine_map<(d0, d1) -> (0)>
#map2 = affine_map<(d0, d1) -> (0, 0, 0)>
module attributes {stable_mosaic.version = 14 : i64} {
  func.func @gather_kernel(%arg0: i32, %arg1: i32, %arg2: memref<1000000x32xf32, #tpu.memory_space<hbm>>, %arg3: memref<819200xi32, #tpu.memory_space<hbm>>, %arg4: memref<2048x50x32xf32, #tpu.memory_space<hbm>>, %arg5: memref<3200xi32, #tpu.memory_space<vmem>>, %arg6: memref<3200x32xf32, #tpu.memory_space<vmem>>, %arg7: memref<!tpu.dma_semaphore, #tpu.memory_space<semaphore_mem>>, %arg8: memref<!tpu.dma_semaphore, #tpu.memory_space<semaphore_mem>>) attributes {dimension_semantics = [#tpu.dimension_semantics<core_parallel>, #tpu.dimension_semantics<subcore_parallel>], iteration_bounds = array<i64: 2, 16>, scalar_prefetch = 0 : i64, scratch_operands = 4 : i64, tpu.core_type = #tpu.core_type<sc_vector_subcore>, window_params = [{transform_indices = #map}, {transform_indices = #map1}, {transform_indices = #map2}]} {
    %mul3A = arith.constant 2 : i32
    %mul3A_0 = arith.muli %arg1, %mul3A : i32
    %add3A = arith.addi %mul3A_0, %arg0 : i32
    %mul3A_1 = arith.constant 64 : i32
    %mul3A_2 = arith.muli %add3A, %mul3A_1 : i32
    %scan3A = arith.constant 0 : i32
    %mul3A_3 = arith.constant 1 : i32
    %mul3A_4 = arith.muli %scan3A, %mul3A_3 : i32
    %add3A_5 = arith.constant 0 : i32
    %add3A_6 = arith.addi %add3A_5, %mul3A_4 : i32
    %mul3A_7 = arith.constant 64 : i32
    %mul3A_8 = arith.muli %add3A_6, %mul3A_7 : i32
    %add3A_9 = arith.addi %mul3A_2, %mul3A_8 : i32
    %add3A_10 = arith.constant 4096 : i32
    %add3A_11 = arith.addi %add3A_10, %add3A_9 : i32
    %mul3A_12 = arith.constant 50 : i32
    %mul3A_13 = arith.muli %add3A_11, %mul3A_12 : i32
    "tpu.region"() ({
      %run_scoped3A = tpu.sem_alloc : memref<!tpu.dma_semaphore, #tpu.memory_space<semaphore_mem>>
      %dma_start3A_29 = tpu.memref_slice %arg3[%mul3A_13] : memref<819200xi32, #tpu.memory_space<hbm>> -> memref<3200xi32, #tpu.memory_space<hbm>>
      %dma_start3A_30 = tpu.memref_slice %arg3[%mul3A_13] : memref<819200xi32, #tpu.memory_space<hbm>> -> memref<3200xi32, #tpu.memory_space<hbm>>
      tpu.enqueue_dma source(%dma_start3A_30 : memref<3200xi32, #tpu.memory_space<hbm>>) target(%arg5 : memref<3200xi32, #tpu.memory_space<vmem>>) target_semaphore(%run_scoped3A : memref<!tpu.dma_semaphore, #tpu.memory_space<semaphore_mem>>)
      %dma_wait3A_31 = tpu.memref_slice %arg3[%mul3A_13] : memref<819200xi32, #tpu.memory_space<hbm>> -> memref<3200xi32, #tpu.memory_space<hbm>>
      %dma_wait3A_32 = tpu.memref_slice %arg3[%mul3A_13] : memref<819200xi32, #tpu.memory_space<hbm>> -> memref<3200xi32, #tpu.memory_space<hbm>>
      tpu.wait_dma2 semaphore(%run_scoped3A : memref<!tpu.dma_semaphore, #tpu.memory_space<semaphore_mem>>) src(%dma_wait3A_32 : memref<3200xi32, #tpu.memory_space<hbm>>) dst(%arg5 : memref<3200xi32, #tpu.memory_space<vmem>>)
      tpu.yield
    }) : () -> ()
    %dma_start3A = arith.constant 0 : i32
    %dma_start3A_14 = arith.constant 0 : i32
    %dma_start3A_15 = tpu.memref_slice %arg2[%dma_start3A, %dma_start3A_14] : memref<1000000x32xf32, #tpu.memory_space<hbm>> -> memref<1000000x32xf32, #tpu.memory_space<hbm>>
    tpu.enqueue_indirect_dma source(%dma_start3A_15 : memref<1000000x32xf32, #tpu.memory_space<hbm>>) target(%arg6 : memref<3200x32xf32, #tpu.memory_space<vmem>>) offsets(%arg5 : memref<3200xi32, #tpu.memory_space<vmem>>) semaphore(%arg7 : memref<!tpu.dma_semaphore, #tpu.memory_space<semaphore_mem>>)
    %dma_wait3A = arith.constant 0 : i32
    %dma_wait3A_16 = arith.constant 0 : i32
    %dma_wait3A_17 = tpu.memref_slice %arg2[%dma_wait3A, %dma_wait3A_16] : memref<1000000x32xf32, #tpu.memory_space<hbm>> -> memref<1000000x32xf32, #tpu.memory_space<hbm>>
    tpu.wait_indirect_dma semaphore(%arg7 : memref<!tpu.dma_semaphore, #tpu.memory_space<semaphore_mem>>) src(%dma_wait3A_17 : memref<1000000x32xf32, #tpu.memory_space<hbm>>) dst(%arg6 : memref<3200x32xf32, #tpu.memory_space<vmem>>)
    %scan3A_18 = arith.constant 0 : i32
    %scan3A_19 = arith.constant 64 : i32
    %scan3A_20 = arith.addi %scan3A_18, %scan3A_19 : i32
    %scan3A_21 = arith.constant 1 : i32
    scf.for %scan3A_29 = %scan3A_18 to %scan3A_20 step %scan3A_21  : i32 {
      %mul3A_30 = arith.constant 1 : i32
      %mul3A_31 = arith.muli %scan3A_29, %mul3A_30 : i32
      %add3A_32 = arith.constant 0 : i32
      %add3A_33 = arith.addi %add3A_32, %mul3A_31 : i32
      %mul3A_34 = arith.constant 50 : i32
      %mul3A_35 = arith.muli %add3A_33, %mul3A_34 : i32
      %add3A_36 = arith.addi %add3A_9, %add3A_33 : i32
      %dma_start3A_37 = arith.constant 0 : i32
      %dma_start3A_38 = tpu.memref_slice %arg6[%mul3A_35, %dma_start3A_37] : memref<3200x32xf32, #tpu.memory_space<vmem>> -> memref<50x32xf32, #tpu.memory_space<vmem>>
      %dma_start3A_39 = arith.constant 0 : i32
      %dma_start3A_40 = arith.constant 0 : i32
      %dma_start3A_41 = tpu.memref_slice %arg4[%add3A_36, %dma_start3A_39, %dma_start3A_40] : memref<2048x50x32xf32, #tpu.memory_space<hbm>> -> memref<1x50x32xf32, #tpu.memory_space<hbm>>
      %dma_start3A_42 = tpu.memref_squeeze %dma_start3A_41 : memref<1x50x32xf32, #tpu.memory_space<hbm>> -> memref<50x32xf32, #tpu.memory_space<hbm>>
      %dma_start3A_43 = arith.constant 0 : i32
      %dma_start3A_44 = arith.constant 0 : i32
      %dma_start3A_45 = tpu.memref_slice %arg4[%add3A_36, %dma_start3A_43, %dma_start3A_44] : memref<2048x50x32xf32, #tpu.memory_space<hbm>> -> memref<1x50x32xf32, #tpu.memory_space<hbm>>
      %dma_start3A_46 = tpu.memref_squeeze %dma_start3A_45 : memref<1x50x32xf32, #tpu.memory_space<hbm>> -> memref<50x32xf32, #tpu.memory_space<hbm>>
      %dma_start3A_47 = arith.constant 0 : i32
      %dma_start3A_48 = tpu.memref_slice %arg6[%mul3A_35, %dma_start3A_47] : memref<3200x32xf32, #tpu.memory_space<vmem>> -> memref<50x32xf32, #tpu.memory_space<vmem>>
      tpu.enqueue_dma source(%dma_start3A_48 : memref<50x32xf32, #tpu.memory_space<vmem>>) target(%dma_start3A_46 : memref<50x32xf32, #tpu.memory_space<hbm>>) target_semaphore(%arg8 : memref<!tpu.dma_semaphore, #tpu.memory_space<semaphore_mem>>)
    }
    %scan3A_22 = arith.constant 64 : i32
    %scan3A_23 = arith.constant 0 : i32
    %scan3A_24 = arith.constant 64 : i32
    %scan3A_25 = arith.addi %scan3A_23, %scan3A_24 : i32
    %scan3A_26 = arith.constant 1 : i32
    scf.for %scan3A_29 = %scan3A_23 to %scan3A_25 step %scan3A_26  : i32 {
      %mul3A_30 = arith.constant 1 : i32
      %mul3A_31 = arith.muli %scan3A_29, %mul3A_30 : i32
      %add3A_32 = arith.constant 0 : i32
      %add3A_33 = arith.addi %add3A_32, %mul3A_31 : i32
      %mul3A_34 = arith.constant 50 : i32
      %mul3A_35 = arith.muli %add3A_33, %mul3A_34 : i32
      %add3A_36 = arith.addi %add3A_9, %add3A_33 : i32
      %dma_wait3A_37 = arith.constant 0 : i32
      %dma_wait3A_38 = tpu.memref_slice %arg6[%mul3A_35, %dma_wait3A_37] : memref<3200x32xf32, #tpu.memory_space<vmem>> -> memref<50x32xf32, #tpu.memory_space<vmem>>
      %dma_wait3A_39 = arith.constant 0 : i32
      %dma_wait3A_40 = arith.constant 0 : i32
      %dma_wait3A_41 = tpu.memref_slice %arg4[%add3A_36, %dma_wait3A_39, %dma_wait3A_40] : memref<2048x50x32xf32, #tpu.memory_space<hbm>> -> memref<1x50x32xf32, #tpu.memory_space<hbm>>
      %dma_wait3A_42 = tpu.memref_squeeze %dma_wait3A_41 : memref<1x50x32xf32, #tpu.memory_space<hbm>> -> memref<50x32xf32, #tpu.memory_space<hbm>>
      %dma_wait3A_43 = arith.constant 0 : i32
      %dma_wait3A_44 = arith.constant 0 : i32
      %dma_wait3A_45 = tpu.memref_slice %arg4[%add3A_36, %dma_wait3A_43, %dma_wait3A_44] : memref<2048x50x32xf32, #tpu.memory_space<hbm>> -> memref<1x50x32xf32, #tpu.memory_space<hbm>>
      %dma_wait3A_46 = tpu.memref_squeeze %dma_wait3A_45 : memref<1x50x32xf32, #tpu.memory_space<hbm>> -> memref<50x32xf32, #tpu.memory_space<hbm>>
      %dma_wait3A_47 = arith.constant 0 : i32
      %dma_wait3A_48 = tpu.memref_slice %arg6[%mul3A_35, %dma_wait3A_47] : memref<3200x32xf32, #tpu.memory_space<vmem>> -> memref<50x32xf32, #tpu.memory_space<vmem>>
      tpu.wait_dma2 semaphore(%arg8 : memref<!tpu.dma_semaphore, #tpu.memory_space<semaphore_mem>>) src(%dma_wait3A_48 : memref<50x32xf32, #tpu.memory_space<vmem>>) dst(%dma_wait3A_46 : memref<50x32xf32, #tpu.memory_space<hbm>>)
    }
    %scan3A_27 = arith.constant 64 : i32
    %scan3A_28 = arith.constant 1 : i32
    return
  }
}

#map = affine_map<(d0, d1) -> (0, 0)>
#map1 = affine_map<(d0, d1) -> (0)>
module attributes {stable_mosaic.version = 14 : i64} {
  func.func @flatten_kernel(%arg0: i32, %arg1: i32, %arg2: memref<16384x50xi32, #tpu.memory_space<hbm>>, %arg3: memref<819200xi32, #tpu.memory_space<hbm>>, %arg4: memref<512x50xi32, #tpu.memory_space<vmem>>, %arg5: memref<25600xi32, #tpu.memory_space<vmem>>, %arg6: memref<!tpu.dma_semaphore, #tpu.memory_space<semaphore_mem>>) attributes {dimension_semantics = [#tpu.dimension_semantics<core_parallel>, #tpu.dimension_semantics<subcore_parallel>], iteration_bounds = array<i64: 2, 16>, scalar_prefetch = 0 : i64, scratch_operands = 3 : i64, tpu.core_type = #tpu.core_type<sc_vector_subcore>, window_params = [{transform_indices = #map}, {transform_indices = #map1}]} {
    %mul3A = arith.constant 2 : i32
    %mul3A_0 = arith.muli %arg1, %mul3A : i32
    %add3A = arith.addi %mul3A_0, %arg0 : i32
    %mul3A_1 = arith.constant 512 : i32
    %mul3A_2 = arith.muli %add3A, %mul3A_1 : i32
    "tpu.region"() ({
      %run_scoped3A = tpu.sem_alloc : memref<!tpu.dma_semaphore, #tpu.memory_space<semaphore_mem>>
      %dma_start3A = arith.constant 0 : i32
      %dma_start3A_9 = tpu.memref_slice %arg2[%mul3A_2, %dma_start3A] : memref<16384x50xi32, #tpu.memory_space<hbm>> -> memref<512x50xi32, #tpu.memory_space<hbm>>
      %dma_start3A_10 = arith.constant 0 : i32
      %dma_start3A_11 = tpu.memref_slice %arg2[%mul3A_2, %dma_start3A_10] : memref<16384x50xi32, #tpu.memory_space<hbm>> -> memref<512x50xi32, #tpu.memory_space<hbm>>
      tpu.enqueue_dma source(%dma_start3A_11 : memref<512x50xi32, #tpu.memory_space<hbm>>) target(%arg4 : memref<512x50xi32, #tpu.memory_space<vmem>>) target_semaphore(%run_scoped3A : memref<!tpu.dma_semaphore, #tpu.memory_space<semaphore_mem>>)
      %dma_wait3A = arith.constant 0 : i32
      %dma_wait3A_12 = tpu.memref_slice %arg2[%mul3A_2, %dma_wait3A] : memref<16384x50xi32, #tpu.memory_space<hbm>> -> memref<512x50xi32, #tpu.memory_space<hbm>>
      %dma_wait3A_13 = arith.constant 0 : i32
      %dma_wait3A_14 = tpu.memref_slice %arg2[%mul3A_2, %dma_wait3A_13] : memref<16384x50xi32, #tpu.memory_space<hbm>> -> memref<512x50xi32, #tpu.memory_space<hbm>>
      tpu.wait_dma2 semaphore(%run_scoped3A : memref<!tpu.dma_semaphore, #tpu.memory_space<semaphore_mem>>) src(%dma_wait3A_14 : memref<512x50xi32, #tpu.memory_space<hbm>>) dst(%arg4 : memref<512x50xi32, #tpu.memory_space<vmem>>)
      tpu.yield
    }) : () -> ()
    %scan3A = arith.constant 0 : i32
    %scan3A_3 = arith.constant 512 : i32
    %scan3A_4 = arith.addi %scan3A, %scan3A_3 : i32
    %scan3A_5 = arith.constant 1 : i32
    scf.for %scan3A_9 = %scan3A to %scan3A_4 step %scan3A_5  : i32 {
      %mul3A_10 = arith.constant 1 : i32
      %mul3A_11 = arith.muli %scan3A_9, %mul3A_10 : i32
      %add3A_12 = arith.constant 0 : i32
      %add3A_13 = arith.addi %add3A_12, %mul3A_11 : i32
      %scan3A_14 = arith.constant 0 : i32
      %scan3A_15 = arith.constant 3 : i32
      %scan3A_16 = arith.addi %scan3A_14, %scan3A_15 : i32
      %scan3A_17 = arith.constant 1 : i32
      scf.for %scan3A_29 = %scan3A_14 to %scan3A_16 step %scan3A_17  : i32 {
        %mul3A_30 = arith.constant 16 : i32
        %mul3A_31 = arith.muli %scan3A_29, %mul3A_30 : i32
        %add3A_32 = arith.constant 0 : i32
        %add3A_33 = arith.addi %add3A_32, %mul3A_31 : i32
        %get3A_34 = arith.index_cast %add3A_13 : i32 to index
        %get3A_35 = arith.index_cast %add3A_33 : i32 to index
        %get3A_36 = tpu.vector_load %arg4[%get3A_34, %get3A_35] {strides = array<i32>} : memref<512x50xi32, #tpu.memory_space<vmem>>, vector<1x16xi32>,
        %get3A_37 = vector.shape_cast %get3A_36 : vector<1x16xi32> to vector<16xi32>
        %mul3A_38 = arith.constant 50 : i32
        %mul3A_39 = arith.muli %add3A_13, %mul3A_38 : i32
        %add3A_40 = arith.addi %mul3A_39, %add3A_33 : i32
        %swap3A_41 = arith.index_cast %add3A_40 : i32 to index
        %swap3A_42 = tpu.vector_load %arg5[%swap3A_41] {strides = array<i32>} : memref<25600xi32, #tpu.memory_space<vmem>>, vector<16xi32>,
        %swap3A_43 = vector.shape_cast %swap3A_42 : vector<16xi32> to vector<16xi32>
        %swap3A_44 = vector.shape_cast %get3A_37 : vector<16xi32> to vector<16xi32>
        tpu.vector_store %arg5[%swap3A_41], %swap3A_44 {strides = array<i32>} : memref<25600xi32, #tpu.memory_space<vmem>>, vector<16xi32>,
      }
      %scan3A_18 = arith.constant 3 : i32
      %get3A = arith.index_cast %add3A_13 : i32 to index
      %get3A_19 = arith.constant 34 : index
      %get3A_20 = tpu.vector_load %arg4[%get3A, %get3A_19] {strides = array<i32>} : memref<512x50xi32, #tpu.memory_space<vmem>>, vector<1x16xi32>,
      %get3A_21 = vector.shape_cast %get3A_20 : vector<1x16xi32> to vector<16xi32>
      %mul3A_22 = arith.constant 50 : i32
      %mul3A_23 = arith.muli %add3A_13, %mul3A_22 : i32
      %add3A_24 = arith.constant 34 : i32
      %add3A_25 = arith.addi %mul3A_23, %add3A_24 : i32
      %swap3A = arith.index_cast %add3A_25 : i32 to index
      %swap3A_26 = tpu.vector_load %arg5[%swap3A] {strides = array<i32>} : memref<25600xi32, #tpu.memory_space<vmem>>, vector<16xi32>,
      %swap3A_27 = vector.shape_cast %swap3A_26 : vector<16xi32> to vector<16xi32>
      %swap3A_28 = vector.shape_cast %get3A_21 : vector<16xi32> to vector<16xi32>
      tpu.vector_store %arg5[%swap3A], %swap3A_28 {strides = array<i32>} : memref<25600xi32, #tpu.memory_space<vmem>>, vector<16xi32>,
    }
    %scan3A_6 = arith.constant 512 : i32
    %mul3A_7 = arith.constant 25600 : i32
    %mul3A_8 = arith.muli %add3A, %mul3A_7 : i32
    "tpu.region"() ({
      %run_scoped3A = tpu.sem_alloc : memref<!tpu.dma_semaphore, #tpu.memory_space<semaphore_mem>>
      %dma_start3A = tpu.memref_slice %arg3[%mul3A_8] : memref<819200xi32, #tpu.memory_space<hbm>> -> memref<25600xi32, #tpu.memory_space<hbm>>
      %dma_start3A_9 = tpu.memref_slice %arg3[%mul3A_8] : memref<819200xi32, #tpu.memory_space<hbm>> -> memref<25600xi32, #tpu.memory_space<hbm>>
      tpu.enqueue_dma source(%arg5 : memref<25600xi32, #tpu.memory_space<vmem>>) target(%dma_start3A_9 : memref<25600xi32, #tpu.memory_space<hbm>>) target_semaphore(%run_scoped3A : memref<!tpu.dma_semaphore, #tpu.memory_space<semaphore_mem>>)
      %dma_wait3A = tpu.memref_slice %arg3[%mul3A_8] : memref<819200xi32, #tpu.memory_space<hbm>> -> memref<25600xi32, #tpu.memory_space<hbm>>
      %dma_wait3A_10 = tpu.memref_slice %arg3[%mul3A_8] : memref<819200xi32, #tpu.memory_space<hbm>> -> memref<25600xi32, #tpu.memory_space<hbm>>
      tpu.wait_dma2 semaphore(%run_scoped3A : memref<!tpu.dma_semaphore, #tpu.memory_space<semaphore_mem>>) src(%arg5 : memref<25600xi32, #tpu.memory_space<vmem>>) dst(%dma_wait3A_10 : memref<25600xi32, #tpu.memory_space<hbm>>)
      tpu.yield
    }) : () -> ()
    return
  }
}

#map = affine_map<(d0, d1) -> (0, 0)>
#map1 = affine_map<(d0, d1) -> (0)>
#map2 = affine_map<(d0, d1) -> (0, 0, 0)>
module attributes {stable_mosaic.version = 14 : i64} {
  func.func @gather_kernel(%arg0: i32, %arg1: i32, %arg2: memref<1000000x32xf32, #tpu.memory_space<hbm>>, %arg3: memref<819200xi32, #tpu.memory_space<hbm>>, %arg4: memref<2048x50x32xf32, #tpu.memory_space<hbm>>, %arg5: memref<3200xi32, #tpu.memory_space<vmem>>, %arg6: memref<3200x32xf32, #tpu.memory_space<vmem>>, %arg7: memref<!tpu.dma_semaphore, #tpu.memory_space<semaphore_mem>>, %arg8: memref<!tpu.dma_semaphore, #tpu.memory_space<semaphore_mem>>) attributes {dimension_semantics = [#tpu.dimension_semantics<core_parallel>, #tpu.dimension_semantics<subcore_parallel>], iteration_bounds = array<i64: 2, 16>, scalar_prefetch = 0 : i64, scratch_operands = 4 : i64, tpu.core_type = #tpu.core_type<sc_vector_subcore>, window_params = [{transform_indices = #map}, {transform_indices = #map1}, {transform_indices = #map2}]} {
    %mul3A = arith.constant 2 : i32
    %mul3A_0 = arith.muli %arg1, %mul3A : i32
    %add3A = arith.addi %mul3A_0, %arg0 : i32
    %mul3A_1 = arith.constant 64 : i32
    %mul3A_2 = arith.muli %add3A, %mul3A_1 : i32
    %scan3A = arith.constant 0 : i32
    %mul3A_3 = arith.constant 1 : i32
    %mul3A_4 = arith.muli %scan3A, %mul3A_3 : i32
    %add3A_5 = arith.constant 0 : i32
    %add3A_6 = arith.addi %add3A_5, %mul3A_4 : i32
    %mul3A_7 = arith.constant 64 : i32
    %mul3A_8 = arith.muli %add3A_6, %mul3A_7 : i32
    %add3A_9 = arith.addi %mul3A_2, %mul3A_8 : i32
    %add3A_10 = arith.constant 0 : i32
    %add3A_11 = arith.addi %add3A_10, %add3A_9 : i32
    %mul3A_12 = arith.constant 50 : i32
    %mul3A_13 = arith.muli %add3A_11, %mul3A_12 : i32
    "tpu.region"() ({
      %run_scoped3A = tpu.sem_alloc : memref<!tpu.dma_semaphore, #tpu.memory_space<semaphore_mem>>
      %dma_start3A_29 = tpu.memref_slice %arg3[%mul3A_13] : memref<819200xi32, #tpu.memory_space<hbm>> -> memref<3200xi32, #tpu.memory_space<hbm>>
      %dma_start3A_30 = tpu.memref_slice %arg3[%mul3A_13] : memref<819200xi32, #tpu.memory_space<hbm>> -> memref<3200xi32, #tpu.memory_space<hbm>>
      tpu.enqueue_dma source(%dma_start3A_30 : memref<3200xi32, #tpu.memory_space<hbm>>) target(%arg5 : memref<3200xi32, #tpu.memory_space<vmem>>) target_semaphore(%run_scoped3A : memref<!tpu.dma_semaphore, #tpu.memory_space<semaphore_mem>>)
      %dma_wait3A_31 = tpu.memref_slice %arg3[%mul3A_13] : memref<819200xi32, #tpu.memory_space<hbm>> -> memref<3200xi32, #tpu.memory_space<hbm>>
      %dma_wait3A_32 = tpu.memref_slice %arg3[%mul3A_13] : memref<819200xi32, #tpu.memory_space<hbm>> -> memref<3200xi32, #tpu.memory_space<hbm>>
      tpu.wait_dma2 semaphore(%run_scoped3A : memref<!tpu.dma_semaphore, #tpu.memory_space<semaphore_mem>>) src(%dma_wait3A_32 : memref<3200xi32, #tpu.memory_space<hbm>>) dst(%arg5 : memref<3200xi32, #tpu.memory_space<vmem>>)
      tpu.yield
    }) : () -> ()
    %dma_start3A = arith.constant 0 : i32
    %dma_start3A_14 = arith.constant 0 : i32
    %dma_start3A_15 = tpu.memref_slice %arg2[%dma_start3A, %dma_start3A_14] : memref<1000000x32xf32, #tpu.memory_space<hbm>> -> memref<1000000x32xf32, #tpu.memory_space<hbm>>
    tpu.enqueue_indirect_dma source(%dma_start3A_15 : memref<1000000x32xf32, #tpu.memory_space<hbm>>) target(%arg6 : memref<3200x32xf32, #tpu.memory_space<vmem>>) offsets(%arg5 : memref<3200xi32, #tpu.memory_space<vmem>>) semaphore(%arg7 : memref<!tpu.dma_semaphore, #tpu.memory_space<semaphore_mem>>)
    %dma_wait3A = arith.constant 0 : i32
    %dma_wait3A_16 = arith.constant 0 : i32
    %dma_wait3A_17 = tpu.memref_slice %arg2[%dma_wait3A, %dma_wait3A_16] : memref<1000000x32xf32, #tpu.memory_space<hbm>> -> memref<1000000x32xf32, #tpu.memory_space<hbm>>
    tpu.wait_indirect_dma semaphore(%arg7 : memref<!tpu.dma_semaphore, #tpu.memory_space<semaphore_mem>>) src(%dma_wait3A_17 : memref<1000000x32xf32, #tpu.memory_space<hbm>>) dst(%arg6 : memref<3200x32xf32, #tpu.memory_space<vmem>>)
    %scan3A_18 = arith.constant 0 : i32
    %scan3A_19 = arith.constant 64 : i32
    %scan3A_20 = arith.addi %scan3A_18, %scan3A_19 : i32
    %scan3A_21 = arith.constant 1 : i32
    scf.for %scan3A_29 = %scan3A_18 to %scan3A_20 step %scan3A_21  : i32 {
      %mul3A_30 = arith.constant 1 : i32
      %mul3A_31 = arith.muli %scan3A_29, %mul3A_30 : i32
      %add3A_32 = arith.constant 0 : i32
      %add3A_33 = arith.addi %add3A_32, %mul3A_31 : i32
      %mul3A_34 = arith.constant 50 : i32
      %mul3A_35 = arith.muli %add3A_33, %mul3A_34 : i32
      %add3A_36 = arith.addi %add3A_9, %add3A_33 : i32
      %dma_start3A_37 = arith.constant 0 : i32
      %dma_start3A_38 = tpu.memref_slice %arg6[%mul3A_35, %dma_start3A_37] : memref<3200x32xf32, #tpu.memory_space<vmem>> -> memref<50x32xf32, #tpu.memory_space<vmem>>
      %dma_start3A_39 = arith.constant 0 : i32
      %dma_start3A_40 = arith.constant 0 : i32
      %dma_start3A_41 = tpu.memref_slice %arg4[%add3A_36, %dma_start3A_39, %dma_start3A_40] : memref<2048x50x32xf32, #tpu.memory_space<hbm>> -> memref<1x50x32xf32, #tpu.memory_space<hbm>>
      %dma_start3A_42 = tpu.memref_squeeze %dma_start3A_41 : memref<1x50x32xf32, #tpu.memory_space<hbm>> -> memref<50x32xf32, #tpu.memory_space<hbm>>
      %dma_start3A_43 = arith.constant 0 : i32
      %dma_start3A_44 = arith.constant 0 : i32
      %dma_start3A_45 = tpu.memref_slice %arg4[%add3A_36, %dma_start3A_43, %dma_start3A_44] : memref<2048x50x32xf32, #tpu.memory_space<hbm>> -> memref<1x50x32xf32, #tpu.memory_space<hbm>>
      %dma_start3A_46 = tpu.memref_squeeze %dma_start3A_45 : memref<1x50x32xf32, #tpu.memory_space<hbm>> -> memref<50x32xf32, #tpu.memory_space<hbm>>
      %dma_start3A_47 = arith.constant 0 : i32
      %dma_start3A_48 = tpu.memref_slice %arg6[%mul3A_35, %dma_start3A_47] : memref<3200x32xf32, #tpu.memory_space<vmem>> -> memref<50x32xf32, #tpu.memory_space<vmem>>
      tpu.enqueue_dma source(%dma_start3A_48 : memref<50x32xf32, #tpu.memory_space<vmem>>) target(%dma_start3A_46 : memref<50x32xf32, #tpu.memory_space<hbm>>) target_semaphore(%arg8 : memref<!tpu.dma_semaphore, #tpu.memory_space<semaphore_mem>>)
    }
    %scan3A_22 = arith.constant 64 : i32
    %scan3A_23 = arith.constant 0 : i32
    %scan3A_24 = arith.constant 64 : i32
    %scan3A_25 = arith.addi %scan3A_23, %scan3A_24 : i32
    %scan3A_26 = arith.constant 1 : i32
    scf.for %scan3A_29 = %scan3A_23 to %scan3A_25 step %scan3A_26  : i32 {
      %mul3A_30 = arith.constant 1 : i32
      %mul3A_31 = arith.muli %scan3A_29, %mul3A_30 : i32
      %add3A_32 = arith.constant 0 : i32
      %add3A_33 = arith.addi %add3A_32, %mul3A_31 : i32
      %mul3A_34 = arith.constant 50 : i32
      %mul3A_35 = arith.muli %add3A_33, %mul3A_34 : i32
      %add3A_36 = arith.addi %add3A_9, %add3A_33 : i32
      %dma_wait3A_37 = arith.constant 0 : i32
      %dma_wait3A_38 = tpu.memref_slice %arg6[%mul3A_35, %dma_wait3A_37] : memref<3200x32xf32, #tpu.memory_space<vmem>> -> memref<50x32xf32, #tpu.memory_space<vmem>>
      %dma_wait3A_39 = arith.constant 0 : i32
      %dma_wait3A_40 = arith.constant 0 : i32
      %dma_wait3A_41 = tpu.memref_slice %arg4[%add3A_36, %dma_wait3A_39, %dma_wait3A_40] : memref<2048x50x32xf32, #tpu.memory_space<hbm>> -> memref<1x50x32xf32, #tpu.memory_space<hbm>>
      %dma_wait3A_42 = tpu.memref_squeeze %dma_wait3A_41 : memref<1x50x32xf32, #tpu.memory_space<hbm>> -> memref<50x32xf32, #tpu.memory_space<hbm>>
      %dma_wait3A_43 = arith.constant 0 : i32
      %dma_wait3A_44 = arith.constant 0 : i32
      %dma_wait3A_45 = tpu.memref_slice %arg4[%add3A_36, %dma_wait3A_43, %dma_wait3A_44] : memref<2048x50x32xf32, #tpu.memory_space<hbm>> -> memref<1x50x32xf32, #tpu.memory_space<hbm>>
      %dma_wait3A_46 = tpu.memref_squeeze %dma_wait3A_45 : memref<1x50x32xf32, #tpu.memory_space<hbm>> -> memref<50x32xf32, #tpu.memory_space<hbm>>
      %dma_wait3A_47 = arith.constant 0 : i32
      %dma_wait3A_48 = tpu.memref_slice %arg6[%mul3A_35, %dma_wait3A_47] : memref<3200x32xf32, #tpu.memory_space<vmem>> -> memref<50x32xf32, #tpu.memory_space<vmem>>
      tpu.wait_dma2 semaphore(%arg8 : memref<!tpu.dma_semaphore, #tpu.memory_space<semaphore_mem>>) src(%dma_wait3A_48 : memref<50x32xf32, #tpu.memory_space<vmem>>) dst(%dma_wait3A_46 : memref<50x32xf32, #tpu.memory_space<hbm>>)
    }
    %scan3A_27 = arith.constant 64 : i32
    %scan3A_28 = arith.constant 1 : i32
    return
  }
}

#map = affine_map<(d0, d1) -> (0, 0)>
#map1 = affine_map<(d0, d1) -> (0)>
#map2 = affine_map<(d0, d1) -> (0, 0, 0)>
module attributes {stable_mosaic.version = 14 : i64} {
  func.func @gather_kernel(%arg0: i32, %arg1: i32, %arg2: memref<1000000x32xf32, #tpu.memory_space<hbm>>, %arg3: memref<819200xi32, #tpu.memory_space<hbm>>, %arg4: memref<2048x50x32xf32, #tpu.memory_space<hbm>>, %arg5: memref<3200xi32, #tpu.memory_space<vmem>>, %arg6: memref<3200x32xf32, #tpu.memory_space<vmem>>, %arg7: memref<!tpu.dma_semaphore, #tpu.memory_space<semaphore_mem>>, %arg8: memref<!tpu.dma_semaphore, #tpu.memory_space<semaphore_mem>>) attributes {dimension_semantics = [#tpu.dimension_semantics<core_parallel>, #tpu.dimension_semantics<subcore_parallel>], iteration_bounds = array<i64: 2, 16>, scalar_prefetch = 0 : i64, scratch_operands = 4 : i64, tpu.core_type = #tpu.core_type<sc_vector_subcore>, window_params = [{transform_indices = #map}, {transform_indices = #map1}, {transform_indices = #map2}]} {
    %mul3A = arith.constant 2 : i32
    %mul3A_0 = arith.muli %arg1, %mul3A : i32
    %add3A = arith.addi %mul3A_0, %arg0 : i32
    %mul3A_1 = arith.constant 64 : i32
    %mul3A_2 = arith.muli %add3A, %mul3A_1 : i32
    %scan3A = arith.constant 0 : i32
    %mul3A_3 = arith.constant 1 : i32
    %mul3A_4 = arith.muli %scan3A, %mul3A_3 : i32
    %add3A_5 = arith.constant 0 : i32
    %add3A_6 = arith.addi %add3A_5, %mul3A_4 : i32
    %mul3A_7 = arith.constant 64 : i32
    %mul3A_8 = arith.muli %add3A_6, %mul3A_7 : i32
    %add3A_9 = arith.addi %mul3A_2, %mul3A_8 : i32
    %add3A_10 = arith.constant 8192 : i32
    %add3A_11 = arith.addi %add3A_10, %add3A_9 : i32
    %mul3A_12 = arith.constant 50 : i32
    %mul3A_13 = arith.muli %add3A_11, %mul3A_12 : i32
    "tpu.region"() ({
      %run_scoped3A = tpu.sem_alloc : memref<!tpu.dma_semaphore, #tpu.memory_space<semaphore_mem>>
      %dma_start3A_29 = tpu.memref_slice %arg3[%mul3A_13] : memref<819200xi32, #tpu.memory_space<hbm>> -> memref<3200xi32, #tpu.memory_space<hbm>>
      %dma_start3A_30 = tpu.memref_slice %arg3[%mul3A_13] : memref<819200xi32, #tpu.memory_space<hbm>> -> memref<3200xi32, #tpu.memory_space<hbm>>
      tpu.enqueue_dma source(%dma_start3A_30 : memref<3200xi32, #tpu.memory_space<hbm>>) target(%arg5 : memref<3200xi32, #tpu.memory_space<vmem>>) target_semaphore(%run_scoped3A : memref<!tpu.dma_semaphore, #tpu.memory_space<semaphore_mem>>)
      %dma_wait3A_31 = tpu.memref_slice %arg3[%mul3A_13] : memref<819200xi32, #tpu.memory_space<hbm>> -> memref<3200xi32, #tpu.memory_space<hbm>>
      %dma_wait3A_32 = tpu.memref_slice %arg3[%mul3A_13] : memref<819200xi32, #tpu.memory_space<hbm>> -> memref<3200xi32, #tpu.memory_space<hbm>>
      tpu.wait_dma2 semaphore(%run_scoped3A : memref<!tpu.dma_semaphore, #tpu.memory_space<semaphore_mem>>) src(%dma_wait3A_32 : memref<3200xi32, #tpu.memory_space<hbm>>) dst(%arg5 : memref<3200xi32, #tpu.memory_space<vmem>>)
      tpu.yield
    }) : () -> ()
    %dma_start3A = arith.constant 0 : i32
    %dma_start3A_14 = arith.constant 0 : i32
    %dma_start3A_15 = tpu.memref_slice %arg2[%dma_start3A, %dma_start3A_14] : memref<1000000x32xf32, #tpu.memory_space<hbm>> -> memref<1000000x32xf32, #tpu.memory_space<hbm>>
    tpu.enqueue_indirect_dma source(%dma_start3A_15 : memref<1000000x32xf32, #tpu.memory_space<hbm>>) target(%arg6 : memref<3200x32xf32, #tpu.memory_space<vmem>>) offsets(%arg5 : memref<3200xi32, #tpu.memory_space<vmem>>) semaphore(%arg7 : memref<!tpu.dma_semaphore, #tpu.memory_space<semaphore_mem>>)
    %dma_wait3A = arith.constant 0 : i32
    %dma_wait3A_16 = arith.constant 0 : i32
    %dma_wait3A_17 = tpu.memref_slice %arg2[%dma_wait3A, %dma_wait3A_16] : memref<1000000x32xf32, #tpu.memory_space<hbm>> -> memref<1000000x32xf32, #tpu.memory_space<hbm>>
    tpu.wait_indirect_dma semaphore(%arg7 : memref<!tpu.dma_semaphore, #tpu.memory_space<semaphore_mem>>) src(%dma_wait3A_17 : memref<1000000x32xf32, #tpu.memory_space<hbm>>) dst(%arg6 : memref<3200x32xf32, #tpu.memory_space<vmem>>)
    %scan3A_18 = arith.constant 0 : i32
    %scan3A_19 = arith.constant 64 : i32
    %scan3A_20 = arith.addi %scan3A_18, %scan3A_19 : i32
    %scan3A_21 = arith.constant 1 : i32
    scf.for %scan3A_29 = %scan3A_18 to %scan3A_20 step %scan3A_21  : i32 {
      %mul3A_30 = arith.constant 1 : i32
      %mul3A_31 = arith.muli %scan3A_29, %mul3A_30 : i32
      %add3A_32 = arith.constant 0 : i32
      %add3A_33 = arith.addi %add3A_32, %mul3A_31 : i32
      %mul3A_34 = arith.constant 50 : i32
      %mul3A_35 = arith.muli %add3A_33, %mul3A_34 : i32
      %add3A_36 = arith.addi %add3A_9, %add3A_33 : i32
      %dma_start3A_37 = arith.constant 0 : i32
      %dma_start3A_38 = tpu.memref_slice %arg6[%mul3A_35, %dma_start3A_37] : memref<3200x32xf32, #tpu.memory_space<vmem>> -> memref<50x32xf32, #tpu.memory_space<vmem>>
      %dma_start3A_39 = arith.constant 0 : i32
      %dma_start3A_40 = arith.constant 0 : i32
      %dma_start3A_41 = tpu.memref_slice %arg4[%add3A_36, %dma_start3A_39, %dma_start3A_40] : memref<2048x50x32xf32, #tpu.memory_space<hbm>> -> memref<1x50x32xf32, #tpu.memory_space<hbm>>
      %dma_start3A_42 = tpu.memref_squeeze %dma_start3A_41 : memref<1x50x32xf32, #tpu.memory_space<hbm>> -> memref<50x32xf32, #tpu.memory_space<hbm>>
      %dma_start3A_43 = arith.constant 0 : i32
      %dma_start3A_44 = arith.constant 0 : i32
      %dma_start3A_45 = tpu.memref_slice %arg4[%add3A_36, %dma_start3A_43, %dma_start3A_44] : memref<2048x50x32xf32, #tpu.memory_space<hbm>> -> memref<1x50x32xf32, #tpu.memory_space<hbm>>
      %dma_start3A_46 = tpu.memref_squeeze %dma_start3A_45 : memref<1x50x32xf32, #tpu.memory_space<hbm>> -> memref<50x32xf32, #tpu.memory_space<hbm>>
      %dma_start3A_47 = arith.constant 0 : i32
      %dma_start3A_48 = tpu.memref_slice %arg6[%mul3A_35, %dma_start3A_47] : memref<3200x32xf32, #tpu.memory_space<vmem>> -> memref<50x32xf32, #tpu.memory_space<vmem>>
      tpu.enqueue_dma source(%dma_start3A_48 : memref<50x32xf32, #tpu.memory_space<vmem>>) target(%dma_start3A_46 : memref<50x32xf32, #tpu.memory_space<hbm>>) target_semaphore(%arg8 : memref<!tpu.dma_semaphore, #tpu.memory_space<semaphore_mem>>)
    }
    %scan3A_22 = arith.constant 64 : i32
    %scan3A_23 = arith.constant 0 : i32
    %scan3A_24 = arith.constant 64 : i32
    %scan3A_25 = arith.addi %scan3A_23, %scan3A_24 : i32
    %scan3A_26 = arith.constant 1 : i32
    scf.for %scan3A_29 = %scan3A_23 to %scan3A_25 step %scan3A_26  : i32 {
      %mul3A_30 = arith.constant 1 : i32
      %mul3A_31 = arith.muli %scan3A_29, %mul3A_30 : i32
      %add3A_32 = arith.constant 0 : i32
      %add3A_33 = arith.addi %add3A_32, %mul3A_31 : i32
      %mul3A_34 = arith.constant 50 : i32
      %mul3A_35 = arith.muli %add3A_33, %mul3A_34 : i32
      %add3A_36 = arith.addi %add3A_9, %add3A_33 : i32
      %dma_wait3A_37 = arith.constant 0 : i32
      %dma_wait3A_38 = tpu.memref_slice %arg6[%mul3A_35, %dma_wait3A_37] : memref<3200x32xf32, #tpu.memory_space<vmem>> -> memref<50x32xf32, #tpu.memory_space<vmem>>
      %dma_wait3A_39 = arith.constant 0 : i32
      %dma_wait3A_40 = arith.constant 0 : i32
      %dma_wait3A_41 = tpu.memref_slice %arg4[%add3A_36, %dma_wait3A_39, %dma_wait3A_40] : memref<2048x50x32xf32, #tpu.memory_space<hbm>> -> memref<1x50x32xf32, #tpu.memory_space<hbm>>
      %dma_wait3A_42 = tpu.memref_squeeze %dma_wait3A_41 : memref<1x50x32xf32, #tpu.memory_space<hbm>> -> memref<50x32xf32, #tpu.memory_space<hbm>>
      %dma_wait3A_43 = arith.constant 0 : i32
      %dma_wait3A_44 = arith.constant 0 : i32
      %dma_wait3A_45 = tpu.memref_slice %arg4[%add3A_36, %dma_wait3A_43, %dma_wait3A_44] : memref<2048x50x32xf32, #tpu.memory_space<hbm>> -> memref<1x50x32xf32, #tpu.memory_space<hbm>>
      %dma_wait3A_46 = tpu.memref_squeeze %dma_wait3A_45 : memref<1x50x32xf32, #tpu.memory_space<hbm>> -> memref<50x32xf32, #tpu.memory_space<hbm>>
      %dma_wait3A_47 = arith.constant 0 : i32
      %dma_wait3A_48 = tpu.memref_slice %arg6[%mul3A_35, %dma_wait3A_47] : memref<3200x32xf32, #tpu.memory_space<vmem>> -> memref<50x32xf32, #tpu.memory_space<vmem>>
      tpu.wait_dma2 semaphore(%arg8 : memref<!tpu.dma_semaphore, #tpu.memory_space<semaphore_mem>>) src(%dma_wait3A_48 : memref<50x32xf32, #tpu.memory_space<vmem>>) dst(%dma_wait3A_46 : memref<50x32xf32, #tpu.memory_space<hbm>>)
    }
    %scan3A_27 = arith.constant 64 : i32
    %scan3A_28 = arith.constant 1 : i32
    return
  }
}

#map = affine_map<(d0, d1) -> (0, 0)>
#map1 = affine_map<(d0, d1) -> (0)>
#map2 = affine_map<(d0, d1) -> (0, 0, 0)>
module attributes {stable_mosaic.version = 14 : i64} {
  func.func @gather_kernel(%arg0: i32, %arg1: i32, %arg2: memref<1000000x32xf32, #tpu.memory_space<hbm>>, %arg3: memref<819200xi32, #tpu.memory_space<hbm>>, %arg4: memref<2048x50x32xf32, #tpu.memory_space<hbm>>, %arg5: memref<3200xi32, #tpu.memory_space<vmem>>, %arg6: memref<3200x32xf32, #tpu.memory_space<vmem>>, %arg7: memref<!tpu.dma_semaphore, #tpu.memory_space<semaphore_mem>>, %arg8: memref<!tpu.dma_semaphore, #tpu.memory_space<semaphore_mem>>) attributes {dimension_semantics = [#tpu.dimension_semantics<core_parallel>, #tpu.dimension_semantics<subcore_parallel>], iteration_bounds = array<i64: 2, 16>, scalar_prefetch = 0 : i64, scratch_operands = 4 : i64, tpu.core_type = #tpu.core_type<sc_vector_subcore>, window_params = [{transform_indices = #map}, {transform_indices = #map1}, {transform_indices = #map2}]} {
    %mul3A = arith.constant 2 : i32
    %mul3A_0 = arith.muli %arg1, %mul3A : i32
    %add3A = arith.addi %mul3A_0, %arg0 : i32
    %mul3A_1 = arith.constant 64 : i32
    %mul3A_2 = arith.muli %add3A, %mul3A_1 : i32
    %scan3A = arith.constant 0 : i32
    %mul3A_3 = arith.constant 1 : i32
    %mul3A_4 = arith.muli %scan3A, %mul3A_3 : i32
    %add3A_5 = arith.constant 0 : i32
    %add3A_6 = arith.addi %add3A_5, %mul3A_4 : i32
    %mul3A_7 = arith.constant 64 : i32
    %mul3A_8 = arith.muli %add3A_6, %mul3A_7 : i32
    %add3A_9 = arith.addi %mul3A_2, %mul3A_8 : i32
    %add3A_10 = arith.constant 6144 : i32
    %add3A_11 = arith.addi %add3A_10, %add3A_9 : i32
    %mul3A_12 = arith.constant 50 : i32
    %mul3A_13 = arith.muli %add3A_11, %mul3A_12 : i32
    "tpu.region"() ({
      %run_scoped3A = tpu.sem_alloc : memref<!tpu.dma_semaphore, #tpu.memory_space<semaphore_mem>>
      %dma_start3A_29 = tpu.memref_slice %arg3[%mul3A_13] : memref<819200xi32, #tpu.memory_space<hbm>> -> memref<3200xi32, #tpu.memory_space<hbm>>
      %dma_start3A_30 = tpu.memref_slice %arg3[%mul3A_13] : memref<819200xi32, #tpu.memory_space<hbm>> -> memref<3200xi32, #tpu.memory_space<hbm>>
      tpu.enqueue_dma source(%dma_start3A_30 : memref<3200xi32, #tpu.memory_space<hbm>>) target(%arg5 : memref<3200xi32, #tpu.memory_space<vmem>>) target_semaphore(%run_scoped3A : memref<!tpu.dma_semaphore, #tpu.memory_space<semaphore_mem>>)
      %dma_wait3A_31 = tpu.memref_slice %arg3[%mul3A_13] : memref<819200xi32, #tpu.memory_space<hbm>> -> memref<3200xi32, #tpu.memory_space<hbm>>
      %dma_wait3A_32 = tpu.memref_slice %arg3[%mul3A_13] : memref<819200xi32, #tpu.memory_space<hbm>> -> memref<3200xi32, #tpu.memory_space<hbm>>
      tpu.wait_dma2 semaphore(%run_scoped3A : memref<!tpu.dma_semaphore, #tpu.memory_space<semaphore_mem>>) src(%dma_wait3A_32 : memref<3200xi32, #tpu.memory_space<hbm>>) dst(%arg5 : memref<3200xi32, #tpu.memory_space<vmem>>)
      tpu.yield
    }) : () -> ()
    %dma_start3A = arith.constant 0 : i32
    %dma_start3A_14 = arith.constant 0 : i32
    %dma_start3A_15 = tpu.memref_slice %arg2[%dma_start3A, %dma_start3A_14] : memref<1000000x32xf32, #tpu.memory_space<hbm>> -> memref<1000000x32xf32, #tpu.memory_space<hbm>>
    tpu.enqueue_indirect_dma source(%dma_start3A_15 : memref<1000000x32xf32, #tpu.memory_space<hbm>>) target(%arg6 : memref<3200x32xf32, #tpu.memory_space<vmem>>) offsets(%arg5 : memref<3200xi32, #tpu.memory_space<vmem>>) semaphore(%arg7 : memref<!tpu.dma_semaphore, #tpu.memory_space<semaphore_mem>>)
    %dma_wait3A = arith.constant 0 : i32
    %dma_wait3A_16 = arith.constant 0 : i32
    %dma_wait3A_17 = tpu.memref_slice %arg2[%dma_wait3A, %dma_wait3A_16] : memref<1000000x32xf32, #tpu.memory_space<hbm>> -> memref<1000000x32xf32, #tpu.memory_space<hbm>>
    tpu.wait_indirect_dma semaphore(%arg7 : memref<!tpu.dma_semaphore, #tpu.memory_space<semaphore_mem>>) src(%dma_wait3A_17 : memref<1000000x32xf32, #tpu.memory_space<hbm>>) dst(%arg6 : memref<3200x32xf32, #tpu.memory_space<vmem>>)
    %scan3A_18 = arith.constant 0 : i32
    %scan3A_19 = arith.constant 64 : i32
    %scan3A_20 = arith.addi %scan3A_18, %scan3A_19 : i32
    %scan3A_21 = arith.constant 1 : i32
    scf.for %scan3A_29 = %scan3A_18 to %scan3A_20 step %scan3A_21  : i32 {
      %mul3A_30 = arith.constant 1 : i32
      %mul3A_31 = arith.muli %scan3A_29, %mul3A_30 : i32
      %add3A_32 = arith.constant 0 : i32
      %add3A_33 = arith.addi %add3A_32, %mul3A_31 : i32
      %mul3A_34 = arith.constant 50 : i32
      %mul3A_35 = arith.muli %add3A_33, %mul3A_34 : i32
      %add3A_36 = arith.addi %add3A_9, %add3A_33 : i32
      %dma_start3A_37 = arith.constant 0 : i32
      %dma_start3A_38 = tpu.memref_slice %arg6[%mul3A_35, %dma_start3A_37] : memref<3200x32xf32, #tpu.memory_space<vmem>> -> memref<50x32xf32, #tpu.memory_space<vmem>>
      %dma_start3A_39 = arith.constant 0 : i32
      %dma_start3A_40 = arith.constant 0 : i32
      %dma_start3A_41 = tpu.memref_slice %arg4[%add3A_36, %dma_start3A_39, %dma_start3A_40] : memref<2048x50x32xf32, #tpu.memory_space<hbm>> -> memref<1x50x32xf32, #tpu.memory_space<hbm>>
      %dma_start3A_42 = tpu.memref_squeeze %dma_start3A_41 : memref<1x50x32xf32, #tpu.memory_space<hbm>> -> memref<50x32xf32, #tpu.memory_space<hbm>>
      %dma_start3A_43 = arith.constant 0 : i32
      %dma_start3A_44 = arith.constant 0 : i32
      %dma_start3A_45 = tpu.memref_slice %arg4[%add3A_36, %dma_start3A_43, %dma_start3A_44] : memref<2048x50x32xf32, #tpu.memory_space<hbm>> -> memref<1x50x32xf32, #tpu.memory_space<hbm>>
      %dma_start3A_46 = tpu.memref_squeeze %dma_start3A_45 : memref<1x50x32xf32, #tpu.memory_space<hbm>> -> memref<50x32xf32, #tpu.memory_space<hbm>>
      %dma_start3A_47 = arith.constant 0 : i32
      %dma_start3A_48 = tpu.memref_slice %arg6[%mul3A_35, %dma_start3A_47] : memref<3200x32xf32, #tpu.memory_space<vmem>> -> memref<50x32xf32, #tpu.memory_space<vmem>>
      tpu.enqueue_dma source(%dma_start3A_48 : memref<50x32xf32, #tpu.memory_space<vmem>>) target(%dma_start3A_46 : memref<50x32xf32, #tpu.memory_space<hbm>>) target_semaphore(%arg8 : memref<!tpu.dma_semaphore, #tpu.memory_space<semaphore_mem>>)
    }
    %scan3A_22 = arith.constant 64 : i32
    %scan3A_23 = arith.constant 0 : i32
    %scan3A_24 = arith.constant 64 : i32
    %scan3A_25 = arith.addi %scan3A_23, %scan3A_24 : i32
    %scan3A_26 = arith.constant 1 : i32
    scf.for %scan3A_29 = %scan3A_23 to %scan3A_25 step %scan3A_26  : i32 {
      %mul3A_30 = arith.constant 1 : i32
      %mul3A_31 = arith.muli %scan3A_29, %mul3A_30 : i32
      %add3A_32 = arith.constant 0 : i32
      %add3A_33 = arith.addi %add3A_32, %mul3A_31 : i32
      %mul3A_34 = arith.constant 50 : i32
      %mul3A_35 = arith.muli %add3A_33, %mul3A_34 : i32
      %add3A_36 = arith.addi %add3A_9, %add3A_33 : i32
      %dma_wait3A_37 = arith.constant 0 : i32
      %dma_wait3A_38 = tpu.memref_slice %arg6[%mul3A_35, %dma_wait3A_37] : memref<3200x32xf32, #tpu.memory_space<vmem>> -> memref<50x32xf32, #tpu.memory_space<vmem>>
      %dma_wait3A_39 = arith.constant 0 : i32
      %dma_wait3A_40 = arith.constant 0 : i32
      %dma_wait3A_41 = tpu.memref_slice %arg4[%add3A_36, %dma_wait3A_39, %dma_wait3A_40] : memref<2048x50x32xf32, #tpu.memory_space<hbm>> -> memref<1x50x32xf32, #tpu.memory_space<hbm>>
      %dma_wait3A_42 = tpu.memref_squeeze %dma_wait3A_41 : memref<1x50x32xf32, #tpu.memory_space<hbm>> -> memref<50x32xf32, #tpu.memory_space<hbm>>
      %dma_wait3A_43 = arith.constant 0 : i32
      %dma_wait3A_44 = arith.constant 0 : i32
      %dma_wait3A_45 = tpu.memref_slice %arg4[%add3A_36, %dma_wait3A_43, %dma_wait3A_44] : memref<2048x50x32xf32, #tpu.memory_space<hbm>> -> memref<1x50x32xf32, #tpu.memory_space<hbm>>
      %dma_wait3A_46 = tpu.memref_squeeze %dma_wait3A_45 : memref<1x50x32xf32, #tpu.memory_space<hbm>> -> memref<50x32xf32, #tpu.memory_space<hbm>>
      %dma_wait3A_47 = arith.constant 0 : i32
      %dma_wait3A_48 = tpu.memref_slice %arg6[%mul3A_35, %dma_wait3A_47] : memref<3200x32xf32, #tpu.memory_space<vmem>> -> memref<50x32xf32, #tpu.memory_space<vmem>>
      tpu.wait_dma2 semaphore(%arg8 : memref<!tpu.dma_semaphore, #tpu.memory_space<semaphore_mem>>) src(%dma_wait3A_48 : memref<50x32xf32, #tpu.memory_space<vmem>>) dst(%dma_wait3A_46 : memref<50x32xf32, #tpu.memory_space<hbm>>)
    }
    %scan3A_27 = arith.constant 64 : i32
    %scan3A_28 = arith.constant 1 : i32
    return
  }
}

#map = affine_map<(d0, d1) -> (0, 0)>
#map1 = affine_map<(d0, d1) -> (0)>
#map2 = affine_map<(d0, d1) -> (0, 0, 0)>
module attributes {stable_mosaic.version = 14 : i64} {
  func.func @gather_kernel(%arg0: i32, %arg1: i32, %arg2: memref<1000000x32xf32, #tpu.memory_space<hbm>>, %arg3: memref<819200xi32, #tpu.memory_space<hbm>>, %arg4: memref<2048x50x32xf32, #tpu.memory_space<hbm>>, %arg5: memref<3200xi32, #tpu.memory_space<vmem>>, %arg6: memref<3200x32xf32, #tpu.memory_space<vmem>>, %arg7: memref<!tpu.dma_semaphore, #tpu.memory_space<semaphore_mem>>, %arg8: memref<!tpu.dma_semaphore, #tpu.memory_space<semaphore_mem>>) attributes {dimension_semantics = [#tpu.dimension_semantics<core_parallel>, #tpu.dimension_semantics<subcore_parallel>], iteration_bounds = array<i64: 2, 16>, scalar_prefetch = 0 : i64, scratch_operands = 4 : i64, tpu.core_type = #tpu.core_type<sc_vector_subcore>, window_params = [{transform_indices = #map}, {transform_indices = #map1}, {transform_indices = #map2}]} {
    %mul3A = arith.constant 2 : i32
    %mul3A_0 = arith.muli %arg1, %mul3A : i32
    %add3A = arith.addi %mul3A_0, %arg0 : i32
    %mul3A_1 = arith.constant 64 : i32
    %mul3A_2 = arith.muli %add3A, %mul3A_1 : i32
    %scan3A = arith.constant 0 : i32
    %mul3A_3 = arith.constant 1 : i32
    %mul3A_4 = arith.muli %scan3A, %mul3A_3 : i32
    %add3A_5 = arith.constant 0 : i32
    %add3A_6 = arith.addi %add3A_5, %mul3A_4 : i32
    %mul3A_7 = arith.constant 64 : i32
    %mul3A_8 = arith.muli %add3A_6, %mul3A_7 : i32
    %add3A_9 = arith.addi %mul3A_2, %mul3A_8 : i32
    %add3A_10 = arith.constant 10240 : i32
    %add3A_11 = arith.addi %add3A_10, %add3A_9 : i32
    %mul3A_12 = arith.constant 50 : i32
    %mul3A_13 = arith.muli %add3A_11, %mul3A_12 : i32
    "tpu.region"() ({
      %run_scoped3A = tpu.sem_alloc : memref<!tpu.dma_semaphore, #tpu.memory_space<semaphore_mem>>
      %dma_start3A_29 = tpu.memref_slice %arg3[%mul3A_13] : memref<819200xi32, #tpu.memory_space<hbm>> -> memref<3200xi32, #tpu.memory_space<hbm>>
      %dma_start3A_30 = tpu.memref_slice %arg3[%mul3A_13] : memref<819200xi32, #tpu.memory_space<hbm>> -> memref<3200xi32, #tpu.memory_space<hbm>>
      tpu.enqueue_dma source(%dma_start3A_30 : memref<3200xi32, #tpu.memory_space<hbm>>) target(%arg5 : memref<3200xi32, #tpu.memory_space<vmem>>) target_semaphore(%run_scoped3A : memref<!tpu.dma_semaphore, #tpu.memory_space<semaphore_mem>>)
      %dma_wait3A_31 = tpu.memref_slice %arg3[%mul3A_13] : memref<819200xi32, #tpu.memory_space<hbm>> -> memref<3200xi32, #tpu.memory_space<hbm>>
      %dma_wait3A_32 = tpu.memref_slice %arg3[%mul3A_13] : memref<819200xi32, #tpu.memory_space<hbm>> -> memref<3200xi32, #tpu.memory_space<hbm>>
      tpu.wait_dma2 semaphore(%run_scoped3A : memref<!tpu.dma_semaphore, #tpu.memory_space<semaphore_mem>>) src(%dma_wait3A_32 : memref<3200xi32, #tpu.memory_space<hbm>>) dst(%arg5 : memref<3200xi32, #tpu.memory_space<vmem>>)
      tpu.yield
    }) : () -> ()
    %dma_start3A = arith.constant 0 : i32
    %dma_start3A_14 = arith.constant 0 : i32
    %dma_start3A_15 = tpu.memref_slice %arg2[%dma_start3A, %dma_start3A_14] : memref<1000000x32xf32, #tpu.memory_space<hbm>> -> memref<1000000x32xf32, #tpu.memory_space<hbm>>
    tpu.enqueue_indirect_dma source(%dma_start3A_15 : memref<1000000x32xf32, #tpu.memory_space<hbm>>) target(%arg6 : memref<3200x32xf32, #tpu.memory_space<vmem>>) offsets(%arg5 : memref<3200xi32, #tpu.memory_space<vmem>>) semaphore(%arg7 : memref<!tpu.dma_semaphore, #tpu.memory_space<semaphore_mem>>)
    %dma_wait3A = arith.constant 0 : i32
    %dma_wait3A_16 = arith.constant 0 : i32
    %dma_wait3A_17 = tpu.memref_slice %arg2[%dma_wait3A, %dma_wait3A_16] : memref<1000000x32xf32, #tpu.memory_space<hbm>> -> memref<1000000x32xf32, #tpu.memory_space<hbm>>
    tpu.wait_indirect_dma semaphore(%arg7 : memref<!tpu.dma_semaphore, #tpu.memory_space<semaphore_mem>>) src(%dma_wait3A_17 : memref<1000000x32xf32, #tpu.memory_space<hbm>>) dst(%arg6 : memref<3200x32xf32, #tpu.memory_space<vmem>>)
    %scan3A_18 = arith.constant 0 : i32
    %scan3A_19 = arith.constant 64 : i32
    %scan3A_20 = arith.addi %scan3A_18, %scan3A_19 : i32
    %scan3A_21 = arith.constant 1 : i32
    scf.for %scan3A_29 = %scan3A_18 to %scan3A_20 step %scan3A_21  : i32 {
      %mul3A_30 = arith.constant 1 : i32
      %mul3A_31 = arith.muli %scan3A_29, %mul3A_30 : i32
      %add3A_32 = arith.constant 0 : i32
      %add3A_33 = arith.addi %add3A_32, %mul3A_31 : i32
      %mul3A_34 = arith.constant 50 : i32
      %mul3A_35 = arith.muli %add3A_33, %mul3A_34 : i32
      %add3A_36 = arith.addi %add3A_9, %add3A_33 : i32
      %dma_start3A_37 = arith.constant 0 : i32
      %dma_start3A_38 = tpu.memref_slice %arg6[%mul3A_35, %dma_start3A_37] : memref<3200x32xf32, #tpu.memory_space<vmem>> -> memref<50x32xf32, #tpu.memory_space<vmem>>
      %dma_start3A_39 = arith.constant 0 : i32
      %dma_start3A_40 = arith.constant 0 : i32
      %dma_start3A_41 = tpu.memref_slice %arg4[%add3A_36, %dma_start3A_39, %dma_start3A_40] : memref<2048x50x32xf32, #tpu.memory_space<hbm>> -> memref<1x50x32xf32, #tpu.memory_space<hbm>>
      %dma_start3A_42 = tpu.memref_squeeze %dma_start3A_41 : memref<1x50x32xf32, #tpu.memory_space<hbm>> -> memref<50x32xf32, #tpu.memory_space<hbm>>
      %dma_start3A_43 = arith.constant 0 : i32
      %dma_start3A_44 = arith.constant 0 : i32
      %dma_start3A_45 = tpu.memref_slice %arg4[%add3A_36, %dma_start3A_43, %dma_start3A_44] : memref<2048x50x32xf32, #tpu.memory_space<hbm>> -> memref<1x50x32xf32, #tpu.memory_space<hbm>>
      %dma_start3A_46 = tpu.memref_squeeze %dma_start3A_45 : memref<1x50x32xf32, #tpu.memory_space<hbm>> -> memref<50x32xf32, #tpu.memory_space<hbm>>
      %dma_start3A_47 = arith.constant 0 : i32
      %dma_start3A_48 = tpu.memref_slice %arg6[%mul3A_35, %dma_start3A_47] : memref<3200x32xf32, #tpu.memory_space<vmem>> -> memref<50x32xf32, #tpu.memory_space<vmem>>
      tpu.enqueue_dma source(%dma_start3A_48 : memref<50x32xf32, #tpu.memory_space<vmem>>) target(%dma_start3A_46 : memref<50x32xf32, #tpu.memory_space<hbm>>) target_semaphore(%arg8 : memref<!tpu.dma_semaphore, #tpu.memory_space<semaphore_mem>>)
    }
    %scan3A_22 = arith.constant 64 : i32
    %scan3A_23 = arith.constant 0 : i32
    %scan3A_24 = arith.constant 64 : i32
    %scan3A_25 = arith.addi %scan3A_23, %scan3A_24 : i32
    %scan3A_26 = arith.constant 1 : i32
    scf.for %scan3A_29 = %scan3A_23 to %scan3A_25 step %scan3A_26  : i32 {
      %mul3A_30 = arith.constant 1 : i32
      %mul3A_31 = arith.muli %scan3A_29, %mul3A_30 : i32
      %add3A_32 = arith.constant 0 : i32
      %add3A_33 = arith.addi %add3A_32, %mul3A_31 : i32
      %mul3A_34 = arith.constant 50 : i32
      %mul3A_35 = arith.muli %add3A_33, %mul3A_34 : i32
      %add3A_36 = arith.addi %add3A_9, %add3A_33 : i32
      %dma_wait3A_37 = arith.constant 0 : i32
      %dma_wait3A_38 = tpu.memref_slice %arg6[%mul3A_35, %dma_wait3A_37] : memref<3200x32xf32, #tpu.memory_space<vmem>> -> memref<50x32xf32, #tpu.memory_space<vmem>>
      %dma_wait3A_39 = arith.constant 0 : i32
      %dma_wait3A_40 = arith.constant 0 : i32
      %dma_wait3A_41 = tpu.memref_slice %arg4[%add3A_36, %dma_wait3A_39, %dma_wait3A_40] : memref<2048x50x32xf32, #tpu.memory_space<hbm>> -> memref<1x50x32xf32, #tpu.memory_space<hbm>>
      %dma_wait3A_42 = tpu.memref_squeeze %dma_wait3A_41 : memref<1x50x32xf32, #tpu.memory_space<hbm>> -> memref<50x32xf32, #tpu.memory_space<hbm>>
      %dma_wait3A_43 = arith.constant 0 : i32
      %dma_wait3A_44 = arith.constant 0 : i32
      %dma_wait3A_45 = tpu.memref_slice %arg4[%add3A_36, %dma_wait3A_43, %dma_wait3A_44] : memref<2048x50x32xf32, #tpu.memory_space<hbm>> -> memref<1x50x32xf32, #tpu.memory_space<hbm>>
      %dma_wait3A_46 = tpu.memref_squeeze %dma_wait3A_45 : memref<1x50x32xf32, #tpu.memory_space<hbm>> -> memref<50x32xf32, #tpu.memory_space<hbm>>
      %dma_wait3A_47 = arith.constant 0 : i32
      %dma_wait3A_48 = tpu.memref_slice %arg6[%mul3A_35, %dma_wait3A_47] : memref<3200x32xf32, #tpu.memory_space<vmem>> -> memref<50x32xf32, #tpu.memory_space<vmem>>
      tpu.wait_dma2 semaphore(%arg8 : memref<!tpu.dma_semaphore, #tpu.memory_space<semaphore_mem>>) src(%dma_wait3A_48 : memref<50x32xf32, #tpu.memory_space<vmem>>) dst(%dma_wait3A_46 : memref<50x32xf32, #tpu.memory_space<hbm>>)
    }
    %scan3A_27 = arith.constant 64 : i32
    %scan3A_28 = arith.constant 1 : i32
    return
  }
}

#map = affine_map<(d0, d1) -> (0, 0)>
#map1 = affine_map<(d0, d1) -> (0)>
#map2 = affine_map<(d0, d1) -> (0, 0, 0)>
module attributes {stable_mosaic.version = 14 : i64} {
  func.func @gather_kernel(%arg0: i32, %arg1: i32, %arg2: memref<1000000x32xf32, #tpu.memory_space<hbm>>, %arg3: memref<819200xi32, #tpu.memory_space<hbm>>, %arg4: memref<2048x50x32xf32, #tpu.memory_space<hbm>>, %arg5: memref<3200xi32, #tpu.memory_space<vmem>>, %arg6: memref<3200x32xf32, #tpu.memory_space<vmem>>, %arg7: memref<!tpu.dma_semaphore, #tpu.memory_space<semaphore_mem>>, %arg8: memref<!tpu.dma_semaphore, #tpu.memory_space<semaphore_mem>>) attributes {dimension_semantics = [#tpu.dimension_semantics<core_parallel>, #tpu.dimension_semantics<subcore_parallel>], iteration_bounds = array<i64: 2, 16>, scalar_prefetch = 0 : i64, scratch_operands = 4 : i64, tpu.core_type = #tpu.core_type<sc_vector_subcore>, window_params = [{transform_indices = #map}, {transform_indices = #map1}, {transform_indices = #map2}]} {
    %mul3A = arith.constant 2 : i32
    %mul3A_0 = arith.muli %arg1, %mul3A : i32
    %add3A = arith.addi %mul3A_0, %arg0 : i32
    %mul3A_1 = arith.constant 64 : i32
    %mul3A_2 = arith.muli %add3A, %mul3A_1 : i32
    %scan3A = arith.constant 0 : i32
    %mul3A_3 = arith.constant 1 : i32
    %mul3A_4 = arith.muli %scan3A, %mul3A_3 : i32
    %add3A_5 = arith.constant 0 : i32
    %add3A_6 = arith.addi %add3A_5, %mul3A_4 : i32
    %mul3A_7 = arith.constant 64 : i32
    %mul3A_8 = arith.muli %add3A_6, %mul3A_7 : i32
    %add3A_9 = arith.addi %mul3A_2, %mul3A_8 : i32
    %add3A_10 = arith.constant 12288 : i32
    %add3A_11 = arith.addi %add3A_10, %add3A_9 : i32
    %mul3A_12 = arith.constant 50 : i32
    %mul3A_13 = arith.muli %add3A_11, %mul3A_12 : i32
    "tpu.region"() ({
      %run_scoped3A = tpu.sem_alloc : memref<!tpu.dma_semaphore, #tpu.memory_space<semaphore_mem>>
      %dma_start3A_29 = tpu.memref_slice %arg3[%mul3A_13] : memref<819200xi32, #tpu.memory_space<hbm>> -> memref<3200xi32, #tpu.memory_space<hbm>>
      %dma_start3A_30 = tpu.memref_slice %arg3[%mul3A_13] : memref<819200xi32, #tpu.memory_space<hbm>> -> memref<3200xi32, #tpu.memory_space<hbm>>
      tpu.enqueue_dma source(%dma_start3A_30 : memref<3200xi32, #tpu.memory_space<hbm>>) target(%arg5 : memref<3200xi32, #tpu.memory_space<vmem>>) target_semaphore(%run_scoped3A : memref<!tpu.dma_semaphore, #tpu.memory_space<semaphore_mem>>)
      %dma_wait3A_31 = tpu.memref_slice %arg3[%mul3A_13] : memref<819200xi32, #tpu.memory_space<hbm>> -> memref<3200xi32, #tpu.memory_space<hbm>>
      %dma_wait3A_32 = tpu.memref_slice %arg3[%mul3A_13] : memref<819200xi32, #tpu.memory_space<hbm>> -> memref<3200xi32, #tpu.memory_space<hbm>>
      tpu.wait_dma2 semaphore(%run_scoped3A : memref<!tpu.dma_semaphore, #tpu.memory_space<semaphore_mem>>) src(%dma_wait3A_32 : memref<3200xi32, #tpu.memory_space<hbm>>) dst(%arg5 : memref<3200xi32, #tpu.memory_space<vmem>>)
      tpu.yield
    }) : () -> ()
    %dma_start3A = arith.constant 0 : i32
    %dma_start3A_14 = arith.constant 0 : i32
    %dma_start3A_15 = tpu.memref_slice %arg2[%dma_start3A, %dma_start3A_14] : memref<1000000x32xf32, #tpu.memory_space<hbm>> -> memref<1000000x32xf32, #tpu.memory_space<hbm>>
    tpu.enqueue_indirect_dma source(%dma_start3A_15 : memref<1000000x32xf32, #tpu.memory_space<hbm>>) target(%arg6 : memref<3200x32xf32, #tpu.memory_space<vmem>>) offsets(%arg5 : memref<3200xi32, #tpu.memory_space<vmem>>) semaphore(%arg7 : memref<!tpu.dma_semaphore, #tpu.memory_space<semaphore_mem>>)
    %dma_wait3A = arith.constant 0 : i32
    %dma_wait3A_16 = arith.constant 0 : i32
    %dma_wait3A_17 = tpu.memref_slice %arg2[%dma_wait3A, %dma_wait3A_16] : memref<1000000x32xf32, #tpu.memory_space<hbm>> -> memref<1000000x32xf32, #tpu.memory_space<hbm>>
    tpu.wait_indirect_dma semaphore(%arg7 : memref<!tpu.dma_semaphore, #tpu.memory_space<semaphore_mem>>) src(%dma_wait3A_17 : memref<1000000x32xf32, #tpu.memory_space<hbm>>) dst(%arg6 : memref<3200x32xf32, #tpu.memory_space<vmem>>)
    %scan3A_18 = arith.constant 0 : i32
    %scan3A_19 = arith.constant 64 : i32
    %scan3A_20 = arith.addi %scan3A_18, %scan3A_19 : i32
    %scan3A_21 = arith.constant 1 : i32
    scf.for %scan3A_29 = %scan3A_18 to %scan3A_20 step %scan3A_21  : i32 {
      %mul3A_30 = arith.constant 1 : i32
      %mul3A_31 = arith.muli %scan3A_29, %mul3A_30 : i32
      %add3A_32 = arith.constant 0 : i32
      %add3A_33 = arith.addi %add3A_32, %mul3A_31 : i32
      %mul3A_34 = arith.constant 50 : i32
      %mul3A_35 = arith.muli %add3A_33, %mul3A_34 : i32
      %add3A_36 = arith.addi %add3A_9, %add3A_33 : i32
      %dma_start3A_37 = arith.constant 0 : i32
      %dma_start3A_38 = tpu.memref_slice %arg6[%mul3A_35, %dma_start3A_37] : memref<3200x32xf32, #tpu.memory_space<vmem>> -> memref<50x32xf32, #tpu.memory_space<vmem>>
      %dma_start3A_39 = arith.constant 0 : i32
      %dma_start3A_40 = arith.constant 0 : i32
      %dma_start3A_41 = tpu.memref_slice %arg4[%add3A_36, %dma_start3A_39, %dma_start3A_40] : memref<2048x50x32xf32, #tpu.memory_space<hbm>> -> memref<1x50x32xf32, #tpu.memory_space<hbm>>
      %dma_start3A_42 = tpu.memref_squeeze %dma_start3A_41 : memref<1x50x32xf32, #tpu.memory_space<hbm>> -> memref<50x32xf32, #tpu.memory_space<hbm>>
      %dma_start3A_43 = arith.constant 0 : i32
      %dma_start3A_44 = arith.constant 0 : i32
      %dma_start3A_45 = tpu.memref_slice %arg4[%add3A_36, %dma_start3A_43, %dma_start3A_44] : memref<2048x50x32xf32, #tpu.memory_space<hbm>> -> memref<1x50x32xf32, #tpu.memory_space<hbm>>
      %dma_start3A_46 = tpu.memref_squeeze %dma_start3A_45 : memref<1x50x32xf32, #tpu.memory_space<hbm>> -> memref<50x32xf32, #tpu.memory_space<hbm>>
      %dma_start3A_47 = arith.constant 0 : i32
      %dma_start3A_48 = tpu.memref_slice %arg6[%mul3A_35, %dma_start3A_47] : memref<3200x32xf32, #tpu.memory_space<vmem>> -> memref<50x32xf32, #tpu.memory_space<vmem>>
      tpu.enqueue_dma source(%dma_start3A_48 : memref<50x32xf32, #tpu.memory_space<vmem>>) target(%dma_start3A_46 : memref<50x32xf32, #tpu.memory_space<hbm>>) target_semaphore(%arg8 : memref<!tpu.dma_semaphore, #tpu.memory_space<semaphore_mem>>)
    }
    %scan3A_22 = arith.constant 64 : i32
    %scan3A_23 = arith.constant 0 : i32
    %scan3A_24 = arith.constant 64 : i32
    %scan3A_25 = arith.addi %scan3A_23, %scan3A_24 : i32
    %scan3A_26 = arith.constant 1 : i32
    scf.for %scan3A_29 = %scan3A_23 to %scan3A_25 step %scan3A_26  : i32 {
      %mul3A_30 = arith.constant 1 : i32
      %mul3A_31 = arith.muli %scan3A_29, %mul3A_30 : i32
      %add3A_32 = arith.constant 0 : i32
      %add3A_33 = arith.addi %add3A_32, %mul3A_31 : i32
      %mul3A_34 = arith.constant 50 : i32
      %mul3A_35 = arith.muli %add3A_33, %mul3A_34 : i32
      %add3A_36 = arith.addi %add3A_9, %add3A_33 : i32
      %dma_wait3A_37 = arith.constant 0 : i32
      %dma_wait3A_38 = tpu.memref_slice %arg6[%mul3A_35, %dma_wait3A_37] : memref<3200x32xf32, #tpu.memory_space<vmem>> -> memref<50x32xf32, #tpu.memory_space<vmem>>
      %dma_wait3A_39 = arith.constant 0 : i32
      %dma_wait3A_40 = arith.constant 0 : i32
      %dma_wait3A_41 = tpu.memref_slice %arg4[%add3A_36, %dma_wait3A_39, %dma_wait3A_40] : memref<2048x50x32xf32, #tpu.memory_space<hbm>> -> memref<1x50x32xf32, #tpu.memory_space<hbm>>
      %dma_wait3A_42 = tpu.memref_squeeze %dma_wait3A_41 : memref<1x50x32xf32, #tpu.memory_space<hbm>> -> memref<50x32xf32, #tpu.memory_space<hbm>>
      %dma_wait3A_43 = arith.constant 0 : i32
      %dma_wait3A_44 = arith.constant 0 : i32
      %dma_wait3A_45 = tpu.memref_slice %arg4[%add3A_36, %dma_wait3A_43, %dma_wait3A_44] : memref<2048x50x32xf32, #tpu.memory_space<hbm>> -> memref<1x50x32xf32, #tpu.memory_space<hbm>>
      %dma_wait3A_46 = tpu.memref_squeeze %dma_wait3A_45 : memref<1x50x32xf32, #tpu.memory_space<hbm>> -> memref<50x32xf32, #tpu.memory_space<hbm>>
      %dma_wait3A_47 = arith.constant 0 : i32
      %dma_wait3A_48 = tpu.memref_slice %arg6[%mul3A_35, %dma_wait3A_47] : memref<3200x32xf32, #tpu.memory_space<vmem>> -> memref<50x32xf32, #tpu.memory_space<vmem>>
      tpu.wait_dma2 semaphore(%arg8 : memref<!tpu.dma_semaphore, #tpu.memory_space<semaphore_mem>>) src(%dma_wait3A_48 : memref<50x32xf32, #tpu.memory_space<vmem>>) dst(%dma_wait3A_46 : memref<50x32xf32, #tpu.memory_space<hbm>>)
    }
    %scan3A_27 = arith.constant 64 : i32
    %scan3A_28 = arith.constant 1 : i32
    return
  }
}

#map = affine_map<(d0, d1) -> (0, 0)>
#map1 = affine_map<(d0, d1) -> (0)>
#map2 = affine_map<(d0, d1) -> (0, 0, 0)>
module attributes {stable_mosaic.version = 14 : i64} {
  func.func @gather_kernel(%arg0: i32, %arg1: i32, %arg2: memref<1000000x32xf32, #tpu.memory_space<hbm>>, %arg3: memref<819200xi32, #tpu.memory_space<hbm>>, %arg4: memref<2048x50x32xf32, #tpu.memory_space<hbm>>, %arg5: memref<3200xi32, #tpu.memory_space<vmem>>, %arg6: memref<3200x32xf32, #tpu.memory_space<vmem>>, %arg7: memref<!tpu.dma_semaphore, #tpu.memory_space<semaphore_mem>>, %arg8: memref<!tpu.dma_semaphore, #tpu.memory_space<semaphore_mem>>) attributes {dimension_semantics = [#tpu.dimension_semantics<core_parallel>, #tpu.dimension_semantics<subcore_parallel>], iteration_bounds = array<i64: 2, 16>, scalar_prefetch = 0 : i64, scratch_operands = 4 : i64, tpu.core_type = #tpu.core_type<sc_vector_subcore>, window_params = [{transform_indices = #map}, {transform_indices = #map1}, {transform_indices = #map2}]} {
    %mul3A = arith.constant 2 : i32
    %mul3A_0 = arith.muli %arg1, %mul3A : i32
    %add3A = arith.addi %mul3A_0, %arg0 : i32
    %mul3A_1 = arith.constant 64 : i32
    %mul3A_2 = arith.muli %add3A, %mul3A_1 : i32
    %scan3A = arith.constant 0 : i32
    %mul3A_3 = arith.constant 1 : i32
    %mul3A_4 = arith.muli %scan3A, %mul3A_3 : i32
    %add3A_5 = arith.constant 0 : i32
    %add3A_6 = arith.addi %add3A_5, %mul3A_4 : i32
    %mul3A_7 = arith.constant 64 : i32
    %mul3A_8 = arith.muli %add3A_6, %mul3A_7 : i32
    %add3A_9 = arith.addi %mul3A_2, %mul3A_8 : i32
    %add3A_10 = arith.constant 14336 : i32
    %add3A_11 = arith.addi %add3A_10, %add3A_9 : i32
    %mul3A_12 = arith.constant 50 : i32
    %mul3A_13 = arith.muli %add3A_11, %mul3A_12 : i32
    "tpu.region"() ({
      %run_scoped3A = tpu.sem_alloc : memref<!tpu.dma_semaphore, #tpu.memory_space<semaphore_mem>>
      %dma_start3A_29 = tpu.memref_slice %arg3[%mul3A_13] : memref<819200xi32, #tpu.memory_space<hbm>> -> memref<3200xi32, #tpu.memory_space<hbm>>
      %dma_start3A_30 = tpu.memref_slice %arg3[%mul3A_13] : memref<819200xi32, #tpu.memory_space<hbm>> -> memref<3200xi32, #tpu.memory_space<hbm>>
      tpu.enqueue_dma source(%dma_start3A_30 : memref<3200xi32, #tpu.memory_space<hbm>>) target(%arg5 : memref<3200xi32, #tpu.memory_space<vmem>>) target_semaphore(%run_scoped3A : memref<!tpu.dma_semaphore, #tpu.memory_space<semaphore_mem>>)
      %dma_wait3A_31 = tpu.memref_slice %arg3[%mul3A_13] : memref<819200xi32, #tpu.memory_space<hbm>> -> memref<3200xi32, #tpu.memory_space<hbm>>
      %dma_wait3A_32 = tpu.memref_slice %arg3[%mul3A_13] : memref<819200xi32, #tpu.memory_space<hbm>> -> memref<3200xi32, #tpu.memory_space<hbm>>
      tpu.wait_dma2 semaphore(%run_scoped3A : memref<!tpu.dma_semaphore, #tpu.memory_space<semaphore_mem>>) src(%dma_wait3A_32 : memref<3200xi32, #tpu.memory_space<hbm>>) dst(%arg5 : memref<3200xi32, #tpu.memory_space<vmem>>)
      tpu.yield
    }) : () -> ()
    %dma_start3A = arith.constant 0 : i32
    %dma_start3A_14 = arith.constant 0 : i32
    %dma_start3A_15 = tpu.memref_slice %arg2[%dma_start3A, %dma_start3A_14] : memref<1000000x32xf32, #tpu.memory_space<hbm>> -> memref<1000000x32xf32, #tpu.memory_space<hbm>>
    tpu.enqueue_indirect_dma source(%dma_start3A_15 : memref<1000000x32xf32, #tpu.memory_space<hbm>>) target(%arg6 : memref<3200x32xf32, #tpu.memory_space<vmem>>) offsets(%arg5 : memref<3200xi32, #tpu.memory_space<vmem>>) semaphore(%arg7 : memref<!tpu.dma_semaphore, #tpu.memory_space<semaphore_mem>>)
    %dma_wait3A = arith.constant 0 : i32
    %dma_wait3A_16 = arith.constant 0 : i32
    %dma_wait3A_17 = tpu.memref_slice %arg2[%dma_wait3A, %dma_wait3A_16] : memref<1000000x32xf32, #tpu.memory_space<hbm>> -> memref<1000000x32xf32, #tpu.memory_space<hbm>>
    tpu.wait_indirect_dma semaphore(%arg7 : memref<!tpu.dma_semaphore, #tpu.memory_space<semaphore_mem>>) src(%dma_wait3A_17 : memref<1000000x32xf32, #tpu.memory_space<hbm>>) dst(%arg6 : memref<3200x32xf32, #tpu.memory_space<vmem>>)
    %scan3A_18 = arith.constant 0 : i32
    %scan3A_19 = arith.constant 64 : i32
    %scan3A_20 = arith.addi %scan3A_18, %scan3A_19 : i32
    %scan3A_21 = arith.constant 1 : i32
    scf.for %scan3A_29 = %scan3A_18 to %scan3A_20 step %scan3A_21  : i32 {
      %mul3A_30 = arith.constant 1 : i32
      %mul3A_31 = arith.muli %scan3A_29, %mul3A_30 : i32
      %add3A_32 = arith.constant 0 : i32
      %add3A_33 = arith.addi %add3A_32, %mul3A_31 : i32
      %mul3A_34 = arith.constant 50 : i32
      %mul3A_35 = arith.muli %add3A_33, %mul3A_34 : i32
      %add3A_36 = arith.addi %add3A_9, %add3A_33 : i32
      %dma_start3A_37 = arith.constant 0 : i32
      %dma_start3A_38 = tpu.memref_slice %arg6[%mul3A_35, %dma_start3A_37] : memref<3200x32xf32, #tpu.memory_space<vmem>> -> memref<50x32xf32, #tpu.memory_space<vmem>>
      %dma_start3A_39 = arith.constant 0 : i32
      %dma_start3A_40 = arith.constant 0 : i32
      %dma_start3A_41 = tpu.memref_slice %arg4[%add3A_36, %dma_start3A_39, %dma_start3A_40] : memref<2048x50x32xf32, #tpu.memory_space<hbm>> -> memref<1x50x32xf32, #tpu.memory_space<hbm>>
      %dma_start3A_42 = tpu.memref_squeeze %dma_start3A_41 : memref<1x50x32xf32, #tpu.memory_space<hbm>> -> memref<50x32xf32, #tpu.memory_space<hbm>>
      %dma_start3A_43 = arith.constant 0 : i32
      %dma_start3A_44 = arith.constant 0 : i32
      %dma_start3A_45 = tpu.memref_slice %arg4[%add3A_36, %dma_start3A_43, %dma_start3A_44] : memref<2048x50x32xf32, #tpu.memory_space<hbm>> -> memref<1x50x32xf32, #tpu.memory_space<hbm>>
      %dma_start3A_46 = tpu.memref_squeeze %dma_start3A_45 : memref<1x50x32xf32, #tpu.memory_space<hbm>> -> memref<50x32xf32, #tpu.memory_space<hbm>>
      %dma_start3A_47 = arith.constant 0 : i32
      %dma_start3A_48 = tpu.memref_slice %arg6[%mul3A_35, %dma_start3A_47] : memref<3200x32xf32, #tpu.memory_space<vmem>> -> memref<50x32xf32, #tpu.memory_space<vmem>>
      tpu.enqueue_dma source(%dma_start3A_48 : memref<50x32xf32, #tpu.memory_space<vmem>>) target(%dma_start3A_46 : memref<50x32xf32, #tpu.memory_space<hbm>>) target_semaphore(%arg8 : memref<!tpu.dma_semaphore, #tpu.memory_space<semaphore_mem>>)
    }
    %scan3A_22 = arith.constant 64 : i32
    %scan3A_23 = arith.constant 0 : i32
    %scan3A_24 = arith.constant 64 : i32
    %scan3A_25 = arith.addi %scan3A_23, %scan3A_24 : i32
    %scan3A_26 = arith.constant 1 : i32
    scf.for %scan3A_29 = %scan3A_23 to %scan3A_25 step %scan3A_26  : i32 {
      %mul3A_30 = arith.constant 1 : i32
      %mul3A_31 = arith.muli %scan3A_29, %mul3A_30 : i32
      %add3A_32 = arith.constant 0 : i32
      %add3A_33 = arith.addi %add3A_32, %mul3A_31 : i32
      %mul3A_34 = arith.constant 50 : i32
      %mul3A_35 = arith.muli %add3A_33, %mul3A_34 : i32
      %add3A_36 = arith.addi %add3A_9, %add3A_33 : i32
      %dma_wait3A_37 = arith.constant 0 : i32
      %dma_wait3A_38 = tpu.memref_slice %arg6[%mul3A_35, %dma_wait3A_37] : memref<3200x32xf32, #tpu.memory_space<vmem>> -> memref<50x32xf32, #tpu.memory_space<vmem>>
      %dma_wait3A_39 = arith.constant 0 : i32
      %dma_wait3A_40 = arith.constant 0 : i32
      %dma_wait3A_41 = tpu.memref_slice %arg4[%add3A_36, %dma_wait3A_39, %dma_wait3A_40] : memref<2048x50x32xf32, #tpu.memory_space<hbm>> -> memref<1x50x32xf32, #tpu.memory_space<hbm>>
      %dma_wait3A_42 = tpu.memref_squeeze %dma_wait3A_41 : memref<1x50x32xf32, #tpu.memory_space<hbm>> -> memref<50x32xf32, #tpu.memory_space<hbm>>
      %dma_wait3A_43 = arith.constant 0 : i32
      %dma_wait3A_44 = arith.constant 0 : i32
      %dma_wait3A_45 = tpu.memref_slice %arg4[%add3A_36, %dma_wait3A_43, %dma_wait3A_44] : memref<2048x50x32xf32, #tpu.memory_space<hbm>> -> memref<1x50x32xf32, #tpu.memory_space<hbm>>
      %dma_wait3A_46 = tpu.memref_squeeze %dma_wait3A_45 : memref<1x50x32xf32, #tpu.memory_space<hbm>> -> memref<50x32xf32, #tpu.memory_space<hbm>>
      %dma_wait3A_47 = arith.constant 0 : i32
      %dma_wait3A_48 = tpu.memref_slice %arg6[%mul3A_35, %dma_wait3A_47] : memref<3200x32xf32, #tpu.memory_space<vmem>> -> memref<50x32xf32, #tpu.memory_space<vmem>>
      tpu.wait_dma2 semaphore(%arg8 : memref<!tpu.dma_semaphore, #tpu.memory_space<semaphore_mem>>) src(%dma_wait3A_48 : memref<50x32xf32, #tpu.memory_space<vmem>>) dst(%dma_wait3A_46 : memref<50x32xf32, #tpu.memory_space<hbm>>)
    }
    %scan3A_27 = arith.constant 64 : i32
    %scan3A_28 = arith.constant 1 : i32
    return
  }
}

</mosaic_0001>

<sc_bundles>
// kernel: kernel.11.cloned.1.call-start
scs
__scs_entry_jumppad:
0x0: {  	(pc) =	sbr.rel $0x88, $3  }
0x1: {  	(tag) =	ssettag $0x0;
	lr =	simm.s32 $0x1  }
0x2: {  	[smem:$0x3F9F] =	sst lr;
	_ =	strace $0xD0000000  }
0x3: {  	_ = 	snop  }
0x4: {  	_ = 	snop  }
0x5: {  	_ = 	snop  }
0x6: {  	_ = 	snop  }
0x7: {  	_ = 	snop  }
__scs_overlays_trampoline_lowered:
0x8: {  	[smem:$0x3FAE] =	sst s0  }
0x9: {  	[smem:$0x3FAF] =	sst s1  }
0xa: {  	[smem:$0x3FB0] =	sst s2  }
0xb: {  	[smem:$0x3FB1] =	sst s3  }
0xc: {  	[smem:$0x3FB2] =	sst s4  }
0xd: {  	[smem:$0x3FB3] =	sst s5  }
0xe: {  	[smem:$0x3FB4] =	sst s6  }
0xf: {  	[smem:$0x3FB5] =	sst s7  }
0x10: {  	[smem:$0x3FB6] =	sst s8  }
0x11: {  	[smem:$0x3FB7] =	sst s9;
	s0 =	simm.s32 @!p0 $0x0  }
0x12: {  	s1 =	sld [smem:$0x3F9D];
	s0 =	simm.s32 @p0 $0x1  }
0x13: {  	[smem:$0x3FB8] =	sst s0;
	s0 =	simm.s32 @!p1 $0x0  }
0x14: {  	s2 =	sld [smem:$0x3F9C];
	s0 =	simm.s32 @p1 $0x1  }
0x15: {  	[smem:$0x3FB9] =	sst s0;
	s0 =	simm.s32 @!p2 $0x0  }
0x16: {  	s3 =	sld [smem:$0x3FDB];
	s0 =	simm.s32 @p2 $0x1  }
0x17: {  	s4 =	simm.s32 $0x1BF5;
	[smem:$0x3FBB] =	sst s0  }
0x18: {  	s0 =	sld [smem:$0x3F9E];
	_ =	swait.ge [sflag:s4], $0x0  }
0x19: {  	s7 =	sld [smem:$0x3F9F]  }
0x1a: {  	s8 =	sadd.s32 $0xFFFFE003, lr  }
0x1b: {  	s9 =	sadd.s32 $0xFFFFFEF7, lr;
	s5 =	simm.s32 $0xFFFFFFFF;
	p2 =	slt.u32 s8, $0xFFFFF086  }
0x1c: {  	p1 =	slt.u32 s9, $0xF7A;
	s5 =	simm.s32 @!p2 $0x0  }
0x1d: {  	s5 =	simm.s32 @p1 $0x1;
	p0 =	seq.s32 s7, s2  }
0x1e: {  	s7 =	smul.u32 @!p0 $0xF7A, s2;
	p2 =	seq.s32 @!p0 s5, $0x0  }
0x1f: {  	s9 =	smul.u32 $0xF7A, s1;
	s8 =	simm.s32 @!p0 $0x1BF5;
	p2 =	por !p2, p0  }
0x20: {  	[sflag:s8] =	ssyncset.s32 @!p0 $0xFFFFF086;
	s6 =	sadd.s32 @!p0 s3, s7;
	s7 =	simm.s32 @!p0 $0x108  }
0x21: {  	s3 =	sadd.s32 s3, s9;
	s6 =	sadd.s32 @!p0 $0x88, s6;
	s7 =	simm.s32 @p2 $0x1082  }
0x22: {  	[simem:s7], [sflag:s8] =	dma.local @!p0 [hbm:s6], $0xF7A  }
0x23: {  	s9 =	sor.u32 $0xD0000000, s2;
	s6 =	simm.s32 $0x108;
	_ =	swait.ge @!p0 [sflag:s8], $0x0  }
0x24: {  	s3 =	sadd.s32 $0x88, s3;
	s6 =	simm.s32 @!p1 $0x1082;
	[sflag:s4] =	ssyncset.s32 $0xFFFFF086  }
0x25: {  	[simem:s6], [sflag:s4] =	dma.local [hbm:s3], $0xF7A  }
0x26: {  	[smem:$0x3F9F] =	sst s1;
	(tag) =	ssettag s2;
	_ =	strace s9  }
0x27: {  	s1 =	sld [smem:$0x3FAF]  }
0x28: {  	s2 =	sld [smem:$0x3FB0]  }
0x29: {  	s4 =	sld [smem:$0x3FB2]  }
0x2a: {  	p0 =	seq.s32 s5, $0x0;
	s5 =	sld [smem:$0x3FB3]  }
0x2b: {  	s6 =	sld [smem:$0x3FB4]  }
0x2c: {  	s7 =	sld [smem:$0x3FB5]  }
0x2d: {  	s3 =	simm.s32 $0x108;
	s8 =	sld [smem:$0x3FB6]  }
0x2e: {  	s3 =	simm.s32 @!p0 $0x1082;
	s9 =	sld [smem:$0x3FB7]  }
0x2f: {  	lr =	sadd.s32 s0, s3;
	s0 =	sld [smem:$0x3FAE]  }
0x30: {  	s3 =	sld [smem:$0x3FB1]  }
0x31: {  	[smem:$0x3FBA] =	sst s10  }
0x32: {  	s10 =	sld [smem:$0x3FB8];
	_ =	sdelay $0x3  }
0x33: {  	p0 =	seq.s32 s10, $0x1;
	s10 =	sld [smem:$0x3FBA];
	_ =	sdelay $0x3  }
0x34: {  	[smem:$0x3FBA] =	sst s10  }
0x35: {  	s10 =	sld [smem:$0x3FB9];
	_ =	sdelay $0x3  }
0x36: {  	p1 =	seq.s32 s10, $0x1;
	s10 =	sld [smem:$0x3FBA];
	_ =	sdelay $0x3  }
0x37: {  	[smem:$0x3FBA] =	sst s10  }
0x38: {  	s10 =	sld [smem:$0x3FBB]  }
0x39: {  	_ = 	snop;
	(pc) =	sbr.ind lr, $3  }
0x3a: {  	_ = 	snop  }
0x3b: {  	_ = 	snop  }
0x3c: {  	p2 =	seq.s32 s10, $0x1;
	s10 =	sld [smem:$0x3FBA]  }
0x3d: {  	_ =	shalt  }
0x3e: {  	_ =	shalt  }
0x3f: {  	_ =	shalt  }
0x40: {  	_ =	shalt  }
0x41: {  	_ =	shalt  }
0x42: {  	_ =	shalt  }
0x43: {  	_ =	shalt  }
0x44: {  	_ =	shalt  }
0x45: {  	_ =	shalt  }
0x46: {  	_ =	shalt  }
0x47: {  	_ =	shalt  }
0x48: {  	_ =	shalt  }
0x49: {  	_ =	shalt  }
0x4a: {  	_ =	shalt  }
0x4b: {  	_ =	shalt  }
0x4c: {  	_ =	shalt  }
0x4d: {  	_ =	shalt  }
0x4e: {  	_ =	shalt  }
0x4f: {  	_ =	shalt  }
0x50: {  	_ =	shalt  }
0x51: {  	_ =	shalt  }
0x52: {  	_ =	shalt  }
0x53: {  	_ =	shalt  }
0x54: {  	_ =	shalt  }
0x55: {  	_ =	shalt  }
0x56: {  	_ =	shalt  }
0x57: {  	_ =	shalt  }
0x58: {  	_ =	shalt  }
0x59: {  	_ =	shalt  }
0x5a: {  	_ =	shalt  }
0x5b: {  	_ =	shalt  }
0x5c: {  	_ =	shalt  }
0x5d: {  	_ =	shalt  }
0x5e: {  	_ =	shalt  }
0x5f: {  	_ =	shalt  }
0x60: {  	_ =	shalt  }
0x61: {  	_ =	shalt  }
0x62: {  	_ =	shalt  }
0x63: {  	_ =	shalt  }
0x64: {  	_ =	shalt  }
0x65: {  	_ =	shalt  }
0x66: {  	_ =	shalt  }
0x67: {  	_ =	shalt  }
0x68: {  	_ =	shalt  }
0x69: {  	_ =	shalt  }
0x6a: {  	_ =	shalt  }
0x6b: {  	_ =	shalt  }
0x6c: {  	_ =	shalt  }
0x6d: {  	_ =	shalt  }
0x6e: {  	_ =	shalt  }
0x6f: {  	_ =	shalt  }
0x70: {  	_ =	shalt  }
0x71: {  	_ =	shalt  }
0x72: {  	_ =	shalt  }
0x73: {  	_ =	shalt  }
0x74: {  	_ =	shalt  }
0x75: {  	_ =	shalt  }
0x76: {  	_ =	shalt  }
0x77: {  	_ =	shalt  }
0x78: {  	_ =	shalt  }
0x79: {  	_ =	shalt  }
0x7a: {  	_ =	shalt  }
0x7b: {  	_ =	shalt  }
0x7c: {  	_ =	shalt  }
0x7d: {  	_ =	shalt  }
0x7e: {  	_ =	shalt  }
0x7f: {  	_ =	shalt  }
0x80: {  	_ =	shalt  }
0x81: {  	_ =	shalt  }
0x82: {  	_ =	shalt  }
0x83: {  	_ =	shalt  }
0x84: {  	_ =	shalt  }
0x85: {  	_ =	shalt  }
0x86: {  	_ =	shalt  }
0x87: {  	_ =	shalt  }
.Lfunc_end0:
.L_simem_size_0:
called_computation_lowered:
.L_overlay_start_0:
0x88: {  	s2 =	sld [smem:$0x3FD9]  }
0x89: {  	s3 =	sld [smem:$0x3FFE];
	_ =	sdelay $0x1  }
0x8a: {  	s1 =	srdreg.scid  }
0x8b: {  	s0 =	sand.u32 $0x1, s1  }
0x8c: {  	s17 =	sshll.u32 s0, $0xA;
	s2 =	sadd.s32 s3, s2  }
0x8d: {  	s2 =	sadd.s32 s2, s17  }
0x8e: {  	[smem:$0x3FC6] =	sst s2  }
0x8f: {  	_ = 	snop  }
0x90: {  	s2 =	sld [smem:$0x3FD0];
	(tm) =	ssettm $0x1  }
0x91: {  	s18 =	sld [smem:$0x3FFB];
	_ =	sdelay $0x3  }
0x92: {  	_ =	strace s18  }
0x93: {  	s3 =	sld [smem:$0x3FFC];
	_ =	sdelay $0x3  }
0x94: {  	_ =	strace s3  }
0x95: {  	s3 =	sld [smem:$0x3FFD];
	_ =	sdelay $0x3  }
0x96: {  	_ =	strace s3  }
0x97: {  	_ =	strace $0x8FFFFFFF  }
0x98: {  	s19 =	sld [smem:$0x3FDB];
	_ =	sdelay $0x1  }
0x99: {  	s4 =	simm.s32 $_scs_section_size  }
0x9a: {  	s5 =	simm.s32 $_size__tile_overlayer_lowered;
	s6 =	simm.s32 $_tile_overlayer_lowered  }
0x9b: {  	s22 =	simm.s32 $0x1BFF;
	s21 =	sshll.u32 s6, $0x1;
	s3 =	sadd.s32 s4, s19  }
0x9c: {  	s7 =	simm.s32 $0x0;
	s20 =	sshll.u32 s5, $0x1;
	s5 =	sadd.s32 s21, s3  }
0x9d: {  	[timem:s7], [sflag:s22] =	dma.local [hbm:s5], s20  }
0x9e: {  	_ =	swait.ge [sflag:s22], s20  }
0x9f: {  	s4 =	ssub.s32 $0x0, s20;
	[sflag:s22] =	ssyncset.done $0x0  }
0xa0: {  	[sflag:s22] =	ssyncadd.s32 s4;
	_ =	sdelay $0x1  }
0xa1: {  	s23 =	simm.s32 $0x1B8B  }
0xa2: {  	_ =	swait.ge [sflag:s23], $0x1  }
0xa3: {  	[sflag:s23] =	ssyncset.done $0x0  }
0xa4: {  	s25 =	simm.s32 $0x1B8E;
	s24 =	sld [smem:$0x3FFE];
	[sflag:s23] =	ssyncadd.s32 $0xFFFFFFFF  }
0xa5: {  	s26 =	simm.s32 $execute0_lowered;
	[smem:$0x3FD2] =	sst s25  }
0xa6: {  	s5 =	sshll.u32 s26, $0x1;
	_ =	strace $0x80000046;
	[dreg:$0x1] =	wrdreg $0xFFFFFFFF  }
0xa7: {  	s28 =	simm.s32 $_size_execute0_lowered;
	s3 =	sadd.s32 s3, s5;
	[dreg:$0x0] =	wrdreg $0x0  }
0xa8: {  	s5 =	sshll.u32 s28, $0x1;
	[dreg:$0x2] =	wrdreg s3  }
0xa9: {  	[dreg:$0x3] =	wrdreg s5  }
0xaa: {  	[dreg:$0x4] =	wrdreg $0xC0  }
0xab: {  	_ =	task [dreg:s7], $0x5FFFF  }
0xac: {  	[dreg:$0x1] =	wrdreg $0xFFFFFFFF  }
0xad: {  	[dreg:$0x0] =	wrdreg $0x60  }
0xae: {  	[dreg:$0x2] =	wrdreg s2  }
0xaf: {  	[dreg:$0x3] =	wrdreg s24  }
0xb0: {  	[dreg:$0x4] =	wrdreg $0x9  }
0xb1: {  	_ =	task.clear_ibuf [dreg:s7], $0x5FFFF;
	_ =	strace $0x90000046  }
0xb2: {  	s29 =	simm.s32 $0x9;
	_ =	strace $0x80000048  }
0xb3: {  	_ =	swait.ge [sflag:s29], $0x1  }
0xb4: {  	[sflag:s29] =	ssyncadd.s32 $0xFFFFFFFF  }
0xb5: {  	_ =	strace $0x90000048  }
0xb6: {  	_ =	sfence  }
0xb7: {  	s30 =	sld [smem:$0x0];
	_ =	sdelay $0x2  }
0xb8: {  	s31 =	sshll.u32 s1, $0xD;
	s1 =	sshrl.u32 s1, $0x2  }
0xb9: {  	s3 =	sand.u32 $0x4000, s31;
	s1 =	sadd.s32 s1, s30  }
0xba: {  	s0 =	sor.u32 s3, s0;
	s1 =	sshll.u32 s1, $0x11  }
0xbb: {  	s0 =	sor.u32 s1, s0  }
0xbc: {  	s0 =	sadd.s32 $0x8F2B, s0  }
0xbd: {  	[sflag:s0] =	ssyncadd.remote.s32 $0x1  }
0xbe: {  	_ =	sfence.sel $0xFFFF  }
0xbf: {  	[dreg:$0x0] =	wrdreg $0xFFFFFFFF;
	(pc) =	sbr.abs _section_cstart, $3  }
0xc0: {  	[dreg:$0x1] =	wrdreg $0xFFFFFFFF  }
0xc1: {  	_ =	task.clear_ibuf [dreg:s7], $0x2FFFF;
	_ =	strace $0x9FFFFFFF  }
0xc2: {  	(tm) =	ssettm $0x7FFFFFFF  }
0xc3: {  	_ =	shalt  }
tec
execute0_lowered:
.L_overlay_start_1:
0x0: {  	(tag) =	ssettag $0x1  }
0x1: {  	s3 =	rddreg [dreg:$0x0];
	s1 =	srdreg.scid  }
0x2: {  	s0 =	stileid.u32;
	s4 =	rddreg [dreg:$0x1];
	s2 =	simm.s32 $0x0  }
0x3: {  	s5 =	sand.u32 $0x1, s1;
	s6 =	sshll.u32 s0, $0x1;
	s1 =	rddreg [dreg:$0x2]  }
0x4: {  	[smem:$0x7FF] =	sst s2;
	s6 =	sor.u32 s5, s6;
	s5 =	ssub.s32 $0x2, s5  }
0x5: {  	s7 =	smul.u32 $0xC80, s6;
	s8 =	sshrl.u32 s5, $0x1;
	s6 =	sshll.u32 s6, $0xD  }
0x6: {  	_ =	strace $0x80000047;
	s5 =	ssub.s32 s5, s8;
	s3 =	sadd.s32 s3, s6  }
0x7: {  	s6 =	simm.s32 $0x1;
	s8 =	simm.s32 $0x0;
	s4 =	sadd.s32 s7, s4  }
0x8: {  	s5 =	smax.u32 s5, $0x1;
	s7 =	simm.s32 $0x10000;
	s4 =	sadd.s32 $0x8400, s4  }
.LBB2_1:
0x9: {  	[tilespmem:s2], [sflag:$0x1] =	stream.linear.gather [hbm4b:s3+s2], $0x10000, $0x38;
	[tilespmem:$0x16400] =	vst v63  }
0xa: {  	_ =	swait.ge [sflag:s6], $0x10000  }
0xb: {  	[sflag:s6] =	ssyncset.done $0x0  }
0xc: {  	s9 =	simm.s32 $0x20;
	[sflag:s6] =	ssyncadd.s32 $0xFFFF0000  }
0xd: {  	s10 =	simm.s32 $0x88;
	s11 =	simm.s32 $0x150;
	v0 =	vld [tilespmem:s9+$0xFFFFFFE0]  }
.LBB2_2:
0xe: {  	p0 =	sne.s32 s11, $0x18FC0;
	_ =	sdelay $0x2  }
0xf: {  	s12 =	sshra.s32 s10, $0x2;
	s10 =	smov.u32 s11  }
0x10: {  	[tilespmem:s12+$0xFFDE] =	vst v0  }
0x11: {  	v0 =	vld [tilespmem:s9+$0xFFFFFFF0];
	_ =	sdelay $0x4  }
0x12: {  	[tilespmem:s12+$0xFFEE] =	vst v0  }
0x13: {  	v0 =	vld [tilespmem:s9+$0x0];
	_ =	sdelay $0x4  }
0x14: {  	[tilespmem:s12+$0xFFFE] =	vst v0  }
0x15: {  	v0 =	vld [tilespmem:s9+$0x2];
	_ =	sdelay $0x1  }
.Ltmp0:
0x16: {  	(pc) =	sbr.rel @p0 .LBB2_2-.Ltmp0, $3  }
0x17: {  	_ =	sdelay $0x1  }
0x18: {  	s9 =	sadd.s32 $0x80, s9;
	[tilespmem:s12+$0x10000] =	vst v0  }
0x19: {  	s11 =	sadd.s32 $0xC8, s11;
	v0 =	vld [tilespmem:s9+$0xFFFFFFE0]  }
0x1a: {  	_ =	sdelay $0x2  }
0x1b: {  	s10 =	sshra.s32 s10, $0x2  }
0x1c: {  	[tilespmem:s10+$0xFFDE] =	vst v0  }
0x1d: {  	v0 =	vld [tilespmem:s9+$0xFFFFFFF0];
	_ =	sdelay $0x4  }
0x1e: {  	[tilespmem:s10+$0xFFEE] =	vst v0  }
0x1f: {  	v0 =	vld [tilespmem:s9+$0x0];
	_ =	sdelay $0x4  }
0x20: {  	[tilespmem:s10+$0xFFFE] =	vst v0  }
0x21: {  	v0 =	vld [tilespmem:s9+$0x2];
	_ =	sdelay $0x2  }
0x22: {  	s8 =	sadd.s32 $0x1, s8  }
0x23: {  	p0 =	sne.s32 s8, s5  }
.Ltmp1:
0x24: {  	[tilespmem:s10+$0x10000] =	vst v0;
	(pc) =	sbr.rel @p0 .LBB2_1-.Ltmp1, $4  }
0x25: {  	[hbm4b:s4+s2] =	stream.linear.scatter [tilespmem:s7], [sflag:$0x1], $0x6400, $0x38;
	[tilespmem:$0x16400] =	vst v63  }
0x26: {  	_ =	swait.ge [sflag:s6], $0x6400  }
0x27: {  	[sflag:s6] =	ssyncset.done $0x0  }
0x28: {  	[sflag:s6] =	ssyncadd.s32 $0xFFFF9C00  }
0x29: {  	_ =	sfence.sel $0x180000  }
0x2a: {  	[bflag:$0x0] =	sbarrier.arrive $0xFFFF  }
0x2b: {  	p0 =	sne.s32 s0, $0x0;
	_ =	strace $0x90000047  }
0x2c: {  	s0 =	sadd.s32 @!p0 $0x100000, s1;
	[bflag:$0x2] =	sbarrier.arrive $0xFFFF  }
0x2d: {  	[sflag:s0] =	ssyncadd.tile.s32 @!p0 $0x1;
	_ =	shalt  }
.Lfunc_end2:
_tile_overlayer_lowered:
.L_overlay_start_2:
0x2e: {  	(tag) =	ssettag $0x2  }
0x2f: {  	s0 =	rddreg [dreg:$0x0];
	s2 =	stileid.u32  }
0x30: {  	s1 =	rddreg [dreg:$0x1];
	p0 =	sne.s32 s2, $0x0  }
0x31: {  	s3 =	rddreg [dreg:$0x2];
	[bflag:$0x3] =	sbarrier.arrive $0xFFFF;
	s2 =	simm.s32 @!p0 $0x1C01  }
0x32: {  	[timem:s3], [sflag:s2] =	dma.local @!p0 [hbm:s0], s1  }
0x33: {  	s0 =	simm.s32 @!p0 $0x1  }
0x34: {  	_ =	swait.ge @!p0 [sflag:s0], s1  }
0x35: {  	s1 =	ssub.s32 @!p0 $0x0, s1;
	[sflag:s0] =	ssyncset.done @!p0 $0x0  }
0x36: {  	[sflag:s0] =	ssyncadd.s32 @!p0 s1  }
0x37: {  	[bflag:$0x3] =	sbarrier.arrive $0xFFFF  }
0x38: {  	_ =	shalt  }

// kernel: kernel.14.cloned.1.call-start
scs
__scs_entry_jumppad:
0x0: {  	(pc) =	sbr.rel $0x88, $3  }
0x1: {  	(tag) =	ssettag $0x0;
	lr =	simm.s32 $0x1  }
0x2: {  	[smem:$0x3F9F] =	sst lr;
	_ =	strace $0xD0000000  }
0x3: {  	_ = 	snop  }
0x4: {  	_ = 	snop  }
0x5: {  	_ = 	snop  }
0x6: {  	_ = 	snop  }
0x7: {  	_ = 	snop  }
__scs_overlays_trampoline_lowered:
0x8: {  	[smem:$0x3FAE] =	sst s0  }
0x9: {  	[smem:$0x3FAF] =	sst s1  }
0xa: {  	[smem:$0x3FB0] =	sst s2  }
0xb: {  	[smem:$0x3FB1] =	sst s3  }
0xc: {  	[smem:$0x3FB2] =	sst s4  }
0xd: {  	[smem:$0x3FB3] =	sst s5  }
0xe: {  	[smem:$0x3FB4] =	sst s6  }
0xf: {  	[smem:$0x3FB5] =	sst s7  }
0x10: {  	[smem:$0x3FB6] =	sst s8  }
0x11: {  	[smem:$0x3FB7] =	sst s9;
	s0 =	simm.s32 @!p0 $0x0  }
0x12: {  	s1 =	sld [smem:$0x3F9D];
	s0 =	simm.s32 @p0 $0x1  }
0x13: {  	[smem:$0x3FB8] =	sst s0;
	s0 =	simm.s32 @!p1 $0x0  }
0x14: {  	s2 =	sld [smem:$0x3F9C];
	s0 =	simm.s32 @p1 $0x1  }
0x15: {  	[smem:$0x3FB9] =	sst s0;
	s0 =	simm.s32 @!p2 $0x0  }
0x16: {  	s3 =	sld [smem:$0x3FDB];
	s0 =	simm.s32 @p2 $0x1  }
0x17: {  	s4 =	simm.s32 $0x1BF5;
	[smem:$0x3FBB] =	sst s0  }
0x18: {  	s0 =	sld [smem:$0x3F9E];
	_ =	swait.ge [sflag:s4], $0x0  }
0x19: {  	s7 =	sld [smem:$0x3F9F]  }
0x1a: {  	s8 =	sadd.s32 $0xFFFFE003, lr  }
0x1b: {  	s9 =	sadd.s32 $0xFFFFFEF7, lr;
	s5 =	simm.s32 $0xFFFFFFFF;
	p2 =	slt.u32 s8, $0xFFFFF086  }
0x1c: {  	p1 =	slt.u32 s9, $0xF7A;
	s5 =	simm.s32 @!p2 $0x0  }
0x1d: {  	s5 =	simm.s32 @p1 $0x1;
	p0 =	seq.s32 s7, s2  }
0x1e: {  	s7 =	smul.u32 @!p0 $0xF7A, s2;
	p2 =	seq.s32 @!p0 s5, $0x0  }
0x1f: {  	s9 =	smul.u32 $0xF7A, s1;
	s8 =	simm.s32 @!p0 $0x1BF5;
	p2 =	por !p2, p0  }
0x20: {  	[sflag:s8] =	ssyncset.s32 @!p0 $0xFFFFF086;
	s6 =	sadd.s32 @!p0 s3, s7;
	s7 =	simm.s32 @!p0 $0x108  }
0x21: {  	s3 =	sadd.s32 s3, s9;
	s6 =	sadd.s32 @!p0 $0x88, s6;
	s7 =	simm.s32 @p2 $0x1082  }
0x22: {  	[simem:s7], [sflag:s8] =	dma.local @!p0 [hbm:s6], $0xF7A  }
0x23: {  	s9 =	sor.u32 $0xD0000000, s2;
	s6 =	simm.s32 $0x108;
	_ =	swait.ge @!p0 [sflag:s8], $0x0  }
0x24: {  	s3 =	sadd.s32 $0x88, s3;
	s6 =	simm.s32 @!p1 $0x1082;
	[sflag:s4] =	ssyncset.s32 $0xFFFFF086  }
0x25: {  	[simem:s6], [sflag:s4] =	dma.local [hbm:s3], $0xF7A  }
0x26: {  	[smem:$0x3F9F] =	sst s1;
	(tag) =	ssettag s2;
	_ =	strace s9  }
0x27: {  	s1 =	sld [smem:$0x3FAF]  }
0x28: {  	s2 =	sld [smem:$0x3FB0]  }
0x29: {  	s4 =	sld [smem:$0x3FB2]  }
0x2a: {  	p0 =	seq.s32 s5, $0x0;
	s5 =	sld [smem:$0x3FB3]  }
0x2b: {  	s6 =	sld [smem:$0x3FB4]  }
0x2c: {  	s7 =	sld [smem:$0x3FB5]  }
0x2d: {  	s3 =	simm.s32 $0x108;
	s8 =	sld [smem:$0x3FB6]  }
0x2e: {  	s3 =	simm.s32 @!p0 $0x1082;
	s9 =	sld [smem:$0x3FB7]  }
0x2f: {  	lr =	sadd.s32 s0, s3;
	s0 =	sld [smem:$0x3FAE]  }
0x30: {  	s3 =	sld [smem:$0x3FB1]  }
0x31: {  	[smem:$0x3FBA] =	sst s10  }
0x32: {  	s10 =	sld [smem:$0x3FB8];
	_ =	sdelay $0x3  }
0x33: {  	p0 =	seq.s32 s10, $0x1;
	s10 =	sld [smem:$0x3FBA];
	_ =	sdelay $0x3  }
0x34: {  	[smem:$0x3FBA] =	sst s10  }
0x35: {  	s10 =	sld [smem:$0x3FB9];
	_ =	sdelay $0x3  }
0x36: {  	p1 =	seq.s32 s10, $0x1;
	s10 =	sld [smem:$0x3FBA];
	_ =	sdelay $0x3  }
0x37: {  	[smem:$0x3FBA] =	sst s10  }
0x38: {  	s10 =	sld [smem:$0x3FBB]  }
0x39: {  	_ = 	snop;
	(pc) =	sbr.ind lr, $3  }
0x3a: {  	_ = 	snop  }
0x3b: {  	_ = 	snop  }
0x3c: {  	p2 =	seq.s32 s10, $0x1;
	s10 =	sld [smem:$0x3FBA]  }
0x3d: {  	_ =	shalt  }
0x3e: {  	_ =	shalt  }
0x3f: {  	_ =	shalt  }
0x40: {  	_ =	shalt  }
0x41: {  	_ =	shalt  }
0x42: {  	_ =	shalt  }
0x43: {  	_ =	shalt  }
0x44: {  	_ =	shalt  }
0x45: {  	_ =	shalt  }
0x46: {  	_ =	shalt  }
0x47: {  	_ =	shalt  }
0x48: {  	_ =	shalt  }
0x49: {  	_ =	shalt  }
0x4a: {  	_ =	shalt  }
0x4b: {  	_ =	shalt  }
0x4c: {  	_ =	shalt  }
0x4d: {  	_ =	shalt  }
0x4e: {  	_ =	shalt  }
0x4f: {  	_ =	shalt  }
0x50: {  	_ =	shalt  }
0x51: {  	_ =	shalt  }
0x52: {  	_ =	shalt  }
0x53: {  	_ =	shalt  }
0x54: {  	_ =	shalt  }
0x55: {  	_ =	shalt  }
0x56: {  	_ =	shalt  }
0x57: {  	_ =	shalt  }
0x58: {  	_ =	shalt  }
0x59: {  	_ =	shalt  }
0x5a: {  	_ =	shalt  }
0x5b: {  	_ =	shalt  }
0x5c: {  	_ =	shalt  }
0x5d: {  	_ =	shalt  }
0x5e: {  	_ =	shalt  }
0x5f: {  	_ =	shalt  }
0x60: {  	_ =	shalt  }
0x61: {  	_ =	shalt  }
0x62: {  	_ =	shalt  }
0x63: {  	_ =	shalt  }
0x64: {  	_ =	shalt  }
0x65: {  	_ =	shalt  }
0x66: {  	_ =	shalt  }
0x67: {  	_ =	shalt  }
0x68: {  	_ =	shalt  }
0x69: {  	_ =	shalt  }
0x6a: {  	_ =	shalt  }
0x6b: {  	_ =	shalt  }
0x6c: {  	_ =	shalt  }
0x6d: {  	_ =	shalt  }
0x6e: {  	_ =	shalt  }
0x6f: {  	_ =	shalt  }
0x70: {  	_ =	shalt  }
0x71: {  	_ =	shalt  }
0x72: {  	_ =	shalt  }
0x73: {  	_ =	shalt  }
0x74: {  	_ =	shalt  }
0x75: {  	_ =	shalt  }
0x76: {  	_ =	shalt  }
0x77: {  	_ =	shalt  }
0x78: {  	_ =	shalt  }
0x79: {  	_ =	shalt  }
0x7a: {  	_ =	shalt  }
0x7b: {  	_ =	shalt  }
0x7c: {  	_ =	shalt  }
0x7d: {  	_ =	shalt  }
0x7e: {  	_ =	shalt  }
0x7f: {  	_ =	shalt  }
0x80: {  	_ =	shalt  }
0x81: {  	_ =	shalt  }
0x82: {  	_ =	shalt  }
0x83: {  	_ =	shalt  }
0x84: {  	_ =	shalt  }
0x85: {  	_ =	shalt  }
0x86: {  	_ =	shalt  }
0x87: {  	_ =	shalt  }
.Lfunc_end0:
.L_simem_size_0:
called_computation.1_lowered:
.L_overlay_start_0:
0x88: {  	s2 =	sld [smem:$0x3FD9]  }
0x89: {  	s3 =	sld [smem:$0x3FFE];
	_ =	sdelay $0x1  }
0x8a: {  	s1 =	srdreg.scid  }
0x8b: {  	s0 =	sand.u32 $0x1, s1  }
0x8c: {  	s16 =	sshll.u32 s0, $0xA;
	s2 =	sadd.s32 s3, s2  }
0x8d: {  	s2 =	sadd.s32 s2, s16  }
0x8e: {  	[smem:$0x3FC6] =	sst s2  }
0x8f: {  	_ = 	snop  }
0x90: {  	(tm) =	ssettm $0x1  }
0x91: {  	s17 =	sld [smem:$0x3FFB];
	_ =	sdelay $0x3  }
0x92: {  	_ =	strace s17  }
0x93: {  	s2 =	sld [smem:$0x3FFC];
	_ =	sdelay $0x3  }
0x94: {  	_ =	strace s2  }
0x95: {  	s2 =	sld [smem:$0x3FFD];
	_ =	sdelay $0x3  }
0x96: {  	_ =	strace s2  }
0x97: {  	_ =	strace $0x8FFFFFFF  }
0x98: {  	s18 =	sld [smem:$0x3FDB];
	_ =	sdelay $0x1  }
0x99: {  	s19 =	simm.s32 $_scs_section_size  }
0x9a: {  	s4 =	simm.s32 $_size__tile_overlayer_lowered;
	s5 =	simm.s32 $_tile_overlayer_lowered  }
0x9b: {  	s22 =	simm.s32 $0x1BFF;
	s21 =	sshll.u32 s5, $0x1;
	s2 =	sadd.s32 s19, s18  }
0x9c: {  	s6 =	simm.s32 $0x0;
	s20 =	sshll.u32 s4, $0x1;
	s4 =	sadd.s32 s21, s2  }
0x9d: {  	[timem:s6], [sflag:s22] =	dma.local [hbm:s4], s20  }
0x9e: {  	_ =	swait.ge [sflag:s22], s20  }
0x9f: {  	s3 =	ssub.s32 $0x0, s20;
	[sflag:s22] =	ssyncset.done $0x0  }
0xa0: {  	[sflag:s22] =	ssyncadd.s32 s3;
	_ =	sdelay $0x1  }
0xa1: {  	s23 =	simm.s32 $0x1B8B  }
0xa2: {  	_ =	swait.ge [sflag:s23], $0x1  }
0xa3: {  	[sflag:s23] =	ssyncset.done $0x0  }
0xa4: {  	s25 =	simm.s32 $0x1B8E;
	s24 =	sld [smem:$0x3FFE];
	[sflag:s23] =	ssyncadd.s32 $0xFFFFFFFF  }
0xa5: {  	s26 =	simm.s32 $execute0_lowered;
	[smem:$0x3FD2] =	sst s25  }
0xa6: {  	s4 =	sshll.u32 s26, $0x1;
	_ =	strace $0x80000049;
	[dreg:$0x1] =	wrdreg $0xFFFFFFFF  }
0xa7: {  	s28 =	simm.s32 $_size_execute0_lowered;
	s2 =	sadd.s32 s2, s4;
	[dreg:$0x0] =	wrdreg $0x0  }
0xa8: {  	s4 =	sshll.u32 s28, $0x1;
	[dreg:$0x2] =	wrdreg s2  }
0xa9: {  	[dreg:$0x3] =	wrdreg s4  }
0xaa: {  	[dreg:$0x4] =	wrdreg $0xC0  }
0xab: {  	_ =	task [dreg:s6], $0x5FFFF  }
0xac: {  	[dreg:$0x1] =	wrdreg $0xFFFFFFFF  }
0xad: {  	[dreg:$0x0] =	wrdreg $0x60  }
0xae: {  	[dreg:$0x2] =	wrdreg s24  }
0xaf: {  	[dreg:$0x3] =	wrdreg $0x9  }
0xb0: {  	_ =	task.clear_ibuf [dreg:s6], $0x4FFFF;
	_ =	strace $0x90000049  }
0xb1: {  	s29 =	simm.s32 $0x9;
	_ =	strace $0x8000004B  }
0xb2: {  	_ =	swait.ge [sflag:s29], $0x1  }
0xb3: {  	[sflag:s29] =	ssyncadd.s32 $0xFFFFFFFF  }
0xb4: {  	_ =	strace $0x9000004B  }
0xb5: {  	_ =	sfence  }
0xb6: {  	s30 =	sld [smem:$0x0];
	_ =	sdelay $0x2  }
0xb7: {  	s31 =	sshll.u32 s1, $0xD;
	s1 =	sshrl.u32 s1, $0x2  }
0xb8: {  	s3 =	sand.u32 $0x4000, s31;
	s1 =	sadd.s32 s1, s30  }
0xb9: {  	s0 =	sor.u32 s3, s0;
	s1 =	sshll.u32 s1, $0x11  }
0xba: {  	s0 =	sor.u32 s1, s0  }
0xbb: {  	s0 =	sadd.s32 $0x8F2B, s0  }
0xbc: {  	[sflag:s0] =	ssyncadd.remote.s32 $0x1  }
0xbd: {  	_ =	sfence.sel $0xFFFF  }
0xbe: {  	[dreg:$0x0] =	wrdreg $0xFFFFFFFF;
	(pc) =	sbr.abs _section_cstart, $3  }
0xbf: {  	[dreg:$0x1] =	wrdreg $0xFFFFFFFF  }
0xc0: {  	_ =	task.clear_ibuf [dreg:s6], $0x2FFFF;
	_ =	strace $0x9FFFFFFF  }
0xc1: {  	(tm) =	ssettm $0x7FFFFFFF  }
tec
execute0_lowered:
.L_overlay_start_1:
0x0: {  	(tag) =	ssettag $0x1  }
0x1: {  	s1 =	srdreg.scid  }
0x2: {  	s0 =	stileid.u32;
	s4 =	rddreg [dreg:$0x0]  }
0x3: {  	s2 =	simm.s32 $0x0;
	s9 =	simm.s32 $0x2;
	s10 =	simm.s32 $0x0  }
0x4: {  	s5 =	sand.u32 $0x1, s1;
	s3 =	sshll.u32 s0, $0x1;
	s1 =	rddreg [dreg:$0x1]  }
0x5: {  	[smem:$0x7FF] =	sst s2;
	s7 =	smul.u32 $0x6400, s0;
	s3 =	sor.u32 s5, s3  }
0x6: {  	_ =	strace $0x8000004A;
	s8 =	ssub.s32 $0x2, s5;
	s5 =	smul.u32 $0x3200, s5  }
0x7: {  	s6 =	smul.u32 $0x190, s3;
	s7 =	sadd.s32 s7, s4;
	s30 =	sshrl.u32 s8, $0x1  }
0x8: {  	s3 =	sadd.s32 $0xF63800, s4;
	s8 =	ssub.s32 s8, s30;
	s31 =	sadd.s32 s5, s7  }
0x9: {  	s7 =	simm.s32 $0x3;
	s6 =	sadd.s32 s6, s4;
	s5 =	smax.u32 s8, $0x1  }
0xa: {  	s8 =	simm.s32 $0x1;
	s4 =	sadd.s32 $0x8400, s6;
	s6 =	sadd.s32 $0x21400, s31  }
.LBB2_1:
0xb: {  	[tilespmem:s2], [sflag:$0x3] =	stream.linear.gather [hbm4b:s4+s2], $0xC80, $0x38;
	[tilespmem:$0x19C80] =	vst v63  }
0xc: {  	_ =	swait.ge [sflag:s7], $0xC80  }
0xd: {  	[sflag:s7] =	ssyncset.done $0x0  }
0xe: {  	s11 =	simm.s32 $0xC80;
	[sflag:s7] =	ssyncadd.s32 $0xFFFFF380  }
0xf: {  	[tilespmem:s11], [sflag:$0x1] =	stream.indirect.gather [hbm4b:s3+s11], $0x20, s2, s11, $0xb8;
	[tilespmem:$0x19C80] =	vst v63  }
0x10: {  	_ =	swait.ge [sflag:s8], $0x19000  }
0x11: {  	[sflag:s8] =	ssyncset.done $0x0  }
0x12: {  	s12 =	simm.s32 $0x0;
	[sflag:s8] =	ssyncadd.s32 $0xFFFE7000  }
.LBB2_2:
0x13: {  	p0 =	sne.s32 s12, $0x3138  }
.Ltmp0:
0x14: {  	_ = 	snop;
	(pc) =	sbr.rel @p0 .LBB2_2-.Ltmp0, $4  }
0x15: {  	_ = 	snop  }
0x16: {  	s13 =	sadd.s32 s12, s6  }
0x17: {  	[hbm4b:s13+s2] =	stream.linear.scatter [tilespmem:s11], [sflag:$0x2], $0x640, $0x38;
	[tilespmem:$0x19C80] =	vst v63  }
0x18: {  	s12 =	sadd.s32 $0xC8, s12;
	s11 =	sadd.s32 $0x640, s11  }
0x19: {  	_ =	swait.ge [sflag:s9], $0x640  }
0x1a: {  	s11 =	simm.s32 $0x3F;
	[sflag:s9] =	ssyncset.done $0x0  }
.LBB2_4:
0x1b: {  	p0 =	sne.s32 s11, $0x1;
	s11 =	sadd.s32 $0xFFFFFFFF, s11;
	[sflag:s9] =	ssyncadd.s32 $0xFFFFF9C0  }
.Ltmp1:
0x1c: {  	(pc) =	sbr.rel @p0 .LBB2_4-.Ltmp1, $3  }
0x1d: {  	_ =	sdelay $0x1  }
0x1e: {  	_ =	swait.ge [sflag:s9], $0x640  }
0x1f: {  	[sflag:s9] =	ssyncset.done $0x0  }
0x20: {  	s10 =	sadd.s32 $0x1, s10  }
0x21: {  	p0 =	sne.s32 s10, s5  }
.Ltmp2:
0x22: {  	_ = 	snop;
	(pc) =	sbr.rel @p0 .LBB2_1-.Ltmp2, $2  }
0x23: {  	_ =	sdelay $0x2  }
0x24: {  	[sflag:s9] =	ssyncadd.s32 $0xFFFFF9C0  }
0x25: {  	_ =	sfence.sel $0x180000  }
0x26: {  	[bflag:$0x0] =	sbarrier.arrive $0xFFFF  }
0x27: {  	p0 =	sne.s32 s0, $0x0;
	_ =	strace $0x9000004A  }
0x28: {  	s0 =	sadd.s32 @!p0 $0x100000, s1;
	[bflag:$0x2] =	sbarrier.arrive $0xFFFF  }
0x29: {  	[sflag:s0] =	ssyncadd.tile.s32 @!p0 $0x1;
	_ =	shalt  }
.Lfunc_end2:
_tile_overlayer_lowered:
.L_overlay_start_2:
0x2a: {  	(tag) =	ssettag $0x2  }
0x2b: {  	s0 =	rddreg [dreg:$0x0];
	s2 =	stileid.u32  }
0x2c: {  	s1 =	rddreg [dreg:$0x1];
	p0 =	sne.s32 s2, $0x0  }
0x2d: {  	s3 =	rddreg [dreg:$0x2];
	[bflag:$0x3] =	sbarrier.arrive $0xFFFF;
	s2 =	simm.s32 @!p0 $0x1C03  }
0x2e: {  	[timem:s3], [sflag:s2] =	dma.local @!p0 [hbm:s0], s1  }
0x2f: {  	s0 =	simm.s32 @!p0 $0x3  }
0x30: {  	_ =	swait.ge @!p0 [sflag:s0], s1  }
0x31: {  	s1 =	ssub.s32 @!p0 $0x0, s1;
	[sflag:s0] =	ssyncset.done @!p0 $0x0  }
0x32: {  	[sflag:s0] =	ssyncadd.s32 @!p0 s1  }
0x33: {  	[bflag:$0x3] =	sbarrier.arrive $0xFFFF  }
0x34: {  	_ =	shalt  }

// kernel: kernel.17.cloned.1.call-start
scs
__scs_entry_jumppad:
0x0: {  	(pc) =	sbr.rel $0x88, $3  }
0x1: {  	(tag) =	ssettag $0x0;
	lr =	simm.s32 $0x1  }
0x2: {  	[smem:$0x3F9F] =	sst lr;
	_ =	strace $0xD0000000  }
0x3: {  	_ = 	snop  }
0x4: {  	_ = 	snop  }
0x5: {  	_ = 	snop  }
0x6: {  	_ = 	snop  }
0x7: {  	_ = 	snop  }
__scs_overlays_trampoline_lowered:
0x8: {  	[smem:$0x3FAE] =	sst s0  }
0x9: {  	[smem:$0x3FAF] =	sst s1  }
0xa: {  	[smem:$0x3FB0] =	sst s2  }
0xb: {  	[smem:$0x3FB1] =	sst s3  }
0xc: {  	[smem:$0x3FB2] =	sst s4  }
0xd: {  	[smem:$0x3FB3] =	sst s5  }
0xe: {  	[smem:$0x3FB4] =	sst s6  }
0xf: {  	[smem:$0x3FB5] =	sst s7  }
0x10: {  	[smem:$0x3FB6] =	sst s8  }
0x11: {  	[smem:$0x3FB7] =	sst s9;
	s0 =	simm.s32 @!p0 $0x0  }
0x12: {  	s1 =	sld [smem:$0x3F9D];
	s0 =	simm.s32 @p0 $0x1  }
0x13: {  	[smem:$0x3FB8] =	sst s0;
	s0 =	simm.s32 @!p1 $0x0  }
0x14: {  	s2 =	sld [smem:$0x3F9C];
	s0 =	simm.s32 @p1 $0x1  }
0x15: {  	[smem:$0x3FB9] =	sst s0;
	s0 =	simm.s32 @!p2 $0x0  }
0x16: {  	s3 =	sld [smem:$0x3FDB];
	s0 =	simm.s32 @p2 $0x1  }
0x17: {  	s4 =	simm.s32 $0x1BF5;
	[smem:$0x3FBB] =	sst s0  }
0x18: {  	s0 =	sld [smem:$0x3F9E];
	_ =	swait.ge [sflag:s4], $0x0  }
0x19: {  	s7 =	sld [smem:$0x3F9F]  }
0x1a: {  	s8 =	sadd.s32 $0xFFFFE003, lr  }
0x1b: {  	s9 =	sadd.s32 $0xFFFFFEF7, lr;
	s5 =	simm.s32 $0xFFFFFFFF;
	p2 =	slt.u32 s8, $0xFFFFF086  }
0x1c: {  	p1 =	slt.u32 s9, $0xF7A;
	s5 =	simm.s32 @!p2 $0x0  }
0x1d: {  	s5 =	simm.s32 @p1 $0x1;
	p0 =	seq.s32 s7, s2  }
0x1e: {  	s7 =	smul.u32 @!p0 $0xF7A, s2;
	p2 =	seq.s32 @!p0 s5, $0x0  }
0x1f: {  	s9 =	smul.u32 $0xF7A, s1;
	s8 =	simm.s32 @!p0 $0x1BF5;
	p2 =	por !p2, p0  }
0x20: {  	[sflag:s8] =	ssyncset.s32 @!p0 $0xFFFFF086;
	s6 =	sadd.s32 @!p0 s3, s7;
	s7 =	simm.s32 @!p0 $0x108  }
0x21: {  	s3 =	sadd.s32 s3, s9;
	s6 =	sadd.s32 @!p0 $0x88, s6;
	s7 =	simm.s32 @p2 $0x1082  }
0x22: {  	[simem:s7], [sflag:s8] =	dma.local @!p0 [hbm:s6], $0xF7A  }
0x23: {  	s9 =	sor.u32 $0xD0000000, s2;
	s6 =	simm.s32 $0x108;
	_ =	swait.ge @!p0 [sflag:s8], $0x0  }
0x24: {  	s3 =	sadd.s32 $0x88, s3;
	s6 =	simm.s32 @!p1 $0x1082;
	[sflag:s4] =	ssyncset.s32 $0xFFFFF086  }
0x25: {  	[simem:s6], [sflag:s4] =	dma.local [hbm:s3], $0xF7A  }
0x26: {  	[smem:$0x3F9F] =	sst s1;
	(tag) =	ssettag s2;
	_ =	strace s9  }
0x27: {  	s1 =	sld [smem:$0x3FAF]  }
0x28: {  	s2 =	sld [smem:$0x3FB0]  }
0x29: {  	s4 =	sld [smem:$0x3FB2]  }
0x2a: {  	p0 =	seq.s32 s5, $0x0;
	s5 =	sld [smem:$0x3FB3]  }
0x2b: {  	s6 =	sld [smem:$0x3FB4]  }
0x2c: {  	s7 =	sld [smem:$0x3FB5]  }
0x2d: {  	s3 =	simm.s32 $0x108;
	s8 =	sld [smem:$0x3FB6]  }
0x2e: {  	s3 =	simm.s32 @!p0 $0x1082;
	s9 =	sld [smem:$0x3FB7]  }
0x2f: {  	lr =	sadd.s32 s0, s3;
	s0 =	sld [smem:$0x3FAE]  }
0x30: {  	s3 =	sld [smem:$0x3FB1]  }
0x31: {  	[smem:$0x3FBA] =	sst s10  }
0x32: {  	s10 =	sld [smem:$0x3FB8];
	_ =	sdelay $0x3  }
0x33: {  	p0 =	seq.s32 s10, $0x1;
	s10 =	sld [smem:$0x3FBA];
	_ =	sdelay $0x3  }
0x34: {  	[smem:$0x3FBA] =	sst s10  }
0x35: {  	s10 =	sld [smem:$0x3FB9];
	_ =	sdelay $0x3  }
0x36: {  	p1 =	seq.s32 s10, $0x1;
	s10 =	sld [smem:$0x3FBA];
	_ =	sdelay $0x3  }
0x37: {  	[smem:$0x3FBA] =	sst s10  }
0x38: {  	s10 =	sld [smem:$0x3FBB]  }
0x39: {  	_ = 	snop;
	(pc) =	sbr.ind lr, $3  }
0x3a: {  	_ = 	snop  }
0x3b: {  	_ = 	snop  }
0x3c: {  	p2 =	seq.s32 s10, $0x1;
	s10 =	sld [smem:$0x3FBA]  }
0x3d: {  	_ =	shalt  }
0x3e: {  	_ =	shalt  }
0x3f: {  	_ =	shalt  }
0x40: {  	_ =	shalt  }
0x41: {  	_ =	shalt  }
0x42: {  	_ =	shalt  }
0x43: {  	_ =	shalt  }
0x44: {  	_ =	shalt  }
0x45: {  	_ =	shalt  }
0x46: {  	_ =	shalt  }
0x47: {  	_ =	shalt  }
0x48: {  	_ =	shalt  }
0x49: {  	_ =	shalt  }
0x4a: {  	_ =	shalt  }
0x4b: {  	_ =	shalt  }
0x4c: {  	_ =	shalt  }
0x4d: {  	_ =	shalt  }
0x4e: {  	_ =	shalt  }
0x4f: {  	_ =	shalt  }
0x50: {  	_ =	shalt  }
0x51: {  	_ =	shalt  }
0x52: {  	_ =	shalt  }
0x53: {  	_ =	shalt  }
0x54: {  	_ =	shalt  }
0x55: {  	_ =	shalt  }
0x56: {  	_ =	shalt  }
0x57: {  	_ =	shalt  }
0x58: {  	_ =	shalt  }
0x59: {  	_ =	shalt  }
0x5a: {  	_ =	shalt  }
0x5b: {  	_ =	shalt  }
0x5c: {  	_ =	shalt  }
0x5d: {  	_ =	shalt  }
0x5e: {  	_ =	shalt  }
0x5f: {  	_ =	shalt  }
0x60: {  	_ =	shalt  }
0x61: {  	_ =	shalt  }
0x62: {  	_ =	shalt  }
0x63: {  	_ =	shalt  }
0x64: {  	_ =	shalt  }
0x65: {  	_ =	shalt  }
0x66: {  	_ =	shalt  }
0x67: {  	_ =	shalt  }
0x68: {  	_ =	shalt  }
0x69: {  	_ =	shalt  }
0x6a: {  	_ =	shalt  }
0x6b: {  	_ =	shalt  }
0x6c: {  	_ =	shalt  }
0x6d: {  	_ =	shalt  }
0x6e: {  	_ =	shalt  }
0x6f: {  	_ =	shalt  }
0x70: {  	_ =	shalt  }
0x71: {  	_ =	shalt  }
0x72: {  	_ =	shalt  }
0x73: {  	_ =	shalt  }
0x74: {  	_ =	shalt  }
0x75: {  	_ =	shalt  }
0x76: {  	_ =	shalt  }
0x77: {  	_ =	shalt  }
0x78: {  	_ =	shalt  }
0x79: {  	_ =	shalt  }
0x7a: {  	_ =	shalt  }
0x7b: {  	_ =	shalt  }
0x7c: {  	_ =	shalt  }
0x7d: {  	_ =	shalt  }
0x7e: {  	_ =	shalt  }
0x7f: {  	_ =	shalt  }
0x80: {  	_ =	shalt  }
0x81: {  	_ =	shalt  }
0x82: {  	_ =	shalt  }
0x83: {  	_ =	shalt  }
0x84: {  	_ =	shalt  }
0x85: {  	_ =	shalt  }
0x86: {  	_ =	shalt  }
0x87: {  	_ =	shalt  }
.Lfunc_end0:
.L_simem_size_0:
called_computation.2_lowered:
.L_overlay_start_0:
0x88: {  	s2 =	sld [smem:$0x3FD9]  }
0x89: {  	s3 =	sld [smem:$0x3FFE];
	_ =	sdelay $0x1  }
0x8a: {  	s1 =	srdreg.scid  }
0x8b: {  	s0 =	sand.u32 $0x1, s1  }
0x8c: {  	s17 =	sshll.u32 s0, $0xA;
	s2 =	sadd.s32 s3, s2  }
0x8d: {  	s2 =	sadd.s32 s2, s17  }
0x8e: {  	[smem:$0x3FC6] =	sst s2  }
0x8f: {  	_ = 	snop  }
0x90: {  	(tm) =	ssettm $0x1  }
0x91: {  	s18 =	sld [smem:$0x3FFB];
	_ =	sdelay $0x3  }
0x92: {  	_ =	strace s18  }
0x93: {  	s2 =	sld [smem:$0x3FFC];
	_ =	sdelay $0x3  }
0x94: {  	_ =	strace s2  }
0x95: {  	s2 =	sld [smem:$0x3FFD];
	_ =	sdelay $0x3  }
0x96: {  	_ =	strace s2  }
0x97: {  	_ =	strace $0x8FFFFFFF  }
0x98: {  	s19 =	sld [smem:$0x3FDB];
	_ =	sdelay $0x1  }
0x99: {  	s20 =	simm.s32 $_scs_section_size  }
0x9a: {  	s4 =	simm.s32 $_size__tile_overlayer_lowered;
	s5 =	simm.s32 $_tile_overlayer_lowered  }
0x9b: {  	s6 =	simm.s32 $0x1BFF;
	s21 =	sshll.u32 s5, $0x1;
	s3 =	sadd.s32 s20, s19  }
0x9c: {  	s22 =	simm.s32 $0x0;
	s4 =	sshll.u32 s4, $0x1;
	s5 =	sadd.s32 s21, s3  }
0x9d: {  	[timem:s22], [sflag:s6] =	dma.local [hbm:s5], s4  }
0x9e: {  	_ =	swait.ge [sflag:s6], s4  }
0x9f: {  	s4 =	ssub.s32 $0x0, s4;
	[sflag:s6] =	ssyncset.done $0x0  }
0xa0: {  	[sflag:s6] =	ssyncadd.s32 s4;
	_ =	sdelay $0x1  }
0xa1: {  	s23 =	simm.s32 $0x1B8B  }
0xa2: {  	_ =	swait.ge [sflag:s23], $0x1  }
0xa3: {  	[sflag:s23] =	ssyncset.done $0x0  }
0xa4: {  	[sflag:s23] =	ssyncadd.s32 $0xFFFFFFFF  }
0xa5: {  	s4 =	sld [smem:$0x0]  }
0xa6: {  	s5 =	sand.u32 $0xFFFFFFFE, s1  }
0xa7: {  	p0 =	sne.s32 s1, s5  }
0xa8: {  	s5 =	sshll.u32 @p0 s5, $0xE  }
0xa9: {  	s5 =	sadd.s32 @p0 $0x11B8D, s5;
	s6 =	sshll.u32 @p0 s4, $0x11  }
0xaa: {  	s5 =	sor.u32 @p0 s6, s5  }
0xab: {  	[sflag:s5] =	ssyncadd.remote.s32 @p0 $0x1;
	_ =	sdelay $0x1  }
0xac: {  	s5 =	simm.s32 @p0 $0x1B8D  }
0xad: {  	_ =	swait.eq @p0 [sflag:s5], $0x1  }
0xae: {  	[sflag:s5] =	ssyncadd.s32 @p0 $0xFFFFFFFF  }
0xaf: {  	s6 =	sshll.u32 @!p0 s1, $0xE  }
0xb0: {  	s6 =	sor.u32 @!p0 $0x4000, s6;
	s5 =	simm.s32 @!p0 $0x1B8D  }
0xb1: {  	s4 =	sshll.u32 @!p0 s4, $0x11;
	s6 =	sadd.s32 @!p0 $0x11B8D, s6;
	_ =	swait.eq @!p0 [sflag:s5], $0x1  }
0xb2: {  	s4 =	sor.u32 @!p0 s4, s6;
	[sflag:s5] =	ssyncadd.s32 @!p0 $0xFFFFFFFF  }
0xb3: {  	s25 =	simm.s32 $0x1B8E;
	s24 =	sld [smem:$0x3FFE];
	[sflag:s4] =	ssyncadd.remote.s32 @!p0 $0x1  }
0xb4: {  	s26 =	simm.s32 $execute0_lowered;
	[smem:$0x3FD2] =	sst s25  }
0xb5: {  	s5 =	sshll.u32 s26, $0x1;
	_ =	strace $0x8000004C;
	[dreg:$0x1] =	wrdreg $0xFFFFFFFF  }
0xb6: {  	s28 =	simm.s32 $_size_execute0_lowered;
	s3 =	sadd.s32 s3, s5;
	[dreg:$0x0] =	wrdreg $0x0  }
0xb7: {  	s5 =	sshll.u32 s28, $0x1;
	[dreg:$0x2] =	wrdreg s3  }
0xb8: {  	[dreg:$0x3] =	wrdreg s5  }
0xb9: {  	[dreg:$0x4] =	wrdreg $0xC0  }
0xba: {  	_ =	task [dreg:s22], $0x5FFFF  }
0xbb: {  	[dreg:$0x1] =	wrdreg $0xFFFFFFFF  }
0xbc: {  	[dreg:$0x0] =	wrdreg $0x60  }
0xbd: {  	[dreg:$0x2] =	wrdreg s24  }
0xbe: {  	[dreg:$0x3] =	wrdreg $0xA  }
0xbf: {  	_ =	task.clear_ibuf [dreg:s22], $0x4FFFF;
	_ =	strace $0x9000004C  }
0xc0: {  	s29 =	simm.s32 $0xA;
	_ =	strace $0x8000004E  }
0xc1: {  	_ =	swait.ge [sflag:s29], $0x1  }
0xc2: {  	[sflag:s29] =	ssyncadd.s32 $0xFFFFFFFF  }
0xc3: {  	_ =	strace $0x9000004E  }
0xc4: {  	_ =	sfence  }
0xc5: {  	s30 =	sld [smem:$0x0];
	_ =	sdelay $0x2  }
0xc6: {  	s31 =	sshll.u32 s1, $0xD;
	s1 =	sshrl.u32 s1, $0x2  }
0xc7: {  	s4 =	sand.u32 $0x4000, s31;
	s1 =	sadd.s32 s1, s30  }
0xc8: {  	s0 =	sor.u32 s4, s0;
	s1 =	sshll.u32 s1, $0x11  }
0xc9: {  	s0 =	sor.u32 s1, s0  }
0xca: {  	s0 =	sadd.s32 $0x8F2B, s0  }
0xcb: {  	[sflag:s0] =	ssyncadd.remote.s32 $0x1  }
0xcc: {  	_ =	sfence.sel $0xFFFF  }
0xcd: {  	[dreg:$0x0] =	wrdreg $0xFFFFFFFF;
	(pc) =	sbr.abs _section_cstart, $3  }
0xce: {  	[dreg:$0x1] =	wrdreg $0xFFFFFFFF  }
0xcf: {  	_ =	task.clear_ibuf [dreg:s22], $0x2FFFF;
	_ =	strace $0x9FFFFFFF  }
0xd0: {  	(tm) =	ssettm $0x7FFFFFFF  }
0xd1: {  	_ =	shalt  }
tec
execute0_lowered:
.L_overlay_start_1:
0x0: {  	(tag) =	ssettag $0x1  }
0x1: {  	s4 =	rddreg [dreg:$0x0];
	s2 =	srdreg.scid  }
0x2: {  	s0 =	rddreg [dreg:$0x1];
	s1 =	stileid.u32;
	s10 =	simm.s32 $0x0  }
0x3: {  	s5 =	sand.u32 $0x1, s2;
	s2 =	simm.s32 $0x0;
	s3 =	sshll.u32 s1, $0x7  }
0x4: {  	s7 =	smul.u32 $0x6400, s1;
	s6 =	sshll.u32 s5, $0x6;
	[smem:$0x7FF] =	sst s2  }
0x5: {  	s8 =	ssub.s32 $0x2, s5;
	s5 =	smul.u32 $0x3200, s5;
	s3 =	sor.u32 s6, s3  }
0x6: {  	_ =	strace $0x8000004D;
	s9 =	sshrl.u32 s8, $0x1;
	s6 =	smul.u32 $0x32, s3  }
0x7: {  	s7 =	sadd.s32 s7, s4;
	s3 =	sadd.s32 $0xF63800, s4;
	s31 =	ssub.s32 s8, s9  }
0x8: {  	s7 =	sadd.s32 s5, s7;
	s8 =	simm.s32 $0x1;
	s6 =	sshrl.u32 s6, $0x3  }
0x9: {  	s9 =	simm.s32 $0x2;
	s5 =	smax.u32 s31, $0x1;
	s4 =	sadd.s32 s4, s6  }
0xa: {  	s6 =	sadd.s32 $0x85400, s7;
	s7 =	simm.s32 $0x3;
	s4 =	sadd.s32 $0xB600, s4  }
.LBB2_1:
0xb: {  	[tilespmem:s2], [sflag:$0x3] =	stream.linear.gather [hbm4b:s4+s2], $0xC80, $0x38;
	[tilespmem:$0x19C80] =	vst v63  }
0xc: {  	_ =	swait.ge [sflag:s7], $0xC80  }
0xd: {  	[sflag:s7] =	ssyncset.done $0x0  }
0xe: {  	s11 =	simm.s32 $0xC80;
	[sflag:s7] =	ssyncadd.s32 $0xFFFFF380  }
0xf: {  	[tilespmem:s11], [sflag:$0x1] =	stream.indirect.gather [hbm4b:s3+s11], $0x20, s2, s11, $0xb8;
	[tilespmem:$0x19C80] =	vst v63  }
0x10: {  	_ =	swait.ge [sflag:s8], $0x19000  }
0x11: {  	[sflag:s8] =	ssyncset.done $0x0  }
0x12: {  	s12 =	simm.s32 $0x0;
	[sflag:s8] =	ssyncadd.s32 $0xFFFE7000  }
.LBB2_2:
0x13: {  	p0 =	sne.s32 s12, $0x3138  }
.Ltmp0:
0x14: {  	_ = 	snop;
	(pc) =	sbr.rel @p0 .LBB2_2-.Ltmp0, $4  }
0x15: {  	_ = 	snop  }
0x16: {  	s13 =	sadd.s32 s12, s6  }
0x17: {  	[hbm4b:s13+s2] =	stream.linear.scatter [tilespmem:s11], [sflag:$0x2], $0x640, $0x38;
	[tilespmem:$0x19C80] =	vst v63  }
0x18: {  	s12 =	sadd.s32 $0xC8, s12;
	s11 =	sadd.s32 $0x640, s11  }
0x19: {  	_ =	swait.ge [sflag:s9], $0x640  }
0x1a: {  	s11 =	simm.s32 $0x3F;
	[sflag:s9] =	ssyncset.done $0x0  }
.LBB2_4:
0x1b: {  	p0 =	sne.s32 s11, $0x1;
	s11 =	sadd.s32 $0xFFFFFFFF, s11;
	[sflag:s9] =	ssyncadd.s32 $0xFFFFF9C0  }
.Ltmp1:
0x1c: {  	(pc) =	sbr.rel @p0 .LBB2_4-.Ltmp1, $3  }
0x1d: {  	_ =	sdelay $0x1  }
0x1e: {  	_ =	swait.ge [sflag:s9], $0x640  }
0x1f: {  	[sflag:s9] =	ssyncset.done $0x0  }
0x20: {  	s10 =	sadd.s32 $0x1, s10  }
0x21: {  	p0 =	sne.s32 s10, s5  }
.Ltmp2:
0x22: {  	_ = 	snop;
	(pc) =	sbr.rel @p0 .LBB2_1-.Ltmp2, $2  }
0x23: {  	_ =	sdelay $0x2  }
0x24: {  	[sflag:s9] =	ssyncadd.s32 $0xFFFFF9C0  }
0x25: {  	_ =	sfence.sel $0x180000  }
0x26: {  	[bflag:$0x0] =	sbarrier.arrive $0xFFFF  }
0x27: {  	p0 =	sne.s32 s1, $0x0;
	_ =	strace $0x9000004D  }
0x28: {  	s0 =	sadd.s32 @!p0 $0x100000, s0;
	[bflag:$0x2] =	sbarrier.arrive $0xFFFF  }
0x29: {  	[sflag:s0] =	ssyncadd.tile.s32 @!p0 $0x1;
	_ =	shalt  }
.Lfunc_end2:
_tile_overlayer_lowered:
.L_overlay_start_2:
0x2a: {  	(tag) =	ssettag $0x2  }
0x2b: {  	s0 =	rddreg [dreg:$0x0];
	s2 =	stileid.u32  }
0x2c: {  	s1 =	rddreg [dreg:$0x1];
	p0 =	sne.s32 s2, $0x0  }
0x2d: {  	s3 =	rddreg [dreg:$0x2];
	[bflag:$0x3] =	sbarrier.arrive $0xFFFF;
	s2 =	simm.s32 @!p0 $0x1C03  }
0x2e: {  	[timem:s3], [sflag:s2] =	dma.local @!p0 [hbm:s0], s1  }
0x2f: {  	s0 =	simm.s32 @!p0 $0x3  }
0x30: {  	_ =	swait.ge @!p0 [sflag:s0], s1  }
0x31: {  	s1 =	ssub.s32 @!p0 $0x0, s1;
	[sflag:s0] =	ssyncset.done @!p0 $0x0  }
0x32: {  	[sflag:s0] =	ssyncadd.s32 @!p0 s1  }
0x33: {  	[bflag:$0x3] =	sbarrier.arrive $0xFFFF  }
0x34: {  	_ =	shalt  }

// kernel: kernel.20.cloned.1.call-start
scs
__scs_entry_jumppad:
0x0: {  	(pc) =	sbr.rel $0x88, $3  }
0x1: {  	(tag) =	ssettag $0x0;
	lr =	simm.s32 $0x1  }
0x2: {  	[smem:$0x3F9F] =	sst lr;
	_ =	strace $0xD0000000  }
0x3: {  	_ = 	snop  }
0x4: {  	_ = 	snop  }
0x5: {  	_ = 	snop  }
0x6: {  	_ = 	snop  }
0x7: {  	_ = 	snop  }
__scs_overlays_trampoline_lowered:
0x8: {  	[smem:$0x3FAE] =	sst s0  }
0x9: {  	[smem:$0x3FAF] =	sst s1  }
0xa: {  	[smem:$0x3FB0] =	sst s2  }
0xb: {  	[smem:$0x3FB1] =	sst s3  }
0xc: {  	[smem:$0x3FB2] =	sst s4  }
0xd: {  	[smem:$0x3FB3] =	sst s5  }
0xe: {  	[smem:$0x3FB4] =	sst s6  }
0xf: {  	[smem:$0x3FB5] =	sst s7  }
0x10: {  	[smem:$0x3FB6] =	sst s8  }
0x11: {  	[smem:$0x3FB7] =	sst s9;
	s0 =	simm.s32 @!p0 $0x0  }
0x12: {  	s1 =	sld [smem:$0x3F9D];
	s0 =	simm.s32 @p0 $0x1  }
0x13: {  	[smem:$0x3FB8] =	sst s0;
	s0 =	simm.s32 @!p1 $0x0  }
0x14: {  	s2 =	sld [smem:$0x3F9C];
	s0 =	simm.s32 @p1 $0x1  }
0x15: {  	[smem:$0x3FB9] =	sst s0;
	s0 =	simm.s32 @!p2 $0x0  }
0x16: {  	s3 =	sld [smem:$0x3FDB];
	s0 =	simm.s32 @p2 $0x1  }
0x17: {  	s4 =	simm.s32 $0x1BF5;
	[smem:$0x3FBB] =	sst s0  }
0x18: {  	s0 =	sld [smem:$0x3F9E];
	_ =	swait.ge [sflag:s4], $0x0  }
0x19: {  	s7 =	sld [smem:$0x3F9F]  }
0x1a: {  	s8 =	sadd.s32 $0xFFFFE003, lr  }
0x1b: {  	s9 =	sadd.s32 $0xFFFFFEF7, lr;
	s5 =	simm.s32 $0xFFFFFFFF;
	p2 =	slt.u32 s8, $0xFFFFF086  }
0x1c: {  	p1 =	slt.u32 s9, $0xF7A;
	s5 =	simm.s32 @!p2 $0x0  }
0x1d: {  	s5 =	simm.s32 @p1 $0x1;
	p0 =	seq.s32 s7, s2  }
0x1e: {  	s7 =	smul.u32 @!p0 $0xF7A, s2;
	p2 =	seq.s32 @!p0 s5, $0x0  }
0x1f: {  	s9 =	smul.u32 $0xF7A, s1;
	s8 =	simm.s32 @!p0 $0x1BF5;
	p2 =	por !p2, p0  }
0x20: {  	[sflag:s8] =	ssyncset.s32 @!p0 $0xFFFFF086;
	s6 =	sadd.s32 @!p0 s3, s7;
	s7 =	simm.s32 @!p0 $0x108  }
0x21: {  	s3 =	sadd.s32 s3, s9;
	s6 =	sadd.s32 @!p0 $0x88, s6;
	s7 =	simm.s32 @p2 $0x1082  }
0x22: {  	[simem:s7], [sflag:s8] =	dma.local @!p0 [hbm:s6], $0xF7A  }
0x23: {  	s9 =	sor.u32 $0xD0000000, s2;
	s6 =	simm.s32 $0x108;
	_ =	swait.ge @!p0 [sflag:s8], $0x0  }
0x24: {  	s3 =	sadd.s32 $0x88, s3;
	s6 =	simm.s32 @!p1 $0x1082;
	[sflag:s4] =	ssyncset.s32 $0xFFFFF086  }
0x25: {  	[simem:s6], [sflag:s4] =	dma.local [hbm:s3], $0xF7A  }
0x26: {  	[smem:$0x3F9F] =	sst s1;
	(tag) =	ssettag s2;
	_ =	strace s9  }
0x27: {  	s1 =	sld [smem:$0x3FAF]  }
0x28: {  	s2 =	sld [smem:$0x3FB0]  }
0x29: {  	s4 =	sld [smem:$0x3FB2]  }
0x2a: {  	p0 =	seq.s32 s5, $0x0;
	s5 =	sld [smem:$0x3FB3]  }
0x2b: {  	s6 =	sld [smem:$0x3FB4]  }
0x2c: {  	s7 =	sld [smem:$0x3FB5]  }
0x2d: {  	s3 =	simm.s32 $0x108;
	s8 =	sld [smem:$0x3FB6]  }
0x2e: {  	s3 =	simm.s32 @!p0 $0x1082;
	s9 =	sld [smem:$0x3FB7]  }
0x2f: {  	lr =	sadd.s32 s0, s3;
	s0 =	sld [smem:$0x3FAE]  }
0x30: {  	s3 =	sld [smem:$0x3FB1]  }
0x31: {  	[smem:$0x3FBA] =	sst s10  }
0x32: {  	s10 =	sld [smem:$0x3FB8];
	_ =	sdelay $0x3  }
0x33: {  	p0 =	seq.s32 s10, $0x1;
	s10 =	sld [smem:$0x3FBA];
	_ =	sdelay $0x3  }
0x34: {  	[smem:$0x3FBA] =	sst s10  }
0x35: {  	s10 =	sld [smem:$0x3FB9];
	_ =	sdelay $0x3  }
0x36: {  	p1 =	seq.s32 s10, $0x1;
	s10 =	sld [smem:$0x3FBA];
	_ =	sdelay $0x3  }
0x37: {  	[smem:$0x3FBA] =	sst s10  }
0x38: {  	s10 =	sld [smem:$0x3FBB]  }
0x39: {  	_ = 	snop;
	(pc) =	sbr.ind lr, $3  }
0x3a: {  	_ = 	snop  }
0x3b: {  	_ = 	snop  }
0x3c: {  	p2 =	seq.s32 s10, $0x1;
	s10 =	sld [smem:$0x3FBA]  }
0x3d: {  	_ =	shalt  }
0x3e: {  	_ =	shalt  }
0x3f: {  	_ =	shalt  }
0x40: {  	_ =	shalt  }
0x41: {  	_ =	shalt  }
0x42: {  	_ =	shalt  }
0x43: {  	_ =	shalt  }
0x44: {  	_ =	shalt  }
0x45: {  	_ =	shalt  }
0x46: {  	_ =	shalt  }
0x47: {  	_ =	shalt  }
0x48: {  	_ =	shalt  }
0x49: {  	_ =	shalt  }
0x4a: {  	_ =	shalt  }
0x4b: {  	_ =	shalt  }
0x4c: {  	_ =	shalt  }
0x4d: {  	_ =	shalt  }
0x4e: {  	_ =	shalt  }
0x4f: {  	_ =	shalt  }
0x50: {  	_ =	shalt  }
0x51: {  	_ =	shalt  }
0x52: {  	_ =	shalt  }
0x53: {  	_ =	shalt  }
0x54: {  	_ =	shalt  }
0x55: {  	_ =	shalt  }
0x56: {  	_ =	shalt  }
0x57: {  	_ =	shalt  }
0x58: {  	_ =	shalt  }
0x59: {  	_ =	shalt  }
0x5a: {  	_ =	shalt  }
0x5b: {  	_ =	shalt  }
0x5c: {  	_ =	shalt  }
0x5d: {  	_ =	shalt  }
0x5e: {  	_ =	shalt  }
0x5f: {  	_ =	shalt  }
0x60: {  	_ =	shalt  }
0x61: {  	_ =	shalt  }
0x62: {  	_ =	shalt  }
0x63: {  	_ =	shalt  }
0x64: {  	_ =	shalt  }
0x65: {  	_ =	shalt  }
0x66: {  	_ =	shalt  }
0x67: {  	_ =	shalt  }
0x68: {  	_ =	shalt  }
0x69: {  	_ =	shalt  }
0x6a: {  	_ =	shalt  }
0x6b: {  	_ =	shalt  }
0x6c: {  	_ =	shalt  }
0x6d: {  	_ =	shalt  }
0x6e: {  	_ =	shalt  }
0x6f: {  	_ =	shalt  }
0x70: {  	_ =	shalt  }
0x71: {  	_ =	shalt  }
0x72: {  	_ =	shalt  }
0x73: {  	_ =	shalt  }
0x74: {  	_ =	shalt  }
0x75: {  	_ =	shalt  }
0x76: {  	_ =	shalt  }
0x77: {  	_ =	shalt  }
0x78: {  	_ =	shalt  }
0x79: {  	_ =	shalt  }
0x7a: {  	_ =	shalt  }
0x7b: {  	_ =	shalt  }
0x7c: {  	_ =	shalt  }
0x7d: {  	_ =	shalt  }
0x7e: {  	_ =	shalt  }
0x7f: {  	_ =	shalt  }
0x80: {  	_ =	shalt  }
0x81: {  	_ =	shalt  }
0x82: {  	_ =	shalt  }
0x83: {  	_ =	shalt  }
0x84: {  	_ =	shalt  }
0x85: {  	_ =	shalt  }
0x86: {  	_ =	shalt  }
0x87: {  	_ =	shalt  }
.Lfunc_end0:
.L_simem_size_0:
called_computation.3_lowered:
.L_overlay_start_0:
0x88: {  	s2 =	sld [smem:$0x3FD9]  }
0x89: {  	s3 =	sld [smem:$0x3FFE];
	_ =	sdelay $0x1  }
0x8a: {  	s1 =	srdreg.scid  }
0x8b: {  	s0 =	sand.u32 $0x1, s1  }
0x8c: {  	s17 =	sshll.u32 s0, $0xA;
	s2 =	sadd.s32 s3, s2  }
0x8d: {  	s2 =	sadd.s32 s2, s17  }
0x8e: {  	[smem:$0x3FC6] =	sst s2  }
0x8f: {  	_ = 	snop  }
0x90: {  	(tm) =	ssettm $0x1  }
0x91: {  	s18 =	sld [smem:$0x3FFB];
	_ =	sdelay $0x3  }
0x92: {  	_ =	strace s18  }
0x93: {  	s2 =	sld [smem:$0x3FFC];
	_ =	sdelay $0x3  }
0x94: {  	_ =	strace s2  }
0x95: {  	s2 =	sld [smem:$0x3FFD];
	_ =	sdelay $0x3  }
0x96: {  	_ =	strace s2  }
0x97: {  	_ =	strace $0x8FFFFFFF  }
0x98: {  	s19 =	sld [smem:$0x3FDB];
	_ =	sdelay $0x1  }
0x99: {  	s20 =	simm.s32 $_scs_section_size  }
0x9a: {  	s4 =	simm.s32 $_size__tile_overlayer_lowered;
	s5 =	simm.s32 $_tile_overlayer_lowered  }
0x9b: {  	s6 =	simm.s32 $0x1BFF;
	s21 =	sshll.u32 s5, $0x1;
	s3 =	sadd.s32 s20, s19  }
0x9c: {  	s22 =	simm.s32 $0x0;
	s4 =	sshll.u32 s4, $0x1;
	s5 =	sadd.s32 s21, s3  }
0x9d: {  	[timem:s22], [sflag:s6] =	dma.local [hbm:s5], s4  }
0x9e: {  	_ =	swait.ge [sflag:s6], s4  }
0x9f: {  	s4 =	ssub.s32 $0x0, s4;
	[sflag:s6] =	ssyncset.done $0x0  }
0xa0: {  	[sflag:s6] =	ssyncadd.s32 s4;
	_ =	sdelay $0x1  }
0xa1: {  	s23 =	simm.s32 $0x1B8B  }
0xa2: {  	_ =	swait.ge [sflag:s23], $0x1  }
0xa3: {  	[sflag:s23] =	ssyncset.done $0x0  }
0xa4: {  	[sflag:s23] =	ssyncadd.s32 $0xFFFFFFFF  }
0xa5: {  	s4 =	sld [smem:$0x0]  }
0xa6: {  	s5 =	sand.u32 $0xFFFFFFFE, s1  }
0xa7: {  	p0 =	sne.s32 s1, s5  }
0xa8: {  	s5 =	sshll.u32 @p0 s5, $0xE  }
0xa9: {  	s5 =	sadd.s32 @p0 $0x11B8D, s5;
	s6 =	sshll.u32 @p0 s4, $0x11  }
0xaa: {  	s5 =	sor.u32 @p0 s6, s5  }
0xab: {  	[sflag:s5] =	ssyncadd.remote.s32 @p0 $0x1;
	_ =	sdelay $0x1  }
0xac: {  	s5 =	simm.s32 @p0 $0x1B8D  }
0xad: {  	_ =	swait.eq @p0 [sflag:s5], $0x1  }
0xae: {  	[sflag:s5] =	ssyncadd.s32 @p0 $0xFFFFFFFF  }
0xaf: {  	s6 =	sshll.u32 @!p0 s1, $0xE  }
0xb0: {  	s6 =	sor.u32 @!p0 $0x4000, s6;
	s5 =	simm.s32 @!p0 $0x1B8D  }
0xb1: {  	s4 =	sshll.u32 @!p0 s4, $0x11;
	s6 =	sadd.s32 @!p0 $0x11B8D, s6;
	_ =	swait.eq @!p0 [sflag:s5], $0x1  }
0xb2: {  	s4 =	sor.u32 @!p0 s4, s6;
	[sflag:s5] =	ssyncadd.s32 @!p0 $0xFFFFFFFF  }
0xb3: {  	s25 =	simm.s32 $0x1B8E;
	s24 =	sld [smem:$0x3FFE];
	[sflag:s4] =	ssyncadd.remote.s32 @!p0 $0x1  }
0xb4: {  	s26 =	simm.s32 $execute0_lowered;
	[smem:$0x3FD2] =	sst s25  }
0xb5: {  	s5 =	sshll.u32 s26, $0x1;
	_ =	strace $0x8000004F;
	[dreg:$0x1] =	wrdreg $0xFFFFFFFF  }
0xb6: {  	s28 =	simm.s32 $_size_execute0_lowered;
	s3 =	sadd.s32 s3, s5;
	[dreg:$0x0] =	wrdreg $0x0  }
0xb7: {  	s5 =	sshll.u32 s28, $0x1;
	[dreg:$0x2] =	wrdreg s3  }
0xb8: {  	[dreg:$0x3] =	wrdreg s5  }
0xb9: {  	[dreg:$0x4] =	wrdreg $0xC0  }
0xba: {  	_ =	task [dreg:s22], $0x5FFFF  }
0xbb: {  	[dreg:$0x1] =	wrdreg $0xFFFFFFFF  }
0xbc: {  	[dreg:$0x0] =	wrdreg $0x60  }
0xbd: {  	[dreg:$0x2] =	wrdreg s24  }
0xbe: {  	[dreg:$0x3] =	wrdreg $0xB  }
0xbf: {  	_ =	task.clear_ibuf [dreg:s22], $0x4FFFF;
	_ =	strace $0x9000004F  }
0xc0: {  	s29 =	simm.s32 $0xB;
	_ =	strace $0x80000051  }
0xc1: {  	_ =	swait.ge [sflag:s29], $0x1  }
0xc2: {  	[sflag:s29] =	ssyncadd.s32 $0xFFFFFFFF  }
0xc3: {  	_ =	strace $0x90000051  }
0xc4: {  	_ =	sfence  }
0xc5: {  	s30 =	sld [smem:$0x0];
	_ =	sdelay $0x2  }
0xc6: {  	s31 =	sshll.u32 s1, $0xD;
	s1 =	sshrl.u32 s1, $0x2  }
0xc7: {  	s4 =	sand.u32 $0x4000, s31;
	s1 =	sadd.s32 s1, s30  }
0xc8: {  	s0 =	sor.u32 s4, s0;
	s1 =	sshll.u32 s1, $0x11  }
0xc9: {  	s0 =	sor.u32 s1, s0  }
0xca: {  	s0 =	sadd.s32 $0x8F2B, s0  }
0xcb: {  	[sflag:s0] =	ssyncadd.remote.s32 $0x1  }
0xcc: {  	_ =	sfence.sel $0xFFFF  }
0xcd: {  	[dreg:$0x0] =	wrdreg $0xFFFFFFFF;
	(pc) =	sbr.abs _section_cstart, $3  }
0xce: {  	[dreg:$0x1] =	wrdreg $0xFFFFFFFF  }
0xcf: {  	_ =	task.clear_ibuf [dreg:s22], $0x2FFFF;
	_ =	strace $0x9FFFFFFF  }
0xd0: {  	(tm) =	ssettm $0x7FFFFFFF  }
0xd1: {  	_ =	shalt  }
tec
execute0_lowered:
.L_overlay_start_1:
0x0: {  	(tag) =	ssettag $0x1  }
0x1: {  	s4 =	rddreg [dreg:$0x0];
	s2 =	srdreg.scid  }
0x2: {  	s0 =	rddreg [dreg:$0x1];
	s1 =	stileid.u32;
	s10 =	simm.s32 $0x0  }
0x3: {  	s5 =	sand.u32 $0x1, s2;
	s2 =	simm.s32 $0x0;
	s3 =	sshll.u32 s1, $0x7  }
0x4: {  	s7 =	smul.u32 $0x6400, s1;
	s6 =	sshll.u32 s5, $0x6;
	[smem:$0x7FF] =	sst s2  }
0x5: {  	s8 =	ssub.s32 $0x2, s5;
	s5 =	smul.u32 $0x3200, s5;
	s3 =	sor.u32 s6, s3  }
0x6: {  	_ =	strace $0x80000050;
	s9 =	sshrl.u32 s8, $0x1;
	s6 =	smul.u32 $0x32, s3  }
0x7: {  	s7 =	sadd.s32 s7, s4;
	s3 =	sadd.s32 $0xF63800, s4;
	s31 =	ssub.s32 s8, s9  }
0x8: {  	s7 =	sadd.s32 s5, s7;
	s8 =	simm.s32 $0x1;
	s6 =	sshrl.u32 s6, $0x3  }
0x9: {  	s9 =	simm.s32 $0x2;
	s5 =	smax.u32 s31, $0x1;
	s4 =	sadd.s32 s4, s6  }
0xa: {  	s6 =	sadd.s32 $0xE9400, s7;
	s7 =	simm.s32 $0x3;
	s4 =	sadd.s32 $0xE800, s4  }
.LBB2_1:
0xb: {  	[tilespmem:s2], [sflag:$0x3] =	stream.linear.gather [hbm4b:s4+s2], $0xC80, $0x38;
	[tilespmem:$0x19C80] =	vst v63  }
0xc: {  	_ =	swait.ge [sflag:s7], $0xC80  }
0xd: {  	[sflag:s7] =	ssyncset.done $0x0  }
0xe: {  	s11 =	simm.s32 $0xC80;
	[sflag:s7] =	ssyncadd.s32 $0xFFFFF380  }
0xf: {  	[tilespmem:s11], [sflag:$0x1] =	stream.indirect.gather [hbm4b:s3+s11], $0x20, s2, s11, $0xb8;
	[tilespmem:$0x19C80] =	vst v63  }
0x10: {  	_ =	swait.ge [sflag:s8], $0x19000  }
0x11: {  	[sflag:s8] =	ssyncset.done $0x0  }
0x12: {  	s12 =	simm.s32 $0x0;
	[sflag:s8] =	ssyncadd.s32 $0xFFFE7000  }
.LBB2_2:
0x13: {  	p0 =	sne.s32 s12, $0x3138  }
.Ltmp0:
0x14: {  	_ = 	snop;
	(pc) =	sbr.rel @p0 .LBB2_2-.Ltmp0, $4  }
0x15: {  	_ = 	snop  }
0x16: {  	s13 =	sadd.s32 s12, s6  }
0x17: {  	[hbm4b:s13+s2] =	stream.linear.scatter [tilespmem:s11], [sflag:$0x2], $0x640, $0x38;
	[tilespmem:$0x19C80] =	vst v63  }
0x18: {  	s12 =	sadd.s32 $0xC8, s12;
	s11 =	sadd.s32 $0x640, s11  }
0x19: {  	_ =	swait.ge [sflag:s9], $0x640  }
0x1a: {  	s11 =	simm.s32 $0x3F;
	[sflag:s9] =	ssyncset.done $0x0  }
.LBB2_4:
0x1b: {  	p0 =	sne.s32 s11, $0x1;
	s11 =	sadd.s32 $0xFFFFFFFF, s11;
	[sflag:s9] =	ssyncadd.s32 $0xFFFFF9C0  }
.Ltmp1:
0x1c: {  	(pc) =	sbr.rel @p0 .LBB2_4-.Ltmp1, $3  }
0x1d: {  	_ =	sdelay $0x1  }
0x1e: {  	_ =	swait.ge [sflag:s9], $0x640  }
0x1f: {  	[sflag:s9] =	ssyncset.done $0x0  }
0x20: {  	s10 =	sadd.s32 $0x1, s10  }
0x21: {  	p0 =	sne.s32 s10, s5  }
.Ltmp2:
0x22: {  	_ = 	snop;
	(pc) =	sbr.rel @p0 .LBB2_1-.Ltmp2, $2  }
0x23: {  	_ =	sdelay $0x2  }
0x24: {  	[sflag:s9] =	ssyncadd.s32 $0xFFFFF9C0  }
0x25: {  	_ =	sfence.sel $0x180000  }
0x26: {  	[bflag:$0x0] =	sbarrier.arrive $0xFFFF  }
0x27: {  	p0 =	sne.s32 s1, $0x0;
	_ =	strace $0x90000050  }
0x28: {  	s0 =	sadd.s32 @!p0 $0x100000, s0;
	[bflag:$0x2] =	sbarrier.arrive $0xFFFF  }
0x29: {  	[sflag:s0] =	ssyncadd.tile.s32 @!p0 $0x1;
	_ =	shalt  }
.Lfunc_end2:
_tile_overlayer_lowered:
.L_overlay_start_2:
0x2a: {  	(tag) =	ssettag $0x2  }
0x2b: {  	s0 =	rddreg [dreg:$0x0];
	s2 =	stileid.u32  }
0x2c: {  	s1 =	rddreg [dreg:$0x1];
	p0 =	sne.s32 s2, $0x0  }
0x2d: {  	s3 =	rddreg [dreg:$0x2];
	[bflag:$0x3] =	sbarrier.arrive $0xFFFF;
	s2 =	simm.s32 @!p0 $0x1C03  }
0x2e: {  	[timem:s3], [sflag:s2] =	dma.local @!p0 [hbm:s0], s1  }
0x2f: {  	s0 =	simm.s32 @!p0 $0x3  }
0x30: {  	_ =	swait.ge @!p0 [sflag:s0], s1  }
0x31: {  	s1 =	ssub.s32 @!p0 $0x0, s1;
	[sflag:s0] =	ssyncset.done @!p0 $0x0  }
0x32: {  	[sflag:s0] =	ssyncadd.s32 @!p0 s1  }
0x33: {  	[bflag:$0x3] =	sbarrier.arrive $0xFFFF  }
0x34: {  	_ =	shalt  }

// kernel: kernel.23.cloned.1.call-start
scs
__scs_entry_jumppad:
0x0: {  	(pc) =	sbr.rel $0x88, $3  }
0x1: {  	(tag) =	ssettag $0x0;
	lr =	simm.s32 $0x1  }
0x2: {  	[smem:$0x3F9F] =	sst lr;
	_ =	strace $0xD0000000  }
0x3: {  	_ = 	snop  }
0x4: {  	_ = 	snop  }
0x5: {  	_ = 	snop  }
0x6: {  	_ = 	snop  }
0x7: {  	_ = 	snop  }
__scs_overlays_trampoline_lowered:
0x8: {  	[smem:$0x3FAE] =	sst s0  }
0x9: {  	[smem:$0x3FAF] =	sst s1  }
0xa: {  	[smem:$0x3FB0] =	sst s2  }
0xb: {  	[smem:$0x3FB1] =	sst s3  }
0xc: {  	[smem:$0x3FB2] =	sst s4  }
0xd: {  	[smem:$0x3FB3] =	sst s5  }
0xe: {  	[smem:$0x3FB4] =	sst s6  }
0xf: {  	[smem:$0x3FB5] =	sst s7  }
0x10: {  	[smem:$0x3FB6] =	sst s8  }
0x11: {  	[smem:$0x3FB7] =	sst s9;
	s0 =	simm.s32 @!p0 $0x0  }
0x12: {  	s1 =	sld [smem:$0x3F9D];
	s0 =	simm.s32 @p0 $0x1  }
0x13: {  	[smem:$0x3FB8] =	sst s0;
	s0 =	simm.s32 @!p1 $0x0  }
0x14: {  	s2 =	sld [smem:$0x3F9C];
	s0 =	simm.s32 @p1 $0x1  }
0x15: {  	[smem:$0x3FB9] =	sst s0;
	s0 =	simm.s32 @!p2 $0x0  }
0x16: {  	s3 =	sld [smem:$0x3FDB];
	s0 =	simm.s32 @p2 $0x1  }
0x17: {  	s4 =	simm.s32 $0x1BF5;
	[smem:$0x3FBB] =	sst s0  }
0x18: {  	s0 =	sld [smem:$0x3F9E];
	_ =	swait.ge [sflag:s4], $0x0  }
0x19: {  	s7 =	sld [smem:$0x3F9F]  }
0x1a: {  	s8 =	sadd.s32 $0xFFFFE003, lr  }
0x1b: {  	s9 =	sadd.s32 $0xFFFFFEF7, lr;
	s5 =	simm.s32 $0xFFFFFFFF;
	p2 =	slt.u32 s8, $0xFFFFF086  }
0x1c: {  	p1 =	slt.u32 s9, $0xF7A;
	s5 =	simm.s32 @!p2 $0x0  }
0x1d: {  	s5 =	simm.s32 @p1 $0x1;
	p0 =	seq.s32 s7, s2  }
0x1e: {  	s7 =	smul.u32 @!p0 $0xF7A, s2;
	p2 =	seq.s32 @!p0 s5, $0x0  }
0x1f: {  	s9 =	smul.u32 $0xF7A, s1;
	s8 =	simm.s32 @!p0 $0x1BF5;
	p2 =	por !p2, p0  }
0x20: {  	[sflag:s8] =	ssyncset.s32 @!p0 $0xFFFFF086;
	s6 =	sadd.s32 @!p0 s3, s7;
	s7 =	simm.s32 @!p0 $0x108  }
0x21: {  	s3 =	sadd.s32 s3, s9;
	s6 =	sadd.s32 @!p0 $0x88, s6;
	s7 =	simm.s32 @p2 $0x1082  }
0x22: {  	[simem:s7], [sflag:s8] =	dma.local @!p0 [hbm:s6], $0xF7A  }
0x23: {  	s9 =	sor.u32 $0xD0000000, s2;
	s6 =	simm.s32 $0x108;
	_ =	swait.ge @!p0 [sflag:s8], $0x0  }
0x24: {  	s3 =	sadd.s32 $0x88, s3;
	s6 =	simm.s32 @!p1 $0x1082;
	[sflag:s4] =	ssyncset.s32 $0xFFFFF086  }
0x25: {  	[simem:s6], [sflag:s4] =	dma.local [hbm:s3], $0xF7A  }
0x26: {  	[smem:$0x3F9F] =	sst s1;
	(tag) =	ssettag s2;
	_ =	strace s9  }
0x27: {  	s1 =	sld [smem:$0x3FAF]  }
0x28: {  	s2 =	sld [smem:$0x3FB0]  }
0x29: {  	s4 =	sld [smem:$0x3FB2]  }
0x2a: {  	p0 =	seq.s32 s5, $0x0;
	s5 =	sld [smem:$0x3FB3]  }
0x2b: {  	s6 =	sld [smem:$0x3FB4]  }
0x2c: {  	s7 =	sld [smem:$0x3FB5]  }
0x2d: {  	s3 =	simm.s32 $0x108;
	s8 =	sld [smem:$0x3FB6]  }
0x2e: {  	s3 =	simm.s32 @!p0 $0x1082;
	s9 =	sld [smem:$0x3FB7]  }
0x2f: {  	lr =	sadd.s32 s0, s3;
	s0 =	sld [smem:$0x3FAE]  }
0x30: {  	s3 =	sld [smem:$0x3FB1]  }
0x31: {  	[smem:$0x3FBA] =	sst s10  }
0x32: {  	s10 =	sld [smem:$0x3FB8];
	_ =	sdelay $0x3  }
0x33: {  	p0 =	seq.s32 s10, $0x1;
	s10 =	sld [smem:$0x3FBA];
	_ =	sdelay $0x3  }
0x34: {  	[smem:$0x3FBA] =	sst s10  }
0x35: {  	s10 =	sld [smem:$0x3FB9];
	_ =	sdelay $0x3  }
0x36: {  	p1 =	seq.s32 s10, $0x1;
	s10 =	sld [smem:$0x3FBA];
	_ =	sdelay $0x3  }
0x37: {  	[smem:$0x3FBA] =	sst s10  }
0x38: {  	s10 =	sld [smem:$0x3FBB]  }
0x39: {  	_ = 	snop;
	(pc) =	sbr.ind lr, $3  }
0x3a: {  	_ = 	snop  }
0x3b: {  	_ = 	snop  }
0x3c: {  	p2 =	seq.s32 s10, $0x1;
	s10 =	sld [smem:$0x3FBA]  }
0x3d: {  	_ =	shalt  }
0x3e: {  	_ =	shalt  }
0x3f: {  	_ =	shalt  }
0x40: {  	_ =	shalt  }
0x41: {  	_ =	shalt  }
0x42: {  	_ =	shalt  }
0x43: {  	_ =	shalt  }
0x44: {  	_ =	shalt  }
0x45: {  	_ =	shalt  }
0x46: {  	_ =	shalt  }
0x47: {  	_ =	shalt  }
0x48: {  	_ =	shalt  }
0x49: {  	_ =	shalt  }
0x4a: {  	_ =	shalt  }
0x4b: {  	_ =	shalt  }
0x4c: {  	_ =	shalt  }
0x4d: {  	_ =	shalt  }
0x4e: {  	_ =	shalt  }
0x4f: {  	_ =	shalt  }
0x50: {  	_ =	shalt  }
0x51: {  	_ =	shalt  }
0x52: {  	_ =	shalt  }
0x53: {  	_ =	shalt  }
0x54: {  	_ =	shalt  }
0x55: {  	_ =	shalt  }
0x56: {  	_ =	shalt  }
0x57: {  	_ =	shalt  }
0x58: {  	_ =	shalt  }
0x59: {  	_ =	shalt  }
0x5a: {  	_ =	shalt  }
0x5b: {  	_ =	shalt  }
0x5c: {  	_ =	shalt  }
0x5d: {  	_ =	shalt  }
0x5e: {  	_ =	shalt  }
0x5f: {  	_ =	shalt  }
0x60: {  	_ =	shalt  }
0x61: {  	_ =	shalt  }
0x62: {  	_ =	shalt  }
0x63: {  	_ =	shalt  }
0x64: {  	_ =	shalt  }
0x65: {  	_ =	shalt  }
0x66: {  	_ =	shalt  }
0x67: {  	_ =	shalt  }
0x68: {  	_ =	shalt  }
0x69: {  	_ =	shalt  }
0x6a: {  	_ =	shalt  }
0x6b: {  	_ =	shalt  }
0x6c: {  	_ =	shalt  }
0x6d: {  	_ =	shalt  }
0x6e: {  	_ =	shalt  }
0x6f: {  	_ =	shalt  }
0x70: {  	_ =	shalt  }
0x71: {  	_ =	shalt  }
0x72: {  	_ =	shalt  }
0x73: {  	_ =	shalt  }
0x74: {  	_ =	shalt  }
0x75: {  	_ =	shalt  }
0x76: {  	_ =	shalt  }
0x77: {  	_ =	shalt  }
0x78: {  	_ =	shalt  }
0x79: {  	_ =	shalt  }
0x7a: {  	_ =	shalt  }
0x7b: {  	_ =	shalt  }
0x7c: {  	_ =	shalt  }
0x7d: {  	_ =	shalt  }
0x7e: {  	_ =	shalt  }
0x7f: {  	_ =	shalt  }
0x80: {  	_ =	shalt  }
0x81: {  	_ =	shalt  }
0x82: {  	_ =	shalt  }
0x83: {  	_ =	shalt  }
0x84: {  	_ =	shalt  }
0x85: {  	_ =	shalt  }
0x86: {  	_ =	shalt  }
0x87: {  	_ =	shalt  }
.Lfunc_end0:
.L_simem_size_0:
called_computation.4_lowered:
.L_overlay_start_0:
0x88: {  	s2 =	sld [smem:$0x3FD9]  }
0x89: {  	s3 =	sld [smem:$0x3FFE];
	_ =	sdelay $0x1  }
0x8a: {  	s1 =	srdreg.scid  }
0x8b: {  	s0 =	sand.u32 $0x1, s1  }
0x8c: {  	s17 =	sshll.u32 s0, $0xA;
	s2 =	sadd.s32 s3, s2  }
0x8d: {  	s2 =	sadd.s32 s2, s17  }
0x8e: {  	[smem:$0x3FC6] =	sst s2  }
0x8f: {  	_ = 	snop  }
0x90: {  	(tm) =	ssettm $0x1  }
0x91: {  	s18 =	sld [smem:$0x3FFB];
	_ =	sdelay $0x3  }
0x92: {  	_ =	strace s18  }
0x93: {  	s2 =	sld [smem:$0x3FFC];
	_ =	sdelay $0x3  }
0x94: {  	_ =	strace s2  }
0x95: {  	s2 =	sld [smem:$0x3FFD];
	_ =	sdelay $0x3  }
0x96: {  	_ =	strace s2  }
0x97: {  	_ =	strace $0x8FFFFFFF  }
0x98: {  	s19 =	sld [smem:$0x3FDB];
	_ =	sdelay $0x1  }
0x99: {  	s20 =	simm.s32 $_scs_section_size  }
0x9a: {  	s4 =	simm.s32 $_size__tile_overlayer_lowered;
	s5 =	simm.s32 $_tile_overlayer_lowered  }
0x9b: {  	s6 =	simm.s32 $0x1BFF;
	s21 =	sshll.u32 s5, $0x1;
	s3 =	sadd.s32 s20, s19  }
0x9c: {  	s22 =	simm.s32 $0x0;
	s4 =	sshll.u32 s4, $0x1;
	s5 =	sadd.s32 s21, s3  }
0x9d: {  	[timem:s22], [sflag:s6] =	dma.local [hbm:s5], s4  }
0x9e: {  	_ =	swait.ge [sflag:s6], s4  }
0x9f: {  	s4 =	ssub.s32 $0x0, s4;
	[sflag:s6] =	ssyncset.done $0x0  }
0xa0: {  	[sflag:s6] =	ssyncadd.s32 s4;
	_ =	sdelay $0x1  }
0xa1: {  	s23 =	simm.s32 $0x1B8B  }
0xa2: {  	_ =	swait.ge [sflag:s23], $0x1  }
0xa3: {  	[sflag:s23] =	ssyncset.done $0x0  }
0xa4: {  	[sflag:s23] =	ssyncadd.s32 $0xFFFFFFFF  }
0xa5: {  	s4 =	sld [smem:$0x0]  }
0xa6: {  	s5 =	sand.u32 $0xFFFFFFFE, s1  }
0xa7: {  	p0 =	sne.s32 s1, s5  }
0xa8: {  	s5 =	sshll.u32 @p0 s5, $0xE  }
0xa9: {  	s5 =	sadd.s32 @p0 $0x11B8D, s5;
	s6 =	sshll.u32 @p0 s4, $0x11  }
0xaa: {  	s5 =	sor.u32 @p0 s6, s5  }
0xab: {  	[sflag:s5] =	ssyncadd.remote.s32 @p0 $0x1;
	_ =	sdelay $0x1  }
0xac: {  	s5 =	simm.s32 @p0 $0x1B8D  }
0xad: {  	_ =	swait.eq @p0 [sflag:s5], $0x1  }
0xae: {  	[sflag:s5] =	ssyncadd.s32 @p0 $0xFFFFFFFF  }
0xaf: {  	s6 =	sshll.u32 @!p0 s1, $0xE  }
0xb0: {  	s6 =	sor.u32 @!p0 $0x4000, s6;
	s5 =	simm.s32 @!p0 $0x1B8D  }
0xb1: {  	s4 =	sshll.u32 @!p0 s4, $0x11;
	s6 =	sadd.s32 @!p0 $0x11B8D, s6;
	_ =	swait.eq @!p0 [sflag:s5], $0x1  }
0xb2: {  	s4 =	sor.u32 @!p0 s4, s6;
	[sflag:s5] =	ssyncadd.s32 @!p0 $0xFFFFFFFF  }
0xb3: {  	s25 =	simm.s32 $0x1B8E;
	s24 =	sld [smem:$0x3FFE];
	[sflag:s4] =	ssyncadd.remote.s32 @!p0 $0x1  }
0xb4: {  	s26 =	simm.s32 $execute0_lowered;
	[smem:$0x3FD2] =	sst s25  }
0xb5: {  	s5 =	sshll.u32 s26, $0x1;
	_ =	strace $0x80000052;
	[dreg:$0x1] =	wrdreg $0xFFFFFFFF  }
0xb6: {  	s28 =	simm.s32 $_size_execute0_lowered;
	s3 =	sadd.s32 s3, s5;
	[dreg:$0x0] =	wrdreg $0x0  }
0xb7: {  	s5 =	sshll.u32 s28, $0x1;
	[dreg:$0x2] =	wrdreg s3  }
0xb8: {  	[dreg:$0x3] =	wrdreg s5  }
0xb9: {  	[dreg:$0x4] =	wrdreg $0xC0  }
0xba: {  	_ =	task [dreg:s22], $0x5FFFF  }
0xbb: {  	[dreg:$0x1] =	wrdreg $0xFFFFFFFF  }
0xbc: {  	[dreg:$0x0] =	wrdreg $0x60  }
0xbd: {  	[dreg:$0x2] =	wrdreg s24  }
0xbe: {  	[dreg:$0x3] =	wrdreg $0xC  }
0xbf: {  	_ =	task.clear_ibuf [dreg:s22], $0x4FFFF;
	_ =	strace $0x90000052  }
0xc0: {  	s29 =	simm.s32 $0xC;
	_ =	strace $0x80000054  }
0xc1: {  	_ =	swait.ge [sflag:s29], $0x1  }
0xc2: {  	[sflag:s29] =	ssyncadd.s32 $0xFFFFFFFF  }
0xc3: {  	_ =	strace $0x90000054  }
0xc4: {  	_ =	sfence  }
0xc5: {  	s30 =	sld [smem:$0x0];
	_ =	sdelay $0x2  }
0xc6: {  	s31 =	sshll.u32 s1, $0xD;
	s1 =	sshrl.u32 s1, $0x2  }
0xc7: {  	s4 =	sand.u32 $0x4000, s31;
	s1 =	sadd.s32 s1, s30  }
0xc8: {  	s0 =	sor.u32 s4, s0;
	s1 =	sshll.u32 s1, $0x11  }
0xc9: {  	s0 =	sor.u32 s1, s0  }
0xca: {  	s0 =	sadd.s32 $0x8F2B, s0  }
0xcb: {  	[sflag:s0] =	ssyncadd.remote.s32 $0x1  }
0xcc: {  	_ =	sfence.sel $0xFFFF  }
0xcd: {  	[dreg:$0x0] =	wrdreg $0xFFFFFFFF;
	(pc) =	sbr.abs _section_cstart, $3  }
0xce: {  	[dreg:$0x1] =	wrdreg $0xFFFFFFFF  }
0xcf: {  	_ =	task.clear_ibuf [dreg:s22], $0x2FFFF;
	_ =	strace $0x9FFFFFFF  }
0xd0: {  	(tm) =	ssettm $0x7FFFFFFF  }
0xd1: {  	_ =	shalt  }
tec
execute0_lowered:
.L_overlay_start_1:
0x0: {  	(tag) =	ssettag $0x1  }
0x1: {  	s4 =	rddreg [dreg:$0x0];
	s2 =	srdreg.scid  }
0x2: {  	s0 =	rddreg [dreg:$0x1];
	s1 =	stileid.u32;
	s10 =	simm.s32 $0x0  }
0x3: {  	s5 =	sand.u32 $0x1, s2;
	s2 =	simm.s32 $0x0;
	s3 =	sshll.u32 s1, $0x7  }
0x4: {  	s7 =	smul.u32 $0x6400, s1;
	s6 =	sshll.u32 s5, $0x6;
	[smem:$0x7FF] =	sst s2  }
0x5: {  	s8 =	ssub.s32 $0x2, s5;
	s5 =	smul.u32 $0x3200, s5;
	s3 =	sor.u32 s6, s3  }
0x6: {  	_ =	strace $0x80000053;
	s9 =	sshrl.u32 s8, $0x1;
	s6 =	smul.u32 $0x32, s3  }
0x7: {  	s7 =	sadd.s32 s7, s4;
	s3 =	sadd.s32 $0xF63800, s4;
	s31 =	ssub.s32 s8, s9  }
0x8: {  	s7 =	sadd.s32 s5, s7;
	s8 =	simm.s32 $0x1;
	s6 =	sshrl.u32 s6, $0x3  }
0x9: {  	s9 =	simm.s32 $0x2;
	s5 =	smax.u32 s31, $0x1;
	s4 =	sadd.s32 s4, s6  }
0xa: {  	s6 =	sadd.s32 $0x14D400, s7;
	s7 =	simm.s32 $0x3;
	s4 =	sadd.s32 $0x11A00, s4  }
.LBB2_1:
0xb: {  	[tilespmem:s2], [sflag:$0x3] =	stream.linear.gather [hbm4b:s4+s2], $0xC80, $0x38;
	[tilespmem:$0x19C80] =	vst v63  }
0xc: {  	_ =	swait.ge [sflag:s7], $0xC80  }
0xd: {  	[sflag:s7] =	ssyncset.done $0x0  }
0xe: {  	s11 =	simm.s32 $0xC80;
	[sflag:s7] =	ssyncadd.s32 $0xFFFFF380  }
0xf: {  	[tilespmem:s11], [sflag:$0x1] =	stream.indirect.gather [hbm4b:s3+s11], $0x20, s2, s11, $0xb8;
	[tilespmem:$0x19C80] =	vst v63  }
0x10: {  	_ =	swait.ge [sflag:s8], $0x19000  }
0x11: {  	[sflag:s8] =	ssyncset.done $0x0  }
0x12: {  	s12 =	simm.s32 $0x0;
	[sflag:s8] =	ssyncadd.s32 $0xFFFE7000  }
.LBB2_2:
0x13: {  	p0 =	sne.s32 s12, $0x3138  }
.Ltmp0:
0x14: {  	_ = 	snop;
	(pc) =	sbr.rel @p0 .LBB2_2-.Ltmp0, $4  }
0x15: {  	_ = 	snop  }
0x16: {  	s13 =	sadd.s32 s12, s6  }
0x17: {  	[hbm4b:s13+s2] =	stream.linear.scatter [tilespmem:s11], [sflag:$0x2], $0x640, $0x38;
	[tilespmem:$0x19C80] =	vst v63  }
0x18: {  	s12 =	sadd.s32 $0xC8, s12;
	s11 =	sadd.s32 $0x640, s11  }
0x19: {  	_ =	swait.ge [sflag:s9], $0x640  }
0x1a: {  	s11 =	simm.s32 $0x3F;
	[sflag:s9] =	ssyncset.done $0x0  }
.LBB2_4:
0x1b: {  	p0 =	sne.s32 s11, $0x1;
	s11 =	sadd.s32 $0xFFFFFFFF, s11;
	[sflag:s9] =	ssyncadd.s32 $0xFFFFF9C0  }
.Ltmp1:
0x1c: {  	(pc) =	sbr.rel @p0 .LBB2_4-.Ltmp1, $3  }
0x1d: {  	_ =	sdelay $0x1  }
0x1e: {  	_ =	swait.ge [sflag:s9], $0x640  }
0x1f: {  	[sflag:s9] =	ssyncset.done $0x0  }
0x20: {  	s10 =	sadd.s32 $0x1, s10  }
0x21: {  	p0 =	sne.s32 s10, s5  }
.Ltmp2:
0x22: {  	_ = 	snop;
	(pc) =	sbr.rel @p0 .LBB2_1-.Ltmp2, $2  }
0x23: {  	_ =	sdelay $0x2  }
0x24: {  	[sflag:s9] =	ssyncadd.s32 $0xFFFFF9C0  }
0x25: {  	_ =	sfence.sel $0x180000  }
0x26: {  	[bflag:$0x0] =	sbarrier.arrive $0xFFFF  }
0x27: {  	p0 =	sne.s32 s1, $0x0;
	_ =	strace $0x90000053  }
0x28: {  	s0 =	sadd.s32 @!p0 $0x100000, s0;
	[bflag:$0x2] =	sbarrier.arrive $0xFFFF  }
0x29: {  	[sflag:s0] =	ssyncadd.tile.s32 @!p0 $0x1;
	_ =	shalt  }
.Lfunc_end2:
_tile_overlayer_lowered:
.L_overlay_start_2:
0x2a: {  	(tag) =	ssettag $0x2  }
0x2b: {  	s0 =	rddreg [dreg:$0x0];
	s2 =	stileid.u32  }
0x2c: {  	s1 =	rddreg [dreg:$0x1];
	p0 =	sne.s32 s2, $0x0  }
0x2d: {  	s3 =	rddreg [dreg:$0x2];
	[bflag:$0x3] =	sbarrier.arrive $0xFFFF;
	s2 =	simm.s32 @!p0 $0x1C03  }
0x2e: {  	[timem:s3], [sflag:s2] =	dma.local @!p0 [hbm:s0], s1  }
0x2f: {  	s0 =	simm.s32 @!p0 $0x3  }
0x30: {  	_ =	swait.ge @!p0 [sflag:s0], s1  }
0x31: {  	s1 =	ssub.s32 @!p0 $0x0, s1;
	[sflag:s0] =	ssyncset.done @!p0 $0x0  }
0x32: {  	[sflag:s0] =	ssyncadd.s32 @!p0 s1  }
0x33: {  	[bflag:$0x3] =	sbarrier.arrive $0xFFFF  }
0x34: {  	_ =	shalt  }

// kernel: kernel.26.cloned.1.call-start
scs
__scs_entry_jumppad:
0x0: {  	(pc) =	sbr.rel $0x88, $3  }
0x1: {  	(tag) =	ssettag $0x0;
	lr =	simm.s32 $0x1  }
0x2: {  	[smem:$0x3F9F] =	sst lr;
	_ =	strace $0xD0000000  }
0x3: {  	_ = 	snop  }
0x4: {  	_ = 	snop  }
0x5: {  	_ = 	snop  }
0x6: {  	_ = 	snop  }
0x7: {  	_ = 	snop  }
__scs_overlays_trampoline_lowered:
0x8: {  	[smem:$0x3FAE] =	sst s0  }
0x9: {  	[smem:$0x3FAF] =	sst s1  }
0xa: {  	[smem:$0x3FB0] =	sst s2  }
0xb: {  	[smem:$0x3FB1] =	sst s3  }
0xc: {  	[smem:$0x3FB2] =	sst s4  }
0xd: {  	[smem:$0x3FB3] =	sst s5  }
0xe: {  	[smem:$0x3FB4] =	sst s6  }
0xf: {  	[smem:$0x3FB5] =	sst s7  }
0x10: {  	[smem:$0x3FB6] =	sst s8  }
0x11: {  	[smem:$0x3FB7] =	sst s9;
	s0 =	simm.s32 @!p0 $0x0  }
0x12: {  	s1 =	sld [smem:$0x3F9D];
	s0 =	simm.s32 @p0 $0x1  }
0x13: {  	[smem:$0x3FB8] =	sst s0;
	s0 =	simm.s32 @!p1 $0x0  }
0x14: {  	s2 =	sld [smem:$0x3F9C];
	s0 =	simm.s32 @p1 $0x1  }
0x15: {  	[smem:$0x3FB9] =	sst s0;
	s0 =	simm.s32 @!p2 $0x0  }
0x16: {  	s3 =	sld [smem:$0x3FDB];
	s0 =	simm.s32 @p2 $0x1  }
0x17: {  	s4 =	simm.s32 $0x1BF5;
	[smem:$0x3FBB] =	sst s0  }
0x18: {  	s0 =	sld [smem:$0x3F9E];
	_ =	swait.ge [sflag:s4], $0x0  }
0x19: {  	s7 =	sld [smem:$0x3F9F]  }
0x1a: {  	s8 =	sadd.s32 $0xFFFFE003, lr  }
0x1b: {  	s9 =	sadd.s32 $0xFFFFFEF7, lr;
	s5 =	simm.s32 $0xFFFFFFFF;
	p2 =	slt.u32 s8, $0xFFFFF086  }
0x1c: {  	p1 =	slt.u32 s9, $0xF7A;
	s5 =	simm.s32 @!p2 $0x0  }
0x1d: {  	s5 =	simm.s32 @p1 $0x1;
	p0 =	seq.s32 s7, s2  }
0x1e: {  	s7 =	smul.u32 @!p0 $0xF7A, s2;
	p2 =	seq.s32 @!p0 s5, $0x0  }
0x1f: {  	s9 =	smul.u32 $0xF7A, s1;
	s8 =	simm.s32 @!p0 $0x1BF5;
	p2 =	por !p2, p0  }
0x20: {  	[sflag:s8] =	ssyncset.s32 @!p0 $0xFFFFF086;
	s6 =	sadd.s32 @!p0 s3, s7;
	s7 =	simm.s32 @!p0 $0x108  }
0x21: {  	s3 =	sadd.s32 s3, s9;
	s6 =	sadd.s32 @!p0 $0x88, s6;
	s7 =	simm.s32 @p2 $0x1082  }
0x22: {  	[simem:s7], [sflag:s8] =	dma.local @!p0 [hbm:s6], $0xF7A  }
0x23: {  	s9 =	sor.u32 $0xD0000000, s2;
	s6 =	simm.s32 $0x108;
	_ =	swait.ge @!p0 [sflag:s8], $0x0  }
0x24: {  	s3 =	sadd.s32 $0x88, s3;
	s6 =	simm.s32 @!p1 $0x1082;
	[sflag:s4] =	ssyncset.s32 $0xFFFFF086  }
0x25: {  	[simem:s6], [sflag:s4] =	dma.local [hbm:s3], $0xF7A  }
0x26: {  	[smem:$0x3F9F] =	sst s1;
	(tag) =	ssettag s2;
	_ =	strace s9  }
0x27: {  	s1 =	sld [smem:$0x3FAF]  }
0x28: {  	s2 =	sld [smem:$0x3FB0]  }
0x29: {  	s4 =	sld [smem:$0x3FB2]  }
0x2a: {  	p0 =	seq.s32 s5, $0x0;
	s5 =	sld [smem:$0x3FB3]  }
0x2b: {  	s6 =	sld [smem:$0x3FB4]  }
0x2c: {  	s7 =	sld [smem:$0x3FB5]  }
0x2d: {  	s3 =	simm.s32 $0x108;
	s8 =	sld [smem:$0x3FB6]  }
0x2e: {  	s3 =	simm.s32 @!p0 $0x1082;
	s9 =	sld [smem:$0x3FB7]  }
0x2f: {  	lr =	sadd.s32 s0, s3;
	s0 =	sld [smem:$0x3FAE]  }
0x30: {  	s3 =	sld [smem:$0x3FB1]  }
0x31: {  	[smem:$0x3FBA] =	sst s10  }
0x32: {  	s10 =	sld [smem:$0x3FB8];
	_ =	sdelay $0x3  }
0x33: {  	p0 =	seq.s32 s10, $0x1;
	s10 =	sld [smem:$0x3FBA];
	_ =	sdelay $0x3  }
0x34: {  	[smem:$0x3FBA] =	sst s10  }
0x35: {  	s10 =	sld [smem:$0x3FB9];
	_ =	sdelay $0x3  }
0x36: {  	p1 =	seq.s32 s10, $0x1;
	s10 =	sld [smem:$0x3FBA];
	_ =	sdelay $0x3  }
0x37: {  	[smem:$0x3FBA] =	sst s10  }
0x38: {  	s10 =	sld [smem:$0x3FBB]  }
0x39: {  	_ = 	snop;
	(pc) =	sbr.ind lr, $3  }
0x3a: {  	_ = 	snop  }
0x3b: {  	_ = 	snop  }
0x3c: {  	p2 =	seq.s32 s10, $0x1;
	s10 =	sld [smem:$0x3FBA]  }
0x3d: {  	_ =	shalt  }
0x3e: {  	_ =	shalt  }
0x3f: {  	_ =	shalt  }
0x40: {  	_ =	shalt  }
0x41: {  	_ =	shalt  }
0x42: {  	_ =	shalt  }
0x43: {  	_ =	shalt  }
0x44: {  	_ =	shalt  }
0x45: {  	_ =	shalt  }
0x46: {  	_ =	shalt  }
0x47: {  	_ =	shalt  }
0x48: {  	_ =	shalt  }
0x49: {  	_ =	shalt  }
0x4a: {  	_ =	shalt  }
0x4b: {  	_ =	shalt  }
0x4c: {  	_ =	shalt  }
0x4d: {  	_ =	shalt  }
0x4e: {  	_ =	shalt  }
0x4f: {  	_ =	shalt  }
0x50: {  	_ =	shalt  }
0x51: {  	_ =	shalt  }
0x52: {  	_ =	shalt  }
0x53: {  	_ =	shalt  }
0x54: {  	_ =	shalt  }
0x55: {  	_ =	shalt  }
0x56: {  	_ =	shalt  }
0x57: {  	_ =	shalt  }
0x58: {  	_ =	shalt  }
0x59: {  	_ =	shalt  }
0x5a: {  	_ =	shalt  }
0x5b: {  	_ =	shalt  }
0x5c: {  	_ =	shalt  }
0x5d: {  	_ =	shalt  }
0x5e: {  	_ =	shalt  }
0x5f: {  	_ =	shalt  }
0x60: {  	_ =	shalt  }
0x61: {  	_ =	shalt  }
0x62: {  	_ =	shalt  }
0x63: {  	_ =	shalt  }
0x64: {  	_ =	shalt  }
0x65: {  	_ =	shalt  }
0x66: {  	_ =	shalt  }
0x67: {  	_ =	shalt  }
0x68: {  	_ =	shalt  }
0x69: {  	_ =	shalt  }
0x6a: {  	_ =	shalt  }
0x6b: {  	_ =	shalt  }
0x6c: {  	_ =	shalt  }
0x6d: {  	_ =	shalt  }
0x6e: {  	_ =	shalt  }
0x6f: {  	_ =	shalt  }
0x70: {  	_ =	shalt  }
0x71: {  	_ =	shalt  }
0x72: {  	_ =	shalt  }
0x73: {  	_ =	shalt  }
0x74: {  	_ =	shalt  }
0x75: {  	_ =	shalt  }
0x76: {  	_ =	shalt  }
0x77: {  	_ =	shalt  }
0x78: {  	_ =	shalt  }
0x79: {  	_ =	shalt  }
0x7a: {  	_ =	shalt  }
0x7b: {  	_ =	shalt  }
0x7c: {  	_ =	shalt  }
0x7d: {  	_ =	shalt  }
0x7e: {  	_ =	shalt  }
0x7f: {  	_ =	shalt  }
0x80: {  	_ =	shalt  }
0x81: {  	_ =	shalt  }
0x82: {  	_ =	shalt  }
0x83: {  	_ =	shalt  }
0x84: {  	_ =	shalt  }
0x85: {  	_ =	shalt  }
0x86: {  	_ =	shalt  }
0x87: {  	_ =	shalt  }
.Lfunc_end0:
.L_simem_size_0:
called_computation.5_lowered:
.L_overlay_start_0:
0x88: {  	s2 =	sld [smem:$0x3FD9]  }
0x89: {  	s3 =	sld [smem:$0x3FFE];
	_ =	sdelay $0x1  }
0x8a: {  	s1 =	srdreg.scid  }
0x8b: {  	s0 =	sand.u32 $0x1, s1  }
0x8c: {  	s17 =	sshll.u32 s0, $0xA;
	s2 =	sadd.s32 s3, s2  }
0x8d: {  	s2 =	sadd.s32 s2, s17  }
0x8e: {  	[smem:$0x3FC6] =	sst s2  }
0x8f: {  	_ = 	snop  }
0x90: {  	(tm) =	ssettm $0x1  }
0x91: {  	s18 =	sld [smem:$0x3FFB];
	_ =	sdelay $0x3  }
0x92: {  	_ =	strace s18  }
0x93: {  	s2 =	sld [smem:$0x3FFC];
	_ =	sdelay $0x3  }
0x94: {  	_ =	strace s2  }
0x95: {  	s2 =	sld [smem:$0x3FFD];
	_ =	sdelay $0x3  }
0x96: {  	_ =	strace s2  }
0x97: {  	_ =	strace $0x8FFFFFFF  }
0x98: {  	s19 =	sld [smem:$0x3FDB];
	_ =	sdelay $0x1  }
0x99: {  	s20 =	simm.s32 $_scs_section_size  }
0x9a: {  	s4 =	simm.s32 $_size__tile_overlayer_lowered;
	s5 =	simm.s32 $_tile_overlayer_lowered  }
0x9b: {  	s6 =	simm.s32 $0x1BFF;
	s21 =	sshll.u32 s5, $0x1;
	s3 =	sadd.s32 s20, s19  }
0x9c: {  	s22 =	simm.s32 $0x0;
	s4 =	sshll.u32 s4, $0x1;
	s5 =	sadd.s32 s21, s3  }
0x9d: {  	[timem:s22], [sflag:s6] =	dma.local [hbm:s5], s4  }
0x9e: {  	_ =	swait.ge [sflag:s6], s4  }
0x9f: {  	s4 =	ssub.s32 $0x0, s4;
	[sflag:s6] =	ssyncset.done $0x0  }
0xa0: {  	[sflag:s6] =	ssyncadd.s32 s4;
	_ =	sdelay $0x1  }
0xa1: {  	s23 =	simm.s32 $0x1B8B  }
0xa2: {  	_ =	swait.ge [sflag:s23], $0x1  }
0xa3: {  	[sflag:s23] =	ssyncset.done $0x0  }
0xa4: {  	[sflag:s23] =	ssyncadd.s32 $0xFFFFFFFF  }
0xa5: {  	s4 =	sld [smem:$0x0]  }
0xa6: {  	s5 =	sand.u32 $0xFFFFFFFE, s1  }
0xa7: {  	p0 =	sne.s32 s1, s5  }
0xa8: {  	s5 =	sshll.u32 @p0 s5, $0xE  }
0xa9: {  	s5 =	sadd.s32 @p0 $0x11B8D, s5;
	s6 =	sshll.u32 @p0 s4, $0x11  }
0xaa: {  	s5 =	sor.u32 @p0 s6, s5  }
0xab: {  	[sflag:s5] =	ssyncadd.remote.s32 @p0 $0x1;
	_ =	sdelay $0x1  }
0xac: {  	s5 =	simm.s32 @p0 $0x1B8D  }
0xad: {  	_ =	swait.eq @p0 [sflag:s5], $0x1  }
0xae: {  	[sflag:s5] =	ssyncadd.s32 @p0 $0xFFFFFFFF  }
0xaf: {  	s6 =	sshll.u32 @!p0 s1, $0xE  }
0xb0: {  	s6 =	sor.u32 @!p0 $0x4000, s6;
	s5 =	simm.s32 @!p0 $0x1B8D  }
0xb1: {  	s4 =	sshll.u32 @!p0 s4, $0x11;
	s6 =	sadd.s32 @!p0 $0x11B8D, s6;
	_ =	swait.eq @!p0 [sflag:s5], $0x1  }
0xb2: {  	s4 =	sor.u32 @!p0 s4, s6;
	[sflag:s5] =	ssyncadd.s32 @!p0 $0xFFFFFFFF  }
0xb3: {  	s25 =	simm.s32 $0x1B8E;
	s24 =	sld [smem:$0x3FFE];
	[sflag:s4] =	ssyncadd.remote.s32 @!p0 $0x1  }
0xb4: {  	s26 =	simm.s32 $execute0_lowered;
	[smem:$0x3FD2] =	sst s25  }
0xb5: {  	s5 =	sshll.u32 s26, $0x1;
	_ =	strace $0x80000055;
	[dreg:$0x1] =	wrdreg $0xFFFFFFFF  }
0xb6: {  	s28 =	simm.s32 $_size_execute0_lowered;
	s3 =	sadd.s32 s3, s5;
	[dreg:$0x0] =	wrdreg $0x0  }
0xb7: {  	s5 =	sshll.u32 s28, $0x1;
	[dreg:$0x2] =	wrdreg s3  }
0xb8: {  	[dreg:$0x3] =	wrdreg s5  }
0xb9: {  	[dreg:$0x4] =	wrdreg $0xC0  }
0xba: {  	_ =	task [dreg:s22], $0x5FFFF  }
0xbb: {  	[dreg:$0x1] =	wrdreg $0xFFFFFFFF  }
0xbc: {  	[dreg:$0x0] =	wrdreg $0x60  }
0xbd: {  	[dreg:$0x2] =	wrdreg s24  }
0xbe: {  	[dreg:$0x3] =	wrdreg $0xD  }
0xbf: {  	_ =	task.clear_ibuf [dreg:s22], $0x4FFFF;
	_ =	strace $0x90000055  }
0xc0: {  	s29 =	simm.s32 $0xD;
	_ =	strace $0x80000057  }
0xc1: {  	_ =	swait.ge [sflag:s29], $0x1  }
0xc2: {  	[sflag:s29] =	ssyncadd.s32 $0xFFFFFFFF  }
0xc3: {  	_ =	strace $0x90000057  }
0xc4: {  	_ =	sfence  }
0xc5: {  	s30 =	sld [smem:$0x0];
	_ =	sdelay $0x2  }
0xc6: {  	s31 =	sshll.u32 s1, $0xD;
	s1 =	sshrl.u32 s1, $0x2  }
0xc7: {  	s4 =	sand.u32 $0x4000, s31;
	s1 =	sadd.s32 s1, s30  }
0xc8: {  	s0 =	sor.u32 s4, s0;
	s1 =	sshll.u32 s1, $0x11  }
0xc9: {  	s0 =	sor.u32 s1, s0  }
0xca: {  	s0 =	sadd.s32 $0x8F2B, s0  }
0xcb: {  	[sflag:s0] =	ssyncadd.remote.s32 $0x1  }
0xcc: {  	_ =	sfence.sel $0xFFFF  }
0xcd: {  	[dreg:$0x0] =	wrdreg $0xFFFFFFFF;
	(pc) =	sbr.abs _section_cstart, $3  }
0xce: {  	[dreg:$0x1] =	wrdreg $0xFFFFFFFF  }
0xcf: {  	_ =	task.clear_ibuf [dreg:s22], $0x2FFFF;
	_ =	strace $0x9FFFFFFF  }
0xd0: {  	(tm) =	ssettm $0x7FFFFFFF  }
0xd1: {  	_ =	shalt  }
tec
execute0_lowered:
.L_overlay_start_1:
0x0: {  	(tag) =	ssettag $0x1  }
0x1: {  	s4 =	rddreg [dreg:$0x0];
	s2 =	srdreg.scid  }
0x2: {  	s0 =	rddreg [dreg:$0x1];
	s1 =	stileid.u32;
	s10 =	simm.s32 $0x0  }
0x3: {  	s5 =	sand.u32 $0x1, s2;
	s2 =	simm.s32 $0x0;
	s3 =	sshll.u32 s1, $0x7  }
0x4: {  	s7 =	smul.u32 $0x6400, s1;
	s6 =	sshll.u32 s5, $0x6;
	[smem:$0x7FF] =	sst s2  }
0x5: {  	s8 =	ssub.s32 $0x2, s5;
	s5 =	smul.u32 $0x3200, s5;
	s3 =	sor.u32 s6, s3  }
0x6: {  	_ =	strace $0x80000056;
	s9 =	sshrl.u32 s8, $0x1;
	s6 =	smul.u32 $0x32, s3  }
0x7: {  	s7 =	sadd.s32 s7, s4;
	s3 =	sadd.s32 $0xF63800, s4;
	s31 =	ssub.s32 s8, s9  }
0x8: {  	s7 =	sadd.s32 s5, s7;
	s8 =	simm.s32 $0x1;
	s6 =	sshrl.u32 s6, $0x3  }
0x9: {  	s9 =	simm.s32 $0x2;
	s5 =	smax.u32 s31, $0x1;
	s4 =	sadd.s32 s4, s6  }
0xa: {  	s6 =	sadd.s32 $0x1B1400, s7;
	s7 =	simm.s32 $0x3;
	s4 =	sadd.s32 $0x14C00, s4  }
.LBB2_1:
0xb: {  	[tilespmem:s2], [sflag:$0x3] =	stream.linear.gather [hbm4b:s4+s2], $0xC80, $0x38;
	[tilespmem:$0x19C80] =	vst v63  }
0xc: {  	_ =	swait.ge [sflag:s7], $0xC80  }
0xd: {  	[sflag:s7] =	ssyncset.done $0x0  }
0xe: {  	s11 =	simm.s32 $0xC80;
	[sflag:s7] =	ssyncadd.s32 $0xFFFFF380  }
0xf: {  	[tilespmem:s11], [sflag:$0x1] =	stream.indirect.gather [hbm4b:s3+s11], $0x20, s2, s11, $0xb8;
	[tilespmem:$0x19C80] =	vst v63  }
0x10: {  	_ =	swait.ge [sflag:s8], $0x19000  }
0x11: {  	[sflag:s8] =	ssyncset.done $0x0  }
0x12: {  	s12 =	simm.s32 $0x0;
	[sflag:s8] =	ssyncadd.s32 $0xFFFE7000  }
.LBB2_2:
0x13: {  	p0 =	sne.s32 s12, $0x3138  }
.Ltmp0:
0x14: {  	_ = 	snop;
	(pc) =	sbr.rel @p0 .LBB2_2-.Ltmp0, $4  }
0x15: {  	_ = 	snop  }
0x16: {  	s13 =	sadd.s32 s12, s6  }
0x17: {  	[hbm4b:s13+s2] =	stream.linear.scatter [tilespmem:s11], [sflag:$0x2], $0x640, $0x38;
	[tilespmem:$0x19C80] =	vst v63  }
0x18: {  	s12 =	sadd.s32 $0xC8, s12;
	s11 =	sadd.s32 $0x640, s11  }
0x19: {  	_ =	swait.ge [sflag:s9], $0x640  }
0x1a: {  	s11 =	simm.s32 $0x3F;
	[sflag:s9] =	ssyncset.done $0x0  }
.LBB2_4:
0x1b: {  	p0 =	sne.s32 s11, $0x1;
	s11 =	sadd.s32 $0xFFFFFFFF, s11;
	[sflag:s9] =	ssyncadd.s32 $0xFFFFF9C0  }
.Ltmp1:
0x1c: {  	(pc) =	sbr.rel @p0 .LBB2_4-.Ltmp1, $3  }
0x1d: {  	_ =	sdelay $0x1  }
0x1e: {  	_ =	swait.ge [sflag:s9], $0x640  }
0x1f: {  	[sflag:s9] =	ssyncset.done $0x0  }
0x20: {  	s10 =	sadd.s32 $0x1, s10  }
0x21: {  	p0 =	sne.s32 s10, s5  }
.Ltmp2:
0x22: {  	_ = 	snop;
	(pc) =	sbr.rel @p0 .LBB2_1-.Ltmp2, $2  }
0x23: {  	_ =	sdelay $0x2  }
0x24: {  	[sflag:s9] =	ssyncadd.s32 $0xFFFFF9C0  }
0x25: {  	_ =	sfence.sel $0x180000  }
0x26: {  	[bflag:$0x0] =	sbarrier.arrive $0xFFFF  }
0x27: {  	p0 =	sne.s32 s1, $0x0;
	_ =	strace $0x90000056  }
0x28: {  	s0 =	sadd.s32 @!p0 $0x100000, s0;
	[bflag:$0x2] =	sbarrier.arrive $0xFFFF  }
0x29: {  	[sflag:s0] =	ssyncadd.tile.s32 @!p0 $0x1;
	_ =	shalt  }
.Lfunc_end2:
_tile_overlayer_lowered:
.L_overlay_start_2:
0x2a: {  	(tag) =	ssettag $0x2  }
0x2b: {  	s0 =	rddreg [dreg:$0x0];
	s2 =	stileid.u32  }
0x2c: {  	s1 =	rddreg [dreg:$0x1];
	p0 =	sne.s32 s2, $0x0  }
0x2d: {  	s3 =	rddreg [dreg:$0x2];
	[bflag:$0x3] =	sbarrier.arrive $0xFFFF;
	s2 =	simm.s32 @!p0 $0x1C03  }
0x2e: {  	[timem:s3], [sflag:s2] =	dma.local @!p0 [hbm:s0], s1  }
0x2f: {  	s0 =	simm.s32 @!p0 $0x3  }
0x30: {  	_ =	swait.ge @!p0 [sflag:s0], s1  }
0x31: {  	s1 =	ssub.s32 @!p0 $0x0, s1;
	[sflag:s0] =	ssyncset.done @!p0 $0x0  }
0x32: {  	[sflag:s0] =	ssyncadd.s32 @!p0 s1  }
0x33: {  	[bflag:$0x3] =	sbarrier.arrive $0xFFFF  }
0x34: {  	_ =	shalt  }

// kernel: kernel.29.cloned.1.call-start
scs
__scs_entry_jumppad:
0x0: {  	(pc) =	sbr.rel $0x88, $3  }
0x1: {  	(tag) =	ssettag $0x0;
	lr =	simm.s32 $0x1  }
0x2: {  	[smem:$0x3F9F] =	sst lr;
	_ =	strace $0xD0000000  }
0x3: {  	_ = 	snop  }
0x4: {  	_ = 	snop  }
0x5: {  	_ = 	snop  }
0x6: {  	_ = 	snop  }
0x7: {  	_ = 	snop  }
__scs_overlays_trampoline_lowered:
0x8: {  	[smem:$0x3FAE] =	sst s0  }
0x9: {  	[smem:$0x3FAF] =	sst s1  }
0xa: {  	[smem:$0x3FB0] =	sst s2  }
0xb: {  	[smem:$0x3FB1] =	sst s3  }
0xc: {  	[smem:$0x3FB2] =	sst s4  }
0xd: {  	[smem:$0x3FB3] =	sst s5  }
0xe: {  	[smem:$0x3FB4] =	sst s6  }
0xf: {  	[smem:$0x3FB5] =	sst s7  }
0x10: {  	[smem:$0x3FB6] =	sst s8  }
0x11: {  	[smem:$0x3FB7] =	sst s9;
	s0 =	simm.s32 @!p0 $0x0  }
0x12: {  	s1 =	sld [smem:$0x3F9D];
	s0 =	simm.s32 @p0 $0x1  }
0x13: {  	[smem:$0x3FB8] =	sst s0;
	s0 =	simm.s32 @!p1 $0x0  }
0x14: {  	s2 =	sld [smem:$0x3F9C];
	s0 =	simm.s32 @p1 $0x1  }
0x15: {  	[smem:$0x3FB9] =	sst s0;
	s0 =	simm.s32 @!p2 $0x0  }
0x16: {  	s3 =	sld [smem:$0x3FDB];
	s0 =	simm.s32 @p2 $0x1  }
0x17: {  	s4 =	simm.s32 $0x1BF5;
	[smem:$0x3FBB] =	sst s0  }
0x18: {  	s0 =	sld [smem:$0x3F9E];
	_ =	swait.ge [sflag:s4], $0x0  }
0x19: {  	s7 =	sld [smem:$0x3F9F]  }
0x1a: {  	s8 =	sadd.s32 $0xFFFFE003, lr  }
0x1b: {  	s9 =	sadd.s32 $0xFFFFFEF7, lr;
	s5 =	simm.s32 $0xFFFFFFFF;
	p2 =	slt.u32 s8, $0xFFFFF086  }
0x1c: {  	p1 =	slt.u32 s9, $0xF7A;
	s5 =	simm.s32 @!p2 $0x0  }
0x1d: {  	s5 =	simm.s32 @p1 $0x1;
	p0 =	seq.s32 s7, s2  }
0x1e: {  	s7 =	smul.u32 @!p0 $0xF7A, s2;
	p2 =	seq.s32 @!p0 s5, $0x0  }
0x1f: {  	s9 =	smul.u32 $0xF7A, s1;
	s8 =	simm.s32 @!p0 $0x1BF5;
	p2 =	por !p2, p0  }
0x20: {  	[sflag:s8] =	ssyncset.s32 @!p0 $0xFFFFF086;
	s6 =	sadd.s32 @!p0 s3, s7;
	s7 =	simm.s32 @!p0 $0x108  }
0x21: {  	s3 =	sadd.s32 s3, s9;
	s6 =	sadd.s32 @!p0 $0x88, s6;
	s7 =	simm.s32 @p2 $0x1082  }
0x22: {  	[simem:s7], [sflag:s8] =	dma.local @!p0 [hbm:s6], $0xF7A  }
0x23: {  	s9 =	sor.u32 $0xD0000000, s2;
	s6 =	simm.s32 $0x108;
	_ =	swait.ge @!p0 [sflag:s8], $0x0  }
0x24: {  	s3 =	sadd.s32 $0x88, s3;
	s6 =	simm.s32 @!p1 $0x1082;
	[sflag:s4] =	ssyncset.s32 $0xFFFFF086  }
0x25: {  	[simem:s6], [sflag:s4] =	dma.local [hbm:s3], $0xF7A  }
0x26: {  	[smem:$0x3F9F] =	sst s1;
	(tag) =	ssettag s2;
	_ =	strace s9  }
0x27: {  	s1 =	sld [smem:$0x3FAF]  }
0x28: {  	s2 =	sld [smem:$0x3FB0]  }
0x29: {  	s4 =	sld [smem:$0x3FB2]  }
0x2a: {  	p0 =	seq.s32 s5, $0x0;
	s5 =	sld [smem:$0x3FB3]  }
0x2b: {  	s6 =	sld [smem:$0x3FB4]  }
0x2c: {  	s7 =	sld [smem:$0x3FB5]  }
0x2d: {  	s3 =	simm.s32 $0x108;
	s8 =	sld [smem:$0x3FB6]  }
0x2e: {  	s3 =	simm.s32 @!p0 $0x1082;
	s9 =	sld [smem:$0x3FB7]  }
0x2f: {  	lr =	sadd.s32 s0, s3;
	s0 =	sld [smem:$0x3FAE]  }
0x30: {  	s3 =	sld [smem:$0x3FB1]  }
0x31: {  	[smem:$0x3FBA] =	sst s10  }
0x32: {  	s10 =	sld [smem:$0x3FB8];
	_ =	sdelay $0x3  }
0x33: {  	p0 =	seq.s32 s10, $0x1;
	s10 =	sld [smem:$0x3FBA];
	_ =	sdelay $0x3  }
0x34: {  	[smem:$0x3FBA] =	sst s10  }
0x35: {  	s10 =	sld [smem:$0x3FB9];
	_ =	sdelay $0x3  }
0x36: {  	p1 =	seq.s32 s10, $0x1;
	s10 =	sld [smem:$0x3FBA];
	_ =	sdelay $0x3  }
0x37: {  	[smem:$0x3FBA] =	sst s10  }
0x38: {  	s10 =	sld [smem:$0x3FBB]  }
0x39: {  	_ = 	snop;
	(pc) =	sbr.ind lr, $3  }
0x3a: {  	_ = 	snop  }
0x3b: {  	_ = 	snop  }
0x3c: {  	p2 =	seq.s32 s10, $0x1;
	s10 =	sld [smem:$0x3FBA]  }
0x3d: {  	_ =	shalt  }
0x3e: {  	_ =	shalt  }
0x3f: {  	_ =	shalt  }
0x40: {  	_ =	shalt  }
0x41: {  	_ =	shalt  }
0x42: {  	_ =	shalt  }
0x43: {  	_ =	shalt  }
0x44: {  	_ =	shalt  }
0x45: {  	_ =	shalt  }
0x46: {  	_ =	shalt  }
0x47: {  	_ =	shalt  }
0x48: {  	_ =	shalt  }
0x49: {  	_ =	shalt  }
0x4a: {  	_ =	shalt  }
0x4b: {  	_ =	shalt  }
0x4c: {  	_ =	shalt  }
0x4d: {  	_ =	shalt  }
0x4e: {  	_ =	shalt  }
0x4f: {  	_ =	shalt  }
0x50: {  	_ =	shalt  }
0x51: {  	_ =	shalt  }
0x52: {  	_ =	shalt  }
0x53: {  	_ =	shalt  }
0x54: {  	_ =	shalt  }
0x55: {  	_ =	shalt  }
0x56: {  	_ =	shalt  }
0x57: {  	_ =	shalt  }
0x58: {  	_ =	shalt  }
0x59: {  	_ =	shalt  }
0x5a: {  	_ =	shalt  }
0x5b: {  	_ =	shalt  }
0x5c: {  	_ =	shalt  }
0x5d: {  	_ =	shalt  }
0x5e: {  	_ =	shalt  }
0x5f: {  	_ =	shalt  }
0x60: {  	_ =	shalt  }
0x61: {  	_ =	shalt  }
0x62: {  	_ =	shalt  }
0x63: {  	_ =	shalt  }
0x64: {  	_ =	shalt  }
0x65: {  	_ =	shalt  }
0x66: {  	_ =	shalt  }
0x67: {  	_ =	shalt  }
0x68: {  	_ =	shalt  }
0x69: {  	_ =	shalt  }
0x6a: {  	_ =	shalt  }
0x6b: {  	_ =	shalt  }
0x6c: {  	_ =	shalt  }
0x6d: {  	_ =	shalt  }
0x6e: {  	_ =	shalt  }
0x6f: {  	_ =	shalt  }
0x70: {  	_ =	shalt  }
0x71: {  	_ =	shalt  }
0x72: {  	_ =	shalt  }
0x73: {  	_ =	shalt  }
0x74: {  	_ =	shalt  }
0x75: {  	_ =	shalt  }
0x76: {  	_ =	shalt  }
0x77: {  	_ =	shalt  }
0x78: {  	_ =	shalt  }
0x79: {  	_ =	shalt  }
0x7a: {  	_ =	shalt  }
0x7b: {  	_ =	shalt  }
0x7c: {  	_ =	shalt  }
0x7d: {  	_ =	shalt  }
0x7e: {  	_ =	shalt  }
0x7f: {  	_ =	shalt  }
0x80: {  	_ =	shalt  }
0x81: {  	_ =	shalt  }
0x82: {  	_ =	shalt  }
0x83: {  	_ =	shalt  }
0x84: {  	_ =	shalt  }
0x85: {  	_ =	shalt  }
0x86: {  	_ =	shalt  }
0x87: {  	_ =	shalt  }
.Lfunc_end0:
.L_simem_size_0:
called_computation.6_lowered:
.L_overlay_start_0:
0x88: {  	s2 =	sld [smem:$0x3FD9]  }
0x89: {  	s3 =	sld [smem:$0x3FFE];
	_ =	sdelay $0x1  }
0x8a: {  	s1 =	srdreg.scid  }
0x8b: {  	s0 =	sand.u32 $0x1, s1  }
0x8c: {  	s17 =	sshll.u32 s0, $0xA;
	s2 =	sadd.s32 s3, s2  }
0x8d: {  	s2 =	sadd.s32 s2, s17  }
0x8e: {  	[smem:$0x3FC6] =	sst s2  }
0x8f: {  	_ = 	snop  }
0x90: {  	(tm) =	ssettm $0x1  }
0x91: {  	s18 =	sld [smem:$0x3FFB];
	_ =	sdelay $0x3  }
0x92: {  	_ =	strace s18  }
0x93: {  	s2 =	sld [smem:$0x3FFC];
	_ =	sdelay $0x3  }
0x94: {  	_ =	strace s2  }
0x95: {  	s2 =	sld [smem:$0x3FFD];
	_ =	sdelay $0x3  }
0x96: {  	_ =	strace s2  }
0x97: {  	_ =	strace $0x8FFFFFFF  }
0x98: {  	s19 =	sld [smem:$0x3FDB];
	_ =	sdelay $0x1  }
0x99: {  	s20 =	simm.s32 $_scs_section_size  }
0x9a: {  	s4 =	simm.s32 $_size__tile_overlayer_lowered;
	s5 =	simm.s32 $_tile_overlayer_lowered  }
0x9b: {  	s6 =	simm.s32 $0x1BFF;
	s21 =	sshll.u32 s5, $0x1;
	s3 =	sadd.s32 s20, s19  }
0x9c: {  	s22 =	simm.s32 $0x0;
	s4 =	sshll.u32 s4, $0x1;
	s5 =	sadd.s32 s21, s3  }
0x9d: {  	[timem:s22], [sflag:s6] =	dma.local [hbm:s5], s4  }
0x9e: {  	_ =	swait.ge [sflag:s6], s4  }
0x9f: {  	s4 =	ssub.s32 $0x0, s4;
	[sflag:s6] =	ssyncset.done $0x0  }
0xa0: {  	[sflag:s6] =	ssyncadd.s32 s4;
	_ =	sdelay $0x1  }
0xa1: {  	s23 =	simm.s32 $0x1B8B  }
0xa2: {  	_ =	swait.ge [sflag:s23], $0x1  }
0xa3: {  	[sflag:s23] =	ssyncset.done $0x0  }
0xa4: {  	[sflag:s23] =	ssyncadd.s32 $0xFFFFFFFF  }
0xa5: {  	s4 =	sld [smem:$0x0]  }
0xa6: {  	s5 =	sand.u32 $0xFFFFFFFE, s1  }
0xa7: {  	p0 =	sne.s32 s1, s5  }
0xa8: {  	s5 =	sshll.u32 @p0 s5, $0xE  }
0xa9: {  	s5 =	sadd.s32 @p0 $0x11B8D, s5;
	s6 =	sshll.u32 @p0 s4, $0x11  }
0xaa: {  	s5 =	sor.u32 @p0 s6, s5  }
0xab: {  	[sflag:s5] =	ssyncadd.remote.s32 @p0 $0x1;
	_ =	sdelay $0x1  }
0xac: {  	s5 =	simm.s32 @p0 $0x1B8D  }
0xad: {  	_ =	swait.eq @p0 [sflag:s5], $0x1  }
0xae: {  	[sflag:s5] =	ssyncadd.s32 @p0 $0xFFFFFFFF  }
0xaf: {  	s6 =	sshll.u32 @!p0 s1, $0xE  }
0xb0: {  	s6 =	sor.u32 @!p0 $0x4000, s6;
	s5 =	simm.s32 @!p0 $0x1B8D  }
0xb1: {  	s4 =	sshll.u32 @!p0 s4, $0x11;
	s6 =	sadd.s32 @!p0 $0x11B8D, s6;
	_ =	swait.eq @!p0 [sflag:s5], $0x1  }
0xb2: {  	s4 =	sor.u32 @!p0 s4, s6;
	[sflag:s5] =	ssyncadd.s32 @!p0 $0xFFFFFFFF  }
0xb3: {  	s25 =	simm.s32 $0x1B8E;
	s24 =	sld [smem:$0x3FFE];
	[sflag:s4] =	ssyncadd.remote.s32 @!p0 $0x1  }
0xb4: {  	s26 =	simm.s32 $execute0_lowered;
	[smem:$0x3FD2] =	sst s25  }
0xb5: {  	s5 =	sshll.u32 s26, $0x1;
	_ =	strace $0x80000058;
	[dreg:$0x1] =	wrdreg $0xFFFFFFFF  }
0xb6: {  	s28 =	simm.s32 $_size_execute0_lowered;
	s3 =	sadd.s32 s3, s5;
	[dreg:$0x0] =	wrdreg $0x0  }
0xb7: {  	s5 =	sshll.u32 s28, $0x1;
	[dreg:$0x2] =	wrdreg s3  }
0xb8: {  	[dreg:$0x3] =	wrdreg s5  }
0xb9: {  	[dreg:$0x4] =	wrdreg $0xC0  }
0xba: {  	_ =	task [dreg:s22], $0x5FFFF  }
0xbb: {  	[dreg:$0x1] =	wrdreg $0xFFFFFFFF  }
0xbc: {  	[dreg:$0x0] =	wrdreg $0x60  }
0xbd: {  	[dreg:$0x2] =	wrdreg s24  }
0xbe: {  	[dreg:$0x3] =	wrdreg $0xE  }
0xbf: {  	_ =	task.clear_ibuf [dreg:s22], $0x4FFFF;
	_ =	strace $0x90000058  }
0xc0: {  	s29 =	simm.s32 $0xE;
	_ =	strace $0x8000005A  }
0xc1: {  	_ =	swait.ge [sflag:s29], $0x1  }
0xc2: {  	[sflag:s29] =	ssyncadd.s32 $0xFFFFFFFF  }
0xc3: {  	_ =	strace $0x9000005A  }
0xc4: {  	_ =	sfence  }
0xc5: {  	s30 =	sld [smem:$0x0];
	_ =	sdelay $0x2  }
0xc6: {  	s31 =	sshll.u32 s1, $0xD;
	s1 =	sshrl.u32 s1, $0x2  }
0xc7: {  	s4 =	sand.u32 $0x4000, s31;
	s1 =	sadd.s32 s1, s30  }
0xc8: {  	s0 =	sor.u32 s4, s0;
	s1 =	sshll.u32 s1, $0x11  }
0xc9: {  	s0 =	sor.u32 s1, s0  }
0xca: {  	s0 =	sadd.s32 $0x8F2B, s0  }
0xcb: {  	[sflag:s0] =	ssyncadd.remote.s32 $0x1  }
0xcc: {  	_ =	sfence.sel $0xFFFF  }
0xcd: {  	[dreg:$0x0] =	wrdreg $0xFFFFFFFF;
	(pc) =	sbr.abs _section_cstart, $3  }
0xce: {  	[dreg:$0x1] =	wrdreg $0xFFFFFFFF  }
0xcf: {  	_ =	task.clear_ibuf [dreg:s22], $0x2FFFF;
	_ =	strace $0x9FFFFFFF  }
0xd0: {  	(tm) =	ssettm $0x7FFFFFFF  }
0xd1: {  	_ =	shalt  }
tec
execute0_lowered:
.L_overlay_start_1:
0x0: {  	(tag) =	ssettag $0x1  }
0x1: {  	s4 =	rddreg [dreg:$0x0];
	s2 =	srdreg.scid  }
0x2: {  	s0 =	rddreg [dreg:$0x1];
	s1 =	stileid.u32;
	s10 =	simm.s32 $0x0  }
0x3: {  	s5 =	sand.u32 $0x1, s2;
	s2 =	simm.s32 $0x0;
	s3 =	sshll.u32 s1, $0x7  }
0x4: {  	s7 =	smul.u32 $0x6400, s1;
	s6 =	sshll.u32 s5, $0x6;
	[smem:$0x7FF] =	sst s2  }
0x5: {  	s8 =	ssub.s32 $0x2, s5;
	s5 =	smul.u32 $0x3200, s5;
	s3 =	sor.u32 s6, s3  }
0x6: {  	_ =	strace $0x80000059;
	s9 =	sshrl.u32 s8, $0x1;
	s6 =	smul.u32 $0x32, s3  }
0x7: {  	s7 =	sadd.s32 s7, s4;
	s3 =	sadd.s32 $0xF63800, s4;
	s31 =	ssub.s32 s8, s9  }
0x8: {  	s7 =	sadd.s32 s5, s7;
	s8 =	simm.s32 $0x1;
	s6 =	sshrl.u32 s6, $0x3  }
0x9: {  	s9 =	simm.s32 $0x2;
	s5 =	smax.u32 s31, $0x1;
	s4 =	sadd.s32 s4, s6  }
0xa: {  	s6 =	sadd.s32 $0x215400, s7;
	s7 =	simm.s32 $0x3;
	s4 =	sadd.s32 $0x17E00, s4  }
.LBB2_1:
0xb: {  	[tilespmem:s2], [sflag:$0x3] =	stream.linear.gather [hbm4b:s4+s2], $0xC80, $0x38;
	[tilespmem:$0x19C80] =	vst v63  }
0xc: {  	_ =	swait.ge [sflag:s7], $0xC80  }
0xd: {  	[sflag:s7] =	ssyncset.done $0x0  }
0xe: {  	s11 =	simm.s32 $0xC80;
	[sflag:s7] =	ssyncadd.s32 $0xFFFFF380  }
0xf: {  	[tilespmem:s11], [sflag:$0x1] =	stream.indirect.gather [hbm4b:s3+s11], $0x20, s2, s11, $0xb8;
	[tilespmem:$0x19C80] =	vst v63  }
0x10: {  	_ =	swait.ge [sflag:s8], $0x19000  }
0x11: {  	[sflag:s8] =	ssyncset.done $0x0  }
0x12: {  	s12 =	simm.s32 $0x0;
	[sflag:s8] =	ssyncadd.s32 $0xFFFE7000  }
.LBB2_2:
0x13: {  	p0 =	sne.s32 s12, $0x3138  }
.Ltmp0:
0x14: {  	_ = 	snop;
	(pc) =	sbr.rel @p0 .LBB2_2-.Ltmp0, $4  }
0x15: {  	_ = 	snop  }
0x16: {  	s13 =	sadd.s32 s12, s6  }
0x17: {  	[hbm4b:s13+s2] =	stream.linear.scatter [tilespmem:s11], [sflag:$0x2], $0x640, $0x38;
	[tilespmem:$0x19C80] =	vst v63  }
0x18: {  	s12 =	sadd.s32 $0xC8, s12;
	s11 =	sadd.s32 $0x640, s11  }
0x19: {  	_ =	swait.ge [sflag:s9], $0x640  }
0x1a: {  	s11 =	simm.s32 $0x3F;
	[sflag:s9] =	ssyncset.done $0x0  }
.LBB2_4:
0x1b: {  	p0 =	sne.s32 s11, $0x1;
	s11 =	sadd.s32 $0xFFFFFFFF, s11;
	[sflag:s9] =	ssyncadd.s32 $0xFFFFF9C0  }
.Ltmp1:
0x1c: {  	(pc) =	sbr.rel @p0 .LBB2_4-.Ltmp1, $3  }
0x1d: {  	_ =	sdelay $0x1  }
0x1e: {  	_ =	swait.ge [sflag:s9], $0x640  }
0x1f: {  	[sflag:s9] =	ssyncset.done $0x0  }
0x20: {  	s10 =	sadd.s32 $0x1, s10  }
0x21: {  	p0 =	sne.s32 s10, s5  }
.Ltmp2:
0x22: {  	_ = 	snop;
	(pc) =	sbr.rel @p0 .LBB2_1-.Ltmp2, $2  }
0x23: {  	_ =	sdelay $0x2  }
0x24: {  	[sflag:s9] =	ssyncadd.s32 $0xFFFFF9C0  }
0x25: {  	_ =	sfence.sel $0x180000  }
0x26: {  	[bflag:$0x0] =	sbarrier.arrive $0xFFFF  }
0x27: {  	p0 =	sne.s32 s1, $0x0;
	_ =	strace $0x90000059  }
0x28: {  	s0 =	sadd.s32 @!p0 $0x100000, s0;
	[bflag:$0x2] =	sbarrier.arrive $0xFFFF  }
0x29: {  	[sflag:s0] =	ssyncadd.tile.s32 @!p0 $0x1;
	_ =	shalt  }
.Lfunc_end2:
_tile_overlayer_lowered:
.L_overlay_start_2:
0x2a: {  	(tag) =	ssettag $0x2  }
0x2b: {  	s0 =	rddreg [dreg:$0x0];
	s2 =	stileid.u32  }
0x2c: {  	s1 =	rddreg [dreg:$0x1];
	p0 =	sne.s32 s2, $0x0  }
0x2d: {  	s3 =	rddreg [dreg:$0x2];
	[bflag:$0x3] =	sbarrier.arrive $0xFFFF;
	s2 =	simm.s32 @!p0 $0x1C03  }
0x2e: {  	[timem:s3], [sflag:s2] =	dma.local @!p0 [hbm:s0], s1  }
0x2f: {  	s0 =	simm.s32 @!p0 $0x3  }
0x30: {  	_ =	swait.ge @!p0 [sflag:s0], s1  }
0x31: {  	s1 =	ssub.s32 @!p0 $0x0, s1;
	[sflag:s0] =	ssyncset.done @!p0 $0x0  }
0x32: {  	[sflag:s0] =	ssyncadd.s32 @!p0 s1  }
0x33: {  	[bflag:$0x3] =	sbarrier.arrive $0xFFFF  }
0x34: {  	_ =	shalt  }

// kernel: kernel.32.cloned.1.call-start
scs
__scs_entry_jumppad:
0x0: {  	(pc) =	sbr.rel $0x88, $3  }
0x1: {  	(tag) =	ssettag $0x0;
	lr =	simm.s32 $0x1  }
0x2: {  	[smem:$0x3F9F] =	sst lr;
	_ =	strace $0xD0000000  }
0x3: {  	_ = 	snop  }
0x4: {  	_ = 	snop  }
0x5: {  	_ = 	snop  }
0x6: {  	_ = 	snop  }
0x7: {  	_ = 	snop  }
__scs_overlays_trampoline_lowered:
0x8: {  	[smem:$0x3FAE] =	sst s0  }
0x9: {  	[smem:$0x3FAF] =	sst s1  }
0xa: {  	[smem:$0x3FB0] =	sst s2  }
0xb: {  	[smem:$0x3FB1] =	sst s3  }
0xc: {  	[smem:$0x3FB2] =	sst s4  }
0xd: {  	[smem:$0x3FB3] =	sst s5  }
0xe: {  	[smem:$0x3FB4] =	sst s6  }
0xf: {  	[smem:$0x3FB5] =	sst s7  }
0x10: {  	[smem:$0x3FB6] =	sst s8  }
0x11: {  	[smem:$0x3FB7] =	sst s9;
	s0 =	simm.s32 @!p0 $0x0  }
0x12: {  	s1 =	sld [smem:$0x3F9D];
	s0 =	simm.s32 @p0 $0x1  }
0x13: {  	[smem:$0x3FB8] =	sst s0;
	s0 =	simm.s32 @!p1 $0x0  }
0x14: {  	s2 =	sld [smem:$0x3F9C];
	s0 =	simm.s32 @p1 $0x1  }
0x15: {  	[smem:$0x3FB9] =	sst s0;
	s0 =	simm.s32 @!p2 $0x0  }
0x16: {  	s3 =	sld [smem:$0x3FDB];
	s0 =	simm.s32 @p2 $0x1  }
0x17: {  	s4 =	simm.s32 $0x1BF5;
	[smem:$0x3FBB] =	sst s0  }
0x18: {  	s0 =	sld [smem:$0x3F9E];
	_ =	swait.ge [sflag:s4], $0x0  }
0x19: {  	s7 =	sld [smem:$0x3F9F]  }
0x1a: {  	s8 =	sadd.s32 $0xFFFFE003, lr  }
0x1b: {  	s9 =	sadd.s32 $0xFFFFFEF7, lr;
	s5 =	simm.s32 $0xFFFFFFFF;
	p2 =	slt.u32 s8, $0xFFFFF086  }
0x1c: {  	p1 =	slt.u32 s9, $0xF7A;
	s5 =	simm.s32 @!p2 $0x0  }
0x1d: {  	s5 =	simm.s32 @p1 $0x1;
	p0 =	seq.s32 s7, s2  }
0x1e: {  	s7 =	smul.u32 @!p0 $0xF7A, s2;
	p2 =	seq.s32 @!p0 s5, $0x0  }
0x1f: {  	s9 =	smul.u32 $0xF7A, s1;
	s8 =	simm.s32 @!p0 $0x1BF5;
	p2 =	por !p2, p0  }
0x20: {  	[sflag:s8] =	ssyncset.s32 @!p0 $0xFFFFF086;
	s6 =	sadd.s32 @!p0 s3, s7;
	s7 =	simm.s32 @!p0 $0x108  }
0x21: {  	s3 =	sadd.s32 s3, s9;
	s6 =	sadd.s32 @!p0 $0x88, s6;
	s7 =	simm.s32 @p2 $0x1082  }
0x22: {  	[simem:s7], [sflag:s8] =	dma.local @!p0 [hbm:s6], $0xF7A  }
0x23: {  	s9 =	sor.u32 $0xD0000000, s2;
	s6 =	simm.s32 $0x108;
	_ =	swait.ge @!p0 [sflag:s8], $0x0  }
0x24: {  	s3 =	sadd.s32 $0x88, s3;
	s6 =	simm.s32 @!p1 $0x1082;
	[sflag:s4] =	ssyncset.s32 $0xFFFFF086  }
0x25: {  	[simem:s6], [sflag:s4] =	dma.local [hbm:s3], $0xF7A  }
0x26: {  	[smem:$0x3F9F] =	sst s1;
	(tag) =	ssettag s2;
	_ =	strace s9  }
0x27: {  	s1 =	sld [smem:$0x3FAF]  }
0x28: {  	s2 =	sld [smem:$0x3FB0]  }
0x29: {  	s4 =	sld [smem:$0x3FB2]  }
0x2a: {  	p0 =	seq.s32 s5, $0x0;
	s5 =	sld [smem:$0x3FB3]  }
0x2b: {  	s6 =	sld [smem:$0x3FB4]  }
0x2c: {  	s7 =	sld [smem:$0x3FB5]  }
0x2d: {  	s3 =	simm.s32 $0x108;
	s8 =	sld [smem:$0x3FB6]  }
0x2e: {  	s3 =	simm.s32 @!p0 $0x1082;
	s9 =	sld [smem:$0x3FB7]  }
0x2f: {  	lr =	sadd.s32 s0, s3;
	s0 =	sld [smem:$0x3FAE]  }
0x30: {  	s3 =	sld [smem:$0x3FB1]  }
0x31: {  	[smem:$0x3FBA] =	sst s10  }
0x32: {  	s10 =	sld [smem:$0x3FB8];
	_ =	sdelay $0x3  }
0x33: {  	p0 =	seq.s32 s10, $0x1;
	s10 =	sld [smem:$0x3FBA];
	_ =	sdelay $0x3  }
0x34: {  	[smem:$0x3FBA] =	sst s10  }
0x35: {  	s10 =	sld [smem:$0x3FB9];
	_ =	sdelay $0x3  }
0x36: {  	p1 =	seq.s32 s10, $0x1;
	s10 =	sld [smem:$0x3FBA];
	_ =	sdelay $0x3  }
0x37: {  	[smem:$0x3FBA] =	sst s10  }
0x38: {  	s10 =	sld [smem:$0x3FBB]  }
0x39: {  	_ = 	snop;
	(pc) =	sbr.ind lr, $3  }
0x3a: {  	_ = 	snop  }
0x3b: {  	_ = 	snop  }
0x3c: {  	p2 =	seq.s32 s10, $0x1;
	s10 =	sld [smem:$0x3FBA]  }
0x3d: {  	_ =	shalt  }
0x3e: {  	_ =	shalt  }
0x3f: {  	_ =	shalt  }
0x40: {  	_ =	shalt  }
0x41: {  	_ =	shalt  }
0x42: {  	_ =	shalt  }
0x43: {  	_ =	shalt  }
0x44: {  	_ =	shalt  }
0x45: {  	_ =	shalt  }
0x46: {  	_ =	shalt  }
0x47: {  	_ =	shalt  }
0x48: {  	_ =	shalt  }
0x49: {  	_ =	shalt  }
0x4a: {  	_ =	shalt  }
0x4b: {  	_ =	shalt  }
0x4c: {  	_ =	shalt  }
0x4d: {  	_ =	shalt  }
0x4e: {  	_ =	shalt  }
0x4f: {  	_ =	shalt  }
0x50: {  	_ =	shalt  }
0x51: {  	_ =	shalt  }
0x52: {  	_ =	shalt  }
0x53: {  	_ =	shalt  }
0x54: {  	_ =	shalt  }
0x55: {  	_ =	shalt  }
0x56: {  	_ =	shalt  }
0x57: {  	_ =	shalt  }
0x58: {  	_ =	shalt  }
0x59: {  	_ =	shalt  }
0x5a: {  	_ =	shalt  }
0x5b: {  	_ =	shalt  }
0x5c: {  	_ =	shalt  }
0x5d: {  	_ =	shalt  }
0x5e: {  	_ =	shalt  }
0x5f: {  	_ =	shalt  }
0x60: {  	_ =	shalt  }
0x61: {  	_ =	shalt  }
0x62: {  	_ =	shalt  }
0x63: {  	_ =	shalt  }
0x64: {  	_ =	shalt  }
0x65: {  	_ =	shalt  }
0x66: {  	_ =	shalt  }
0x67: {  	_ =	shalt  }
0x68: {  	_ =	shalt  }
0x69: {  	_ =	shalt  }
0x6a: {  	_ =	shalt  }
0x6b: {  	_ =	shalt  }
0x6c: {  	_ =	shalt  }
0x6d: {  	_ =	shalt  }
0x6e: {  	_ =	shalt  }
0x6f: {  	_ =	shalt  }
0x70: {  	_ =	shalt  }
0x71: {  	_ =	shalt  }
0x72: {  	_ =	shalt  }
0x73: {  	_ =	shalt  }
0x74: {  	_ =	shalt  }
0x75: {  	_ =	shalt  }
0x76: {  	_ =	shalt  }
0x77: {  	_ =	shalt  }
0x78: {  	_ =	shalt  }
0x79: {  	_ =	shalt  }
0x7a: {  	_ =	shalt  }
0x7b: {  	_ =	shalt  }
0x7c: {  	_ =	shalt  }
0x7d: {  	_ =	shalt  }
0x7e: {  	_ =	shalt  }
0x7f: {  	_ =	shalt  }
0x80: {  	_ =	shalt  }
0x81: {  	_ =	shalt  }
0x82: {  	_ =	shalt  }
0x83: {  	_ =	shalt  }
0x84: {  	_ =	shalt  }
0x85: {  	_ =	shalt  }
0x86: {  	_ =	shalt  }
0x87: {  	_ =	shalt  }
.Lfunc_end0:
.L_simem_size_0:
called_computation.7_lowered:
.L_overlay_start_0:
0x88: {  	s2 =	sld [smem:$0x3FD9]  }
0x89: {  	s3 =	sld [smem:$0x3FFE];
	_ =	sdelay $0x1  }
0x8a: {  	s1 =	srdreg.scid  }
0x8b: {  	s0 =	sand.u32 $0x1, s1  }
0x8c: {  	s17 =	sshll.u32 s0, $0xA;
	s2 =	sadd.s32 s3, s2  }
0x8d: {  	s2 =	sadd.s32 s2, s17  }
0x8e: {  	[smem:$0x3FC6] =	sst s2  }
0x8f: {  	_ = 	snop  }
0x90: {  	(tm) =	ssettm $0x1  }
0x91: {  	s18 =	sld [smem:$0x3FFB];
	_ =	sdelay $0x3  }
0x92: {  	_ =	strace s18  }
0x93: {  	s2 =	sld [smem:$0x3FFC];
	_ =	sdelay $0x3  }
0x94: {  	_ =	strace s2  }
0x95: {  	s2 =	sld [smem:$0x3FFD];
	_ =	sdelay $0x3  }
0x96: {  	_ =	strace s2  }
0x97: {  	_ =	strace $0x8FFFFFFF  }
0x98: {  	s19 =	sld [smem:$0x3FDB];
	_ =	sdelay $0x1  }
0x99: {  	s20 =	simm.s32 $_scs_section_size  }
0x9a: {  	s4 =	simm.s32 $_size__tile_overlayer_lowered;
	s5 =	simm.s32 $_tile_overlayer_lowered  }
0x9b: {  	s6 =	simm.s32 $0x1BFF;
	s21 =	sshll.u32 s5, $0x1;
	s3 =	sadd.s32 s20, s19  }
0x9c: {  	s22 =	simm.s32 $0x0;
	s4 =	sshll.u32 s4, $0x1;
	s5 =	sadd.s32 s21, s3  }
0x9d: {  	[timem:s22], [sflag:s6] =	dma.local [hbm:s5], s4  }
0x9e: {  	_ =	swait.ge [sflag:s6], s4  }
0x9f: {  	s4 =	ssub.s32 $0x0, s4;
	[sflag:s6] =	ssyncset.done $0x0  }
0xa0: {  	[sflag:s6] =	ssyncadd.s32 s4;
	_ =	sdelay $0x1  }
0xa1: {  	s23 =	simm.s32 $0x1B8B  }
0xa2: {  	_ =	swait.ge [sflag:s23], $0x1  }
0xa3: {  	[sflag:s23] =	ssyncset.done $0x0  }
0xa4: {  	[sflag:s23] =	ssyncadd.s32 $0xFFFFFFFF  }
0xa5: {  	s4 =	sld [smem:$0x0]  }
0xa6: {  	s5 =	sand.u32 $0xFFFFFFFE, s1  }
0xa7: {  	p0 =	sne.s32 s1, s5  }
0xa8: {  	s5 =	sshll.u32 @p0 s5, $0xE  }
0xa9: {  	s5 =	sadd.s32 @p0 $0x11B8D, s5;
	s6 =	sshll.u32 @p0 s4, $0x11  }
0xaa: {  	s5 =	sor.u32 @p0 s6, s5  }
0xab: {  	[sflag:s5] =	ssyncadd.remote.s32 @p0 $0x1;
	_ =	sdelay $0x1  }
0xac: {  	s5 =	simm.s32 @p0 $0x1B8D  }
0xad: {  	_ =	swait.eq @p0 [sflag:s5], $0x1  }
0xae: {  	[sflag:s5] =	ssyncadd.s32 @p0 $0xFFFFFFFF  }
0xaf: {  	s6 =	sshll.u32 @!p0 s1, $0xE  }
0xb0: {  	s6 =	sor.u32 @!p0 $0x4000, s6;
	s5 =	simm.s32 @!p0 $0x1B8D  }
0xb1: {  	s4 =	sshll.u32 @!p0 s4, $0x11;
	s6 =	sadd.s32 @!p0 $0x11B8D, s6;
	_ =	swait.eq @!p0 [sflag:s5], $0x1  }
0xb2: {  	s4 =	sor.u32 @!p0 s4, s6;
	[sflag:s5] =	ssyncadd.s32 @!p0 $0xFFFFFFFF  }
0xb3: {  	s25 =	simm.s32 $0x1B8E;
	s24 =	sld [smem:$0x3FFE];
	[sflag:s4] =	ssyncadd.remote.s32 @!p0 $0x1  }
0xb4: {  	s26 =	simm.s32 $execute0_lowered;
	[smem:$0x3FD2] =	sst s25  }
0xb5: {  	s5 =	sshll.u32 s26, $0x1;
	_ =	strace $0x8000005B;
	[dreg:$0x1] =	wrdreg $0xFFFFFFFF  }
0xb6: {  	s28 =	simm.s32 $_size_execute0_lowered;
	s3 =	sadd.s32 s3, s5;
	[dreg:$0x0] =	wrdreg $0x0  }
0xb7: {  	s5 =	sshll.u32 s28, $0x1;
	[dreg:$0x2] =	wrdreg s3  }
0xb8: {  	[dreg:$0x3] =	wrdreg s5  }
0xb9: {  	[dreg:$0x4] =	wrdreg $0xC0  }
0xba: {  	_ =	task [dreg:s22], $0x5FFFF  }
0xbb: {  	[dreg:$0x1] =	wrdreg $0xFFFFFFFF  }
0xbc: {  	[dreg:$0x0] =	wrdreg $0x60  }
0xbd: {  	[dreg:$0x2] =	wrdreg s24  }
0xbe: {  	[dreg:$0x3] =	wrdreg $0xF  }
0xbf: {  	_ =	task.clear_ibuf [dreg:s22], $0x4FFFF;
	_ =	strace $0x9000005B  }
0xc0: {  	s29 =	simm.s32 $0xF;
	_ =	strace $0x8000005D  }
0xc1: {  	_ =	swait.ge [sflag:s29], $0x1  }
0xc2: {  	[sflag:s29] =	ssyncadd.s32 $0xFFFFFFFF  }
0xc3: {  	_ =	strace $0x9000005D  }
0xc4: {  	_ =	sfence  }
0xc5: {  	s30 =	sld [smem:$0x0];
	_ =	sdelay $0x2  }
0xc6: {  	s31 =	sshll.u32 s1, $0xD;
	s1 =	sshrl.u32 s1, $0x2  }
0xc7: {  	s4 =	sand.u32 $0x4000, s31;
	s1 =	sadd.s32 s1, s30  }
0xc8: {  	s0 =	sor.u32 s4, s0;
	s1 =	sshll.u32 s1, $0x11  }
0xc9: {  	s0 =	sor.u32 s1, s0  }
0xca: {  	s0 =	sadd.s32 $0x8F2B, s0  }
0xcb: {  	[sflag:s0] =	ssyncadd.remote.s32 $0x1  }
0xcc: {  	_ =	sfence.sel $0xFFFF  }
0xcd: {  	[dreg:$0x0] =	wrdreg $0xFFFFFFFF;
	(pc) =	sbr.abs _section_cstart, $3  }
0xce: {  	[dreg:$0x1] =	wrdreg $0xFFFFFFFF  }
0xcf: {  	_ =	task.clear_ibuf [dreg:s22], $0x2FFFF;
	_ =	strace $0x9FFFFFFF  }
0xd0: {  	(tm) =	ssettm $0x7FFFFFFF  }
0xd1: {  	_ =	shalt  }
tec
execute0_lowered:
.L_overlay_start_1:
0x0: {  	(tag) =	ssettag $0x1  }
0x1: {  	s4 =	rddreg [dreg:$0x0];
	s2 =	srdreg.scid  }
0x2: {  	s0 =	rddreg [dreg:$0x1];
	s1 =	stileid.u32;
	s10 =	simm.s32 $0x0  }
0x3: {  	s5 =	sand.u32 $0x1, s2;
	s2 =	simm.s32 $0x0;
	s3 =	sshll.u32 s1, $0x7  }
0x4: {  	s7 =	smul.u32 $0x6400, s1;
	s6 =	sshll.u32 s5, $0x6;
	[smem:$0x7FF] =	sst s2  }
0x5: {  	s8 =	ssub.s32 $0x2, s5;
	s5 =	smul.u32 $0x3200, s5;
	s3 =	sor.u32 s6, s3  }
0x6: {  	_ =	strace $0x8000005C;
	s9 =	sshrl.u32 s8, $0x1;
	s6 =	smul.u32 $0x32, s3  }
0x7: {  	s7 =	sadd.s32 s7, s4;
	s3 =	sadd.s32 $0xF63800, s4;
	s31 =	ssub.s32 s8, s9  }
0x8: {  	s7 =	sadd.s32 s5, s7;
	s8 =	simm.s32 $0x1;
	s6 =	sshrl.u32 s6, $0x3  }
0x9: {  	s9 =	simm.s32 $0x2;
	s5 =	smax.u32 s31, $0x1;
	s4 =	sadd.s32 s4, s6  }
0xa: {  	s6 =	sadd.s32 $0x279400, s7;
	s7 =	simm.s32 $0x3;
	s4 =	sadd.s32 $0x1B000, s4  }
.LBB2_1:
0xb: {  	[tilespmem:s2], [sflag:$0x3] =	stream.linear.gather [hbm4b:s4+s2], $0xC80, $0x38;
	[tilespmem:$0x19C80] =	vst v63  }
0xc: {  	_ =	swait.ge [sflag:s7], $0xC80  }
0xd: {  	[sflag:s7] =	ssyncset.done $0x0  }
0xe: {  	s11 =	simm.s32 $0xC80;
	[sflag:s7] =	ssyncadd.s32 $0xFFFFF380  }
0xf: {  	[tilespmem:s11], [sflag:$0x1] =	stream.indirect.gather [hbm4b:s3+s11], $0x20, s2, s11, $0xb8;
	[tilespmem:$0x19C80] =	vst v63  }
0x10: {  	_ =	swait.ge [sflag:s8], $0x19000  }
0x11: {  	[sflag:s8] =	ssyncset.done $0x0  }
0x12: {  	s12 =	simm.s32 $0x0;
	[sflag:s8] =	ssyncadd.s32 $0xFFFE7000  }
.LBB2_2:
0x13: {  	p0 =	sne.s32 s12, $0x3138  }
.Ltmp0:
0x14: {  	_ = 	snop;
	(pc) =	sbr.rel @p0 .LBB2_2-.Ltmp0, $4  }
0x15: {  	_ = 	snop  }
0x16: {  	s13 =	sadd.s32 s12, s6  }
0x17: {  	[hbm4b:s13+s2] =	stream.linear.scatter [tilespmem:s11], [sflag:$0x2], $0x640, $0x38;
	[tilespmem:$0x19C80] =	vst v63  }
0x18: {  	s12 =	sadd.s32 $0xC8, s12;
	s11 =	sadd.s32 $0x640, s11  }
0x19: {  	_ =	swait.ge [sflag:s9], $0x640  }
0x1a: {  	s11 =	simm.s32 $0x3F;
	[sflag:s9] =	ssyncset.done $0x0  }
.LBB2_4:
0x1b: {  	p0 =	sne.s32 s11, $0x1;
	s11 =	sadd.s32 $0xFFFFFFFF, s11;
	[sflag:s9] =	ssyncadd.s32 $0xFFFFF9C0  }
.Ltmp1:
0x1c: {  	(pc) =	sbr.rel @p0 .LBB2_4-.Ltmp1, $3  }
0x1d: {  	_ =	sdelay $0x1  }
0x1e: {  	_ =	swait.ge [sflag:s9], $0x640  }
0x1f: {  	[sflag:s9] =	ssyncset.done $0x0  }
0x20: {  	s10 =	sadd.s32 $0x1, s10  }
0x21: {  	p0 =	sne.s32 s10, s5  }
.Ltmp2:
0x22: {  	_ = 	snop;
	(pc) =	sbr.rel @p0 .LBB2_1-.Ltmp2, $2  }
0x23: {  	_ =	sdelay $0x2  }
0x24: {  	[sflag:s9] =	ssyncadd.s32 $0xFFFFF9C0  }
0x25: {  	_ =	sfence.sel $0x180000  }
0x26: {  	[bflag:$0x0] =	sbarrier.arrive $0xFFFF  }
0x27: {  	p0 =	sne.s32 s1, $0x0;
	_ =	strace $0x9000005C  }
0x28: {  	s0 =	sadd.s32 @!p0 $0x100000, s0;
	[bflag:$0x2] =	sbarrier.arrive $0xFFFF  }
0x29: {  	[sflag:s0] =	ssyncadd.tile.s32 @!p0 $0x1;
	_ =	shalt  }
.Lfunc_end2:
_tile_overlayer_lowered:
.L_overlay_start_2:
0x2a: {  	(tag) =	ssettag $0x2  }
0x2b: {  	s0 =	rddreg [dreg:$0x0];
	s2 =	stileid.u32  }
0x2c: {  	s1 =	rddreg [dreg:$0x1];
	p0 =	sne.s32 s2, $0x0  }
0x2d: {  	s3 =	rddreg [dreg:$0x2];
	[bflag:$0x3] =	sbarrier.arrive $0xFFFF;
	s2 =	simm.s32 @!p0 $0x1C03  }
0x2e: {  	[timem:s3], [sflag:s2] =	dma.local @!p0 [hbm:s0], s1  }
0x2f: {  	s0 =	simm.s32 @!p0 $0x3  }
0x30: {  	_ =	swait.ge @!p0 [sflag:s0], s1  }
0x31: {  	s1 =	ssub.s32 @!p0 $0x0, s1;
	[sflag:s0] =	ssyncset.done @!p0 $0x0  }
0x32: {  	[sflag:s0] =	ssyncadd.s32 @!p0 s1  }
0x33: {  	[bflag:$0x3] =	sbarrier.arrive $0xFFFF  }
0x34: {  	_ =	shalt  }

// kernel: kernel.35.cloned.1.call-start
scs
__scs_entry_jumppad:
0x0: {  	(pc) =	sbr.rel $0x88, $3  }
0x1: {  	(tag) =	ssettag $0x0;
	lr =	simm.s32 $0x1  }
0x2: {  	[smem:$0x3F9F] =	sst lr;
	_ =	strace $0xD0000000  }
0x3: {  	_ = 	snop  }
0x4: {  	_ = 	snop  }
0x5: {  	_ = 	snop  }
0x6: {  	_ = 	snop  }
0x7: {  	_ = 	snop  }
__scs_overlays_trampoline_lowered:
0x8: {  	[smem:$0x3FAE] =	sst s0  }
0x9: {  	[smem:$0x3FAF] =	sst s1  }
0xa: {  	[smem:$0x3FB0] =	sst s2  }
0xb: {  	[smem:$0x3FB1] =	sst s3  }
0xc: {  	[smem:$0x3FB2] =	sst s4  }
0xd: {  	[smem:$0x3FB3] =	sst s5  }
0xe: {  	[smem:$0x3FB4] =	sst s6  }
0xf: {  	[smem:$0x3FB5] =	sst s7  }
0x10: {  	[smem:$0x3FB6] =	sst s8  }
0x11: {  	[smem:$0x3FB7] =	sst s9;
	s0 =	simm.s32 @!p0 $0x0  }
0x12: {  	s1 =	sld [smem:$0x3F9D];
	s0 =	simm.s32 @p0 $0x1  }
0x13: {  	[smem:$0x3FB8] =	sst s0;
	s0 =	simm.s32 @!p1 $0x0  }
0x14: {  	s2 =	sld [smem:$0x3F9C];
	s0 =	simm.s32 @p1 $0x1  }
0x15: {  	[smem:$0x3FB9] =	sst s0;
	s0 =	simm.s32 @!p2 $0x0  }
0x16: {  	s3 =	sld [smem:$0x3FDB];
	s0 =	simm.s32 @p2 $0x1  }
0x17: {  	s4 =	simm.s32 $0x1BF5;
	[smem:$0x3FBB] =	sst s0  }
0x18: {  	s0 =	sld [smem:$0x3F9E];
	_ =	swait.ge [sflag:s4], $0x0  }
0x19: {  	s7 =	sld [smem:$0x3F9F]  }
0x1a: {  	s8 =	sadd.s32 $0xFFFFE003, lr  }
0x1b: {  	s9 =	sadd.s32 $0xFFFFFEF7, lr;
	s5 =	simm.s32 $0xFFFFFFFF;
	p2 =	slt.u32 s8, $0xFFFFF086  }
0x1c: {  	p1 =	slt.u32 s9, $0xF7A;
	s5 =	simm.s32 @!p2 $0x0  }
0x1d: {  	s5 =	simm.s32 @p1 $0x1;
	p0 =	seq.s32 s7, s2  }
0x1e: {  	s7 =	smul.u32 @!p0 $0xF7A, s2;
	p2 =	seq.s32 @!p0 s5, $0x0  }
0x1f: {  	s9 =	smul.u32 $0xF7A, s1;
	s8 =	simm.s32 @!p0 $0x1BF5;
	p2 =	por !p2, p0  }
0x20: {  	[sflag:s8] =	ssyncset.s32 @!p0 $0xFFFFF086;
	s6 =	sadd.s32 @!p0 s3, s7;
	s7 =	simm.s32 @!p0 $0x108  }
0x21: {  	s3 =	sadd.s32 s3, s9;
	s6 =	sadd.s32 @!p0 $0x88, s6;
	s7 =	simm.s32 @p2 $0x1082  }
0x22: {  	[simem:s7], [sflag:s8] =	dma.local @!p0 [hbm:s6], $0xF7A  }
0x23: {  	s9 =	sor.u32 $0xD0000000, s2;
	s6 =	simm.s32 $0x108;
	_ =	swait.ge @!p0 [sflag:s8], $0x0  }
0x24: {  	s3 =	sadd.s32 $0x88, s3;
	s6 =	simm.s32 @!p1 $0x1082;
	[sflag:s4] =	ssyncset.s32 $0xFFFFF086  }
0x25: {  	[simem:s6], [sflag:s4] =	dma.local [hbm:s3], $0xF7A  }
0x26: {  	[smem:$0x3F9F] =	sst s1;
	(tag) =	ssettag s2;
	_ =	strace s9  }
0x27: {  	s1 =	sld [smem:$0x3FAF]  }
0x28: {  	s2 =	sld [smem:$0x3FB0]  }
0x29: {  	s4 =	sld [smem:$0x3FB2]  }
0x2a: {  	p0 =	seq.s32 s5, $0x0;
	s5 =	sld [smem:$0x3FB3]  }
0x2b: {  	s6 =	sld [smem:$0x3FB4]  }
0x2c: {  	s7 =	sld [smem:$0x3FB5]  }
0x2d: {  	s3 =	simm.s32 $0x108;
	s8 =	sld [smem:$0x3FB6]  }
0x2e: {  	s3 =	simm.s32 @!p0 $0x1082;
	s9 =	sld [smem:$0x3FB7]  }
0x2f: {  	lr =	sadd.s32 s0, s3;
	s0 =	sld [smem:$0x3FAE]  }
0x30: {  	s3 =	sld [smem:$0x3FB1]  }
0x31: {  	[smem:$0x3FBA] =	sst s10  }
0x32: {  	s10 =	sld [smem:$0x3FB8];
	_ =	sdelay $0x3  }
0x33: {  	p0 =	seq.s32 s10, $0x1;
	s10 =	sld [smem:$0x3FBA];
	_ =	sdelay $0x3  }
0x34: {  	[smem:$0x3FBA] =	sst s10  }
0x35: {  	s10 =	sld [smem:$0x3FB9];
	_ =	sdelay $0x3  }
0x36: {  	p1 =	seq.s32 s10, $0x1;
	s10 =	sld [smem:$0x3FBA];
	_ =	sdelay $0x3  }
0x37: {  	[smem:$0x3FBA] =	sst s10  }
0x38: {  	s10 =	sld [smem:$0x3FBB]  }
0x39: {  	_ = 	snop;
	(pc) =	sbr.ind lr, $3  }
0x3a: {  	_ = 	snop  }
0x3b: {  	_ = 	snop  }
0x3c: {  	p2 =	seq.s32 s10, $0x1;
	s10 =	sld [smem:$0x3FBA]  }
0x3d: {  	_ =	shalt  }
0x3e: {  	_ =	shalt  }
0x3f: {  	_ =	shalt  }
0x40: {  	_ =	shalt  }
0x41: {  	_ =	shalt  }
0x42: {  	_ =	shalt  }
0x43: {  	_ =	shalt  }
0x44: {  	_ =	shalt  }
0x45: {  	_ =	shalt  }
0x46: {  	_ =	shalt  }
0x47: {  	_ =	shalt  }
0x48: {  	_ =	shalt  }
0x49: {  	_ =	shalt  }
0x4a: {  	_ =	shalt  }
0x4b: {  	_ =	shalt  }
0x4c: {  	_ =	shalt  }
0x4d: {  	_ =	shalt  }
0x4e: {  	_ =	shalt  }
0x4f: {  	_ =	shalt  }
0x50: {  	_ =	shalt  }
0x51: {  	_ =	shalt  }
0x52: {  	_ =	shalt  }
0x53: {  	_ =	shalt  }
0x54: {  	_ =	shalt  }
0x55: {  	_ =	shalt  }
0x56: {  	_ =	shalt  }
0x57: {  	_ =	shalt  }
0x58: {  	_ =	shalt  }
0x59: {  	_ =	shalt  }
0x5a: {  	_ =	shalt  }
0x5b: {  	_ =	shalt  }
0x5c: {  	_ =	shalt  }
0x5d: {  	_ =	shalt  }
0x5e: {  	_ =	shalt  }
0x5f: {  	_ =	shalt  }
0x60: {  	_ =	shalt  }
0x61: {  	_ =	shalt  }
0x62: {  	_ =	shalt  }
0x63: {  	_ =	shalt  }
0x64: {  	_ =	shalt  }
0x65: {  	_ =	shalt  }
0x66: {  	_ =	shalt  }
0x67: {  	_ =	shalt  }
0x68: {  	_ =	shalt  }
0x69: {  	_ =	shalt  }
0x6a: {  	_ =	shalt  }
0x6b: {  	_ =	shalt  }
0x6c: {  	_ =	shalt  }
0x6d: {  	_ =	shalt  }
0x6e: {  	_ =	shalt  }
0x6f: {  	_ =	shalt  }
0x70: {  	_ =	shalt  }
0x71: {  	_ =	shalt  }
0x72: {  	_ =	shalt  }
0x73: {  	_ =	shalt  }
0x74: {  	_ =	shalt  }
0x75: {  	_ =	shalt  }
0x76: {  	_ =	shalt  }
0x77: {  	_ =	shalt  }
0x78: {  	_ =	shalt  }
0x79: {  	_ =	shalt  }
0x7a: {  	_ =	shalt  }
0x7b: {  	_ =	shalt  }
0x7c: {  	_ =	shalt  }
0x7d: {  	_ =	shalt  }
0x7e: {  	_ =	shalt  }
0x7f: {  	_ =	shalt  }
0x80: {  	_ =	shalt  }
0x81: {  	_ =	shalt  }
0x82: {  	_ =	shalt  }
0x83: {  	_ =	shalt  }
0x84: {  	_ =	shalt  }
0x85: {  	_ =	shalt  }
0x86: {  	_ =	shalt  }
0x87: {  	_ =	shalt  }
.Lfunc_end0:
.L_simem_size_0:
called_computation.8_lowered:
.L_overlay_start_0:
0x88: {  	s2 =	sld [smem:$0x3FD9]  }
0x89: {  	s3 =	sld [smem:$0x3FFE];
	_ =	sdelay $0x1  }
0x8a: {  	s1 =	srdreg.scid  }
0x8b: {  	s0 =	sand.u32 $0x1, s1  }
0x8c: {  	s17 =	sshll.u32 s0, $0xA;
	s2 =	sadd.s32 s3, s2  }
0x8d: {  	s2 =	sadd.s32 s2, s17  }
0x8e: {  	[smem:$0x3FC6] =	sst s2  }
0x8f: {  	_ = 	snop  }
0x90: {  	(tm) =	ssettm $0x1  }
0x91: {  	s18 =	sld [smem:$0x3FFB];
	_ =	sdelay $0x3  }
0x92: {  	_ =	strace s18  }
0x93: {  	s2 =	sld [smem:$0x3FFC];
	_ =	sdelay $0x3  }
0x94: {  	_ =	strace s2  }
0x95: {  	s2 =	sld [smem:$0x3FFD];
	_ =	sdelay $0x3  }
0x96: {  	_ =	strace s2  }
0x97: {  	_ =	strace $0x8FFFFFFF  }
0x98: {  	s19 =	sld [smem:$0x3FDB];
	_ =	sdelay $0x1  }
0x99: {  	s20 =	simm.s32 $_scs_section_size  }
0x9a: {  	s4 =	simm.s32 $_size__tile_overlayer_lowered;
	s5 =	simm.s32 $_tile_overlayer_lowered  }
0x9b: {  	s6 =	simm.s32 $0x1BFF;
	s21 =	sshll.u32 s5, $0x1;
	s3 =	sadd.s32 s20, s19  }
0x9c: {  	s22 =	simm.s32 $0x0;
	s4 =	sshll.u32 s4, $0x1;
	s5 =	sadd.s32 s21, s3  }
0x9d: {  	[timem:s22], [sflag:s6] =	dma.local [hbm:s5], s4  }
0x9e: {  	_ =	swait.ge [sflag:s6], s4  }
0x9f: {  	s4 =	ssub.s32 $0x0, s4;
	[sflag:s6] =	ssyncset.done $0x0  }
0xa0: {  	[sflag:s6] =	ssyncadd.s32 s4;
	_ =	sdelay $0x1  }
0xa1: {  	s23 =	simm.s32 $0x1B8B  }
0xa2: {  	_ =	swait.ge [sflag:s23], $0x1  }
0xa3: {  	[sflag:s23] =	ssyncset.done $0x0  }
0xa4: {  	[sflag:s23] =	ssyncadd.s32 $0xFFFFFFFF  }
0xa5: {  	s4 =	sld [smem:$0x0]  }
0xa6: {  	s5 =	sand.u32 $0xFFFFFFFE, s1  }
0xa7: {  	p0 =	sne.s32 s1, s5  }
0xa8: {  	s5 =	sshll.u32 @p0 s5, $0xE  }
0xa9: {  	s5 =	sadd.s32 @p0 $0x11B8D, s5;
	s6 =	sshll.u32 @p0 s4, $0x11  }
0xaa: {  	s5 =	sor.u32 @p0 s6, s5  }
0xab: {  	[sflag:s5] =	ssyncadd.remote.s32 @p0 $0x1;
	_ =	sdelay $0x1  }
0xac: {  	s5 =	simm.s32 @p0 $0x1B8D  }
0xad: {  	_ =	swait.eq @p0 [sflag:s5], $0x1  }
0xae: {  	[sflag:s5] =	ssyncadd.s32 @p0 $0xFFFFFFFF  }
0xaf: {  	s6 =	sshll.u32 @!p0 s1, $0xE  }
0xb0: {  	s6 =	sor.u32 @!p0 $0x4000, s6;
	s5 =	simm.s32 @!p0 $0x1B8D  }
0xb1: {  	s4 =	sshll.u32 @!p0 s4, $0x11;
	s6 =	sadd.s32 @!p0 $0x11B8D, s6;
	_ =	swait.eq @!p0 [sflag:s5], $0x1  }
0xb2: {  	s4 =	sor.u32 @!p0 s4, s6;
	[sflag:s5] =	ssyncadd.s32 @!p0 $0xFFFFFFFF  }
0xb3: {  	s25 =	simm.s32 $0x1B8E;
	s24 =	sld [smem:$0x3FFE];
	[sflag:s4] =	ssyncadd.remote.s32 @!p0 $0x1  }
0xb4: {  	s26 =	simm.s32 $execute0_lowered;
	[smem:$0x3FD2] =	sst s25  }
0xb5: {  	s5 =	sshll.u32 s26, $0x1;
	_ =	strace $0x8000005E;
	[dreg:$0x1] =	wrdreg $0xFFFFFFFF  }
0xb6: {  	s28 =	simm.s32 $_size_execute0_lowered;
	s3 =	sadd.s32 s3, s5;
	[dreg:$0x0] =	wrdreg $0x0  }
0xb7: {  	s5 =	sshll.u32 s28, $0x1;
	[dreg:$0x2] =	wrdreg s3  }
0xb8: {  	[dreg:$0x3] =	wrdreg s5  }
0xb9: {  	[dreg:$0x4] =	wrdreg $0xC0  }
0xba: {  	_ =	task [dreg:s22], $0x5FFFF  }
0xbb: {  	[dreg:$0x1] =	wrdreg $0xFFFFFFFF  }
0xbc: {  	[dreg:$0x0] =	wrdreg $0x60  }
0xbd: {  	[dreg:$0x2] =	wrdreg s24  }
0xbe: {  	[dreg:$0x3] =	wrdreg $0x10  }
0xbf: {  	_ =	task.clear_ibuf [dreg:s22], $0x4FFFF;
	_ =	strace $0x9000005E  }
0xc0: {  	s29 =	simm.s32 $0x10;
	_ =	strace $0x80000060  }
0xc1: {  	_ =	swait.ge [sflag:s29], $0x1  }
0xc2: {  	[sflag:s29] =	ssyncadd.s32 $0xFFFFFFFF  }
0xc3: {  	_ =	strace $0x90000060  }
0xc4: {  	_ =	sfence  }
0xc5: {  	s30 =	sld [smem:$0x0];
	_ =	sdelay $0x2  }
0xc6: {  	s31 =	sshll.u32 s1, $0xD;
	s1 =	sshrl.u32 s1, $0x2  }
0xc7: {  	s4 =	sand.u32 $0x4000, s31;
	s1 =	sadd.s32 s1, s30  }
0xc8: {  	s0 =	sor.u32 s4, s0;
	s1 =	sshll.u32 s1, $0x11  }
0xc9: {  	s0 =	sor.u32 s1, s0  }
0xca: {  	s0 =	sadd.s32 $0x8F2B, s0  }
0xcb: {  	[sflag:s0] =	ssyncadd.remote.s32 $0x1  }
0xcc: {  	_ =	sfence.sel $0xFFFF  }
0xcd: {  	[dreg:$0x0] =	wrdreg $0xFFFFFFFF;
	(pc) =	sbr.abs _section_cstart, $3  }
0xce: {  	[dreg:$0x1] =	wrdreg $0xFFFFFFFF  }
0xcf: {  	_ =	task.clear_ibuf [dreg:s22], $0x2FFFF;
	_ =	strace $0x9FFFFFFF  }
0xd0: {  	(tm) =	ssettm $0x7FFFFFFF  }
0xd1: {  	_ =	shalt  }
tec
execute0_lowered:
.L_overlay_start_1:
0x0: {  	(tag) =	ssettag $0x1  }
0x1: {  	s4 =	rddreg [dreg:$0x0];
	s2 =	srdreg.scid  }
0x2: {  	s0 =	rddreg [dreg:$0x1];
	s1 =	stileid.u32;
	s10 =	simm.s32 $0x0  }
0x3: {  	s5 =	sand.u32 $0x1, s2;
	s2 =	simm.s32 $0x0;
	s3 =	sshll.u32 s1, $0x7  }
0x4: {  	s7 =	smul.u32 $0x6400, s1;
	s6 =	sshll.u32 s5, $0x6;
	[smem:$0x7FF] =	sst s2  }
0x5: {  	s8 =	ssub.s32 $0x2, s5;
	s5 =	smul.u32 $0x3200, s5;
	s3 =	sor.u32 s6, s3  }
0x6: {  	_ =	strace $0x8000005F;
	s9 =	sshrl.u32 s8, $0x1;
	s6 =	smul.u32 $0x32, s3  }
0x7: {  	s7 =	sadd.s32 s7, s4;
	s3 =	sadd.s32 $0xF63800, s4;
	s31 =	ssub.s32 s8, s9  }
0x8: {  	s7 =	sadd.s32 s5, s7;
	s8 =	simm.s32 $0x1;
	s6 =	sshrl.u32 s6, $0x3  }
0x9: {  	s9 =	simm.s32 $0x2;
	s5 =	smax.u32 s31, $0x1;
	s4 =	sadd.s32 s4, s6  }
0xa: {  	s6 =	sadd.s32 $0x2DD400, s7;
	s7 =	simm.s32 $0x3;
	s4 =	sadd.s32 $0x1E200, s4  }
.LBB2_1:
0xb: {  	[tilespmem:s2], [sflag:$0x3] =	stream.linear.gather [hbm4b:s4+s2], $0xC80, $0x38;
	[tilespmem:$0x19C80] =	vst v63  }
0xc: {  	_ =	swait.ge [sflag:s7], $0xC80  }
0xd: {  	[sflag:s7] =	ssyncset.done $0x0  }
0xe: {  	s11 =	simm.s32 $0xC80;
	[sflag:s7] =	ssyncadd.s32 $0xFFFFF380  }
0xf: {  	[tilespmem:s11], [sflag:$0x1] =	stream.indirect.gather [hbm4b:s3+s11], $0x20, s2, s11, $0xb8;
	[tilespmem:$0x19C80] =	vst v63  }
0x10: {  	_ =	swait.ge [sflag:s8], $0x19000  }
0x11: {  	[sflag:s8] =	ssyncset.done $0x0  }
0x12: {  	s12 =	simm.s32 $0x0;
	[sflag:s8] =	ssyncadd.s32 $0xFFFE7000  }
.LBB2_2:
0x13: {  	p0 =	sne.s32 s12, $0x3138  }
.Ltmp0:
0x14: {  	_ = 	snop;
	(pc) =	sbr.rel @p0 .LBB2_2-.Ltmp0, $4  }
0x15: {  	_ = 	snop  }
0x16: {  	s13 =	sadd.s32 s12, s6  }
0x17: {  	[hbm4b:s13+s2] =	stream.linear.scatter [tilespmem:s11], [sflag:$0x2], $0x640, $0x38;
	[tilespmem:$0x19C80] =	vst v63  }
0x18: {  	s12 =	sadd.s32 $0xC8, s12;
	s11 =	sadd.s32 $0x640, s11  }
0x19: {  	_ =	swait.ge [sflag:s9], $0x640  }
0x1a: {  	s11 =	simm.s32 $0x3F;
	[sflag:s9] =	ssyncset.done $0x0  }
.LBB2_4:
0x1b: {  	p0 =	sne.s32 s11, $0x1;
	s11 =	sadd.s32 $0xFFFFFFFF, s11;
	[sflag:s9] =	ssyncadd.s32 $0xFFFFF9C0  }
.Ltmp1:
0x1c: {  	(pc) =	sbr.rel @p0 .LBB2_4-.Ltmp1, $3  }
0x1d: {  	_ =	sdelay $0x1  }
0x1e: {  	_ =	swait.ge [sflag:s9], $0x640  }
0x1f: {  	[sflag:s9] =	ssyncset.done $0x0  }
0x20: {  	s10 =	sadd.s32 $0x1, s10  }
0x21: {  	p0 =	sne.s32 s10, s5  }
.Ltmp2:
0x22: {  	_ = 	snop;
	(pc) =	sbr.rel @p0 .LBB2_1-.Ltmp2, $2  }
0x23: {  	_ =	sdelay $0x2  }
0x24: {  	[sflag:s9] =	ssyncadd.s32 $0xFFFFF9C0  }
0x25: {  	_ =	sfence.sel $0x180000  }
0x26: {  	[bflag:$0x0] =	sbarrier.arrive $0xFFFF  }
0x27: {  	p0 =	sne.s32 s1, $0x0;
	_ =	strace $0x9000005F  }
0x28: {  	s0 =	sadd.s32 @!p0 $0x100000, s0;
	[bflag:$0x2] =	sbarrier.arrive $0xFFFF  }
0x29: {  	[sflag:s0] =	ssyncadd.tile.s32 @!p0 $0x1;
	_ =	shalt  }
.Lfunc_end2:
_tile_overlayer_lowered:
.L_overlay_start_2:
0x2a: {  	(tag) =	ssettag $0x2  }
0x2b: {  	s0 =	rddreg [dreg:$0x0];
	s2 =	stileid.u32  }
0x2c: {  	s1 =	rddreg [dreg:$0x1];
	p0 =	sne.s32 s2, $0x0  }
0x2d: {  	s3 =	rddreg [dreg:$0x2];
	[bflag:$0x3] =	sbarrier.arrive $0xFFFF;
	s2 =	simm.s32 @!p0 $0x1C03  }
0x2e: {  	[timem:s3], [sflag:s2] =	dma.local @!p0 [hbm:s0], s1  }
0x2f: {  	s0 =	simm.s32 @!p0 $0x3  }
0x30: {  	_ =	swait.ge @!p0 [sflag:s0], s1  }
0x31: {  	s1 =	ssub.s32 @!p0 $0x0, s1;
	[sflag:s0] =	ssyncset.done @!p0 $0x0  }
0x32: {  	[sflag:s0] =	ssyncadd.s32 @!p0 s1  }
0x33: {  	[bflag:$0x3] =	sbarrier.arrive $0xFFFF  }
0x34: {  	_ =	shalt  }

</sc_bundles>
